<compile_context>
chip_gen: v7x
topology: tpu7x:2x2x1
jax: 0.10.2.dev20260603
libtpu: 0.0.44.dev20260713+nightly
codegen_flags: <defaults>
</compile_context>

<pallas_src>
import functools

import jax
import jax.numpy as jnp
from jax import lax
from jax.experimental import pallas as pl
from jax.experimental.pallas import tpu as pltpu
from jax.experimental.pallas import tpu_sc as plsc

VOCAB = 100000
HIDDEN = 1024
NTOK = 16384

NC = 2
NS = 16
NW = NC * NS
BPW = NTOK // NW
CHUNK = 32
NCHUNK = BPW // CHUNK

_mesh = plsc.VectorSubcoreMesh(core_axis_name="c", subcore_axis_name="s")


@functools.partial(
    pl.kernel,
    out_type=jax.ShapeDtypeStruct((NTOK, HIDDEN), jnp.float32),
    mesh=_mesh,
    scratch_types=[
        pltpu.VMEM((NCHUNK, CHUNK), jnp.int32),
        pltpu.VMEM((3, CHUNK, HIDDEN), jnp.float32),
        pltpu.SemaphoreType.DMA((3,)),
        pltpu.SemaphoreType.DMA((3,)),
    ],
)
def _emb_lookup(x_hbm, table_hbm, out_hbm, idx_v, bufs, gsem, ssem):
    NBUF = 3
    wid = lax.axis_index("s") * NC + lax.axis_index("c")
    base = wid * BPW

    pltpu.sync_copy(x_hbm.at[wid], idx_v)

    def gather(g):
        return pltpu.async_copy(
            table_hbm.at[idx_v.at[g]], bufs.at[g % NBUF], gsem.at[g % NBUF])

    def scatter(g):
        return pltpu.async_copy(
            bufs.at[g % NBUF], out_hbm.at[pl.ds(base + g * CHUNK, CHUNK)],
            ssem.at[g % NBUF])

    copies_g = [None] * NCHUNK
    copies_s = [None] * NCHUNK
    for g in range(NBUF):
        copies_g[g] = gather(g)
    for g in range(NCHUNK):
        copies_g[g].wait()
        copies_s[g] = scatter(g)
        if g + NBUF < NCHUNK:
            copies_s[g].wait()
            copies_g[g + NBUF] = gather(g + NBUF)
    for g in range(NCHUNK - NBUF, NCHUNK):
        copies_s[g].wait()


def kernel(x, table):
    ids = x.reshape(NW, NCHUNK, CHUNK).astype(jnp.int32)
    out = _emb_lookup(ids, table)
    return out.reshape(x.shape[0], x.shape[1], HIDDEN)

# --- scband reference (transcript-rebuilt; emitter-appended) ---
"""Pipeline reference for scband-decoder-embedding-88776974008459 (READ-ONLY COPY).

The authoritative reference and input builder live on the scoring server;
editing this copy changes nothing except your own understanding.
"""

import jax, jax.numpy as jnp
import numpy as np

VOCAB = 100000
HIDDEN = 1024
BATCH = 4
SEQ = 4096


def setup_inputs(seed: int = 0) -> dict:
    key = jax.random.key(seed)
    k1, k2 = jax.random.split(key)
    x = jax.random.randint(k1, (BATCH, SEQ), 0, VOCAB)
    table = jax.random.normal(k2, (VOCAB, HIDDEN), dtype=jnp.float32) * 0.02
    return {"x": x, "table": table}


def reference(x, table):
    # nn.Embedding lookup: gather rows of the table by token id.
    out = jnp.take(table, x, axis=0)
    # Dropout is identity at inference time (eval mode), so no-op here.
    return out

if __name__ == "__main__":
    import jax
    _d = setup_inputs()
    print(jax.jit(kernel)(*tuple(_d.values())))

</pallas_src>

<mosaic_0001>
#map = affine_map<(d0, d1) -> (0, 0, 0)>
#map1 = affine_map<(d0, d1) -> (0, 0)>
module attributes {stable_mosaic.version = 14 : i64} {
  func.func @_emb_lookup(%arg0: i32, %arg1: i32, %arg2: memref<32x16x32xi32, #tpu.memory_space<hbm>>, %arg3: memref<100000x1024xf32, #tpu.memory_space<hbm>>, %arg4: memref<16384x1024xf32, #tpu.memory_space<hbm>>, %arg5: memref<16x32xi32, #tpu.memory_space<vmem>>, %arg6: memref<3x32x1024xf32, #tpu.memory_space<vmem>>, %arg7: memref<3x!tpu.dma_semaphore, #tpu.memory_space<semaphore_mem>>, %arg8: memref<3x!tpu.dma_semaphore, #tpu.memory_space<semaphore_mem>>) attributes {dimension_semantics = [#tpu.dimension_semantics<core_parallel>, #tpu.dimension_semantics<subcore_parallel>], iteration_bounds = array<i64: 2, 16>, scalar_prefetch = 0 : i64, scratch_operands = 4 : i64, tpu.core_type = #tpu.core_type<sc_vector_subcore>, window_params = [{transform_indices = #map}, {transform_indices = #map1}, {transform_indices = #map1}]} {
    %mul3A = arith.constant 2 : i32
    %mul3A_0 = arith.muli %arg1, %mul3A : i32
    %add3A = arith.addi %mul3A_0, %arg0 : i32
    %mul3A_1 = arith.constant 512 : i32
    %mul3A_2 = arith.muli %add3A, %mul3A_1 : i32
    "tpu.region"() ({
      %run_scoped3A = tpu.sem_alloc : memref<!tpu.dma_semaphore, #tpu.memory_space<semaphore_mem>>
      %dma_start3A_1025 = arith.constant 0 : i32
      %dma_start3A_1026 = arith.constant 0 : i32
      %dma_start3A_1027 = tpu.memref_slice %arg2[%add3A, %dma_start3A_1025, %dma_start3A_1026] : memref<32x16x32xi32, #tpu.memory_space<hbm>> -> memref<1x16x32xi32, #tpu.memory_space<hbm>>
      %dma_start3A_1028 = tpu.memref_squeeze %dma_start3A_1027 : memref<1x16x32xi32, #tpu.memory_space<hbm>> -> memref<16x32xi32, #tpu.memory_space<hbm>>
      %dma_start3A_1029 = arith.constant 0 : i32
      %dma_start3A_1030 = arith.constant 0 : i32
      %dma_start3A_1031 = tpu.memref_slice %arg2[%add3A, %dma_start3A_1029, %dma_start3A_1030] : memref<32x16x32xi32, #tpu.memory_space<hbm>> -> memref<1x16x32xi32, #tpu.memory_space<hbm>>
      %dma_start3A_1032 = tpu.memref_squeeze %dma_start3A_1031 : memref<1x16x32xi32, #tpu.memory_space<hbm>> -> memref<16x32xi32, #tpu.memory_space<hbm>>
      tpu.enqueue_dma source(%dma_start3A_1032 : memref<16x32xi32, #tpu.memory_space<hbm>>) target(%arg5 : memref<16x32xi32, #tpu.memory_space<vmem>>) target_semaphore(%run_scoped3A : memref<!tpu.dma_semaphore, #tpu.memory_space<semaphore_mem>>)
      %dma_wait3A_1033 = arith.constant 0 : i32
      %dma_wait3A_1034 = arith.constant 0 : i32
      %dma_wait3A_1035 = tpu.memref_slice %arg2[%add3A, %dma_wait3A_1033, %dma_wait3A_1034] : memref<32x16x32xi32, #tpu.memory_space<hbm>> -> memref<1x16x32xi32, #tpu.memory_space<hbm>>
      %dma_wait3A_1036 = tpu.memref_squeeze %dma_wait3A_1035 : memref<1x16x32xi32, #tpu.memory_space<hbm>> -> memref<16x32xi32, #tpu.memory_space<hbm>>
      %dma_wait3A_1037 = arith.constant 0 : i32
      %dma_wait3A_1038 = arith.constant 0 : i32
      %dma_wait3A_1039 = tpu.memref_slice %arg2[%add3A, %dma_wait3A_1037, %dma_wait3A_1038] : memref<32x16x32xi32, #tpu.memory_space<hbm>> -> memref<1x16x32xi32, #tpu.memory_space<hbm>>
      %dma_wait3A_1040 = tpu.memref_squeeze %dma_wait3A_1039 : memref<1x16x32xi32, #tpu.memory_space<hbm>> -> memref<16x32xi32, #tpu.memory_space<hbm>>
      tpu.wait_dma2 semaphore(%run_scoped3A : memref<!tpu.dma_semaphore, #tpu.memory_space<semaphore_mem>>) src(%dma_wait3A_1040 : memref<16x32xi32, #tpu.memory_space<hbm>>) dst(%arg5 : memref<16x32xi32, #tpu.memory_space<vmem>>)
      tpu.yield
    }) : () -> ()
    %dma_start3A = arith.constant 0 : i32
    %dma_start3A_3 = arith.constant 0 : i32
    %dma_start3A_4 = arith.constant 0 : i32
    %dma_start3A_5 = arith.constant 0 : i32
    %dma_start3A_6 = arith.constant 0 : i32
    %dma_start3A_7 = tpu.memref_slice %arg6[%dma_start3A_3, %dma_start3A_5, %dma_start3A_6] : memref<3x32x1024xf32, #tpu.memory_space<vmem>> -> memref<1x32x1024xf32, #tpu.memory_space<vmem>>
    %dma_start3A_8 = tpu.memref_squeeze %dma_start3A_7 : memref<1x32x1024xf32, #tpu.memory_space<vmem>> -> memref<32x1024xf32, #tpu.memory_space<vmem>>
    %dma_start3A_9 = arith.constant 0 : i32
    %dma_start3A_10 = tpu.memref_slice %arg5[%dma_start3A, %dma_start3A_9] : memref<16x32xi32, #tpu.memory_space<vmem>> -> memref<1x32xi32, #tpu.memory_space<vmem>>
    %dma_start3A_11 = tpu.memref_squeeze %dma_start3A_10 : memref<1x32xi32, #tpu.memory_space<vmem>> -> memref<32xi32, #tpu.memory_space<vmem>>
    %dma_start3A_12 = arith.constant 0 : i32
    %dma_start3A_13 = arith.constant 0 : i32
    %dma_start3A_14 = tpu.memref_slice %arg3[%dma_start3A_12, %dma_start3A_13] : memref<100000x1024xf32, #tpu.memory_space<hbm>> -> memref<100000x1024xf32, #tpu.memory_space<hbm>>
    %dma_start3A_15 = tpu.memref_slice %arg7[%dma_start3A_4] : memref<3x!tpu.dma_semaphore, #tpu.memory_space<semaphore_mem>> -> memref<1x!tpu.dma_semaphore, #tpu.memory_space<semaphore_mem>>
    %dma_start3A_16 = tpu.memref_squeeze %dma_start3A_15 : memref<1x!tpu.dma_semaphore, #tpu.memory_space<semaphore_mem>> -> memref<!tpu.dma_semaphore, #tpu.memory_space<semaphore_mem>>
    tpu.enqueue_indirect_dma source(%dma_start3A_14 : memref<100000x1024xf32, #tpu.memory_space<hbm>>) target(%dma_start3A_8 : memref<32x1024xf32, #tpu.memory_space<vmem>>) offsets(%dma_start3A_11 : memref<32xi32, #tpu.memory_space<vmem>>) semaphore(%dma_start3A_16 : memref<!tpu.dma_semaphore, #tpu.memory_space<semaphore_mem>>)
    %dma_start3A_17 = arith.constant 1 : i32
    %dma_start3A_18 = arith.constant 1 : i32
    %dma_start3A_19 = arith.constant 1 : i32
    %dma_start3A_20 = arith.constant 0 : i32
    %dma_start3A_21 = arith.constant 0 : i32
    %dma_start3A_22 = tpu.memref_slice %arg6[%dma_start3A_18, %dma_start3A_20, %dma_start3A_21] : memref<3x32x1024xf32, #tpu.memory_space<vmem>> -> memref<1x32x1024xf32, #tpu.memory_space<vmem>>
    %dma_start3A_23 = tpu.memref_squeeze %dma_start3A_22 : memref<1x32x1024xf32, #tpu.memory_space<vmem>> -> memref<32x1024xf32, #tpu.memory_space<vmem>>
    %dma_start3A_24 = arith.constant 0 : i32
    %dma_start3A_25 = tpu.memref_slice %arg5[%dma_start3A_17, %dma_start3A_24] : memref<16x32xi32, #tpu.memory_space<vmem>> -> memref<1x32xi32, #tpu.memory_space<vmem>>
    %dma_start3A_26 = tpu.memref_squeeze %dma_start3A_25 : memref<1x32xi32, #tpu.memory_space<vmem>> -> memref<32xi32, #tpu.memory_space<vmem>>
    %dma_start3A_27 = arith.constant 0 : i32
    %dma_start3A_28 = arith.constant 0 : i32
    %dma_start3A_29 = tpu.memref_slice %arg3[%dma_start3A_27, %dma_start3A_28] : memref<100000x1024xf32, #tpu.memory_space<hbm>> -> memref<100000x1024xf32, #tpu.memory_space<hbm>>
    %dma_start3A_30 = tpu.memref_slice %arg7[%dma_start3A_19] : memref<3x!tpu.dma_semaphore, #tpu.memory_space<semaphore_mem>> -> memref<1x!tpu.dma_semaphore, #tpu.memory_space<semaphore_mem>>
    %dma_start3A_31 = tpu.memref_squeeze %dma_start3A_30 : memref<1x!tpu.dma_semaphore, #tpu.memory_space<semaphore_mem>> -> memref<!tpu.dma_semaphore, #tpu.memory_space<semaphore_mem>>
    tpu.enqueue_indirect_dma source(%dma_start3A_29 : memref<100000x1024xf32, #tpu.memory_space<hbm>>) target(%dma_start3A_23 : memref<32x1024xf32, #tpu.memory_space<vmem>>) offsets(%dma_start3A_26 : memref<32xi32, #tpu.memory_space<vmem>>) semaphore(%dma_start3A_31 : memref<!tpu.dma_semaphore, #tpu.memory_space<semaphore_mem>>)
    %dma_start3A_32 = arith.constant 2 : i32
    %dma_start3A_33 = arith.constant 2 : i32
    %dma_start3A_34 = arith.constant 2 : i32
    %dma_start3A_35 = arith.constant 0 : i32
    %dma_start3A_36 = arith.constant 0 : i32
    %dma_start3A_37 = tpu.memref_slice %arg6[%dma_start3A_33, %dma_start3A_35, %dma_start3A_36] : memref<3x32x1024xf32, #tpu.memory_space<vmem>> -> memref<1x32x1024xf32, #tpu.memory_space<vmem>>
    %dma_start3A_38 = tpu.memref_squeeze %dma_start3A_37 : memref<1x32x1024xf32, #tpu.memory_space<vmem>> -> memref<32x1024xf32, #tpu.memory_space<vmem>>
    %dma_start3A_39 = arith.constant 0 : i32
    %dma_start3A_40 = tpu.memref_slice %arg5[%dma_start3A_32, %dma_start3A_39] : memref<16x32xi32, #tpu.memory_space<vmem>> -> memref<1x32xi32, #tpu.memory_space<vmem>>
    %dma_start3A_41 = tpu.memref_squeeze %dma_start3A_40 : memref<1x32xi32, #tpu.memory_space<vmem>> -> memref<32xi32, #tpu.memory_space<vmem>>
    %dma_start3A_42 = arith.constant 0 : i32
    %dma_start3A_43 = arith.constant 0 : i32
    %dma_start3A_44 = tpu.memref_slice %arg3[%dma_start3A_42, %dma_start3A_43] : memref<100000x1024xf32, #tpu.memory_space<hbm>> -> memref<100000x1024xf32, #tpu.memory_space<hbm>>
    %dma_start3A_45 = tpu.memref_slice %arg7[%dma_start3A_34] : memref<3x!tpu.dma_semaphore, #tpu.memory_space<semaphore_mem>> -> memref<1x!tpu.dma_semaphore, #tpu.memory_space<semaphore_mem>>
    %dma_start3A_46 = tpu.memref_squeeze %dma_start3A_45 : memref<1x!tpu.dma_semaphore, #tpu.memory_space<semaphore_mem>> -> memref<!tpu.dma_semaphore, #tpu.memory_space<semaphore_mem>>
    tpu.enqueue_indirect_dma source(%dma_start3A_44 : memref<100000x1024xf32, #tpu.memory_space<hbm>>) target(%dma_start3A_38 : memref<32x1024xf32, #tpu.memory_space<vmem>>) offsets(%dma_start3A_41 : memref<32xi32, #tpu.memory_space<vmem>>) semaphore(%dma_start3A_46 : memref<!tpu.dma_semaphore, #tpu.memory_space<semaphore_mem>>)
    %dma_wait3A = arith.constant 0 : i32
    %dma_wait3A_47 = arith.constant 0 : i32
    %dma_wait3A_48 = arith.constant 0 : i32
    %dma_wait3A_49 = arith.constant 0 : i32
    %dma_wait3A_50 = arith.constant 0 : i32
    %dma_wait3A_51 = tpu.memref_slice %arg6[%dma_wait3A_47, %dma_wait3A_49, %dma_wait3A_50] : memref<3x32x1024xf32, #tpu.memory_space<vmem>> -> memref<1x32x1024xf32, #tpu.memory_space<vmem>>
    %dma_wait3A_52 = tpu.memref_squeeze %dma_wait3A_51 : memref<1x32x1024xf32, #tpu.memory_space<vmem>> -> memref<32x1024xf32, #tpu.memory_space<vmem>>
    %dma_wait3A_53 = arith.constant 0 : i32
    %dma_wait3A_54 = tpu.memref_slice %arg5[%dma_wait3A, %dma_wait3A_53] : memref<16x32xi32, #tpu.memory_space<vmem>> -> memref<1x32xi32, #tpu.memory_space<vmem>>
    %dma_wait3A_55 = tpu.memref_squeeze %dma_wait3A_54 : memref<1x32xi32, #tpu.memory_space<vmem>> -> memref<32xi32, #tpu.memory_space<vmem>>
    %dma_wait3A_56 = arith.constant 0 : i32
    %dma_wait3A_57 = arith.constant 0 : i32
    %dma_wait3A_58 = tpu.memref_slice %arg3[%dma_wait3A_56, %dma_wait3A_57] : memref<100000x1024xf32, #tpu.memory_space<hbm>> -> memref<100000x1024xf32, #tpu.memory_space<hbm>>
    %dma_wait3A_59 = tpu.memref_slice %arg7[%dma_wait3A_48] : memref<3x!tpu.dma_semaphore, #tpu.memory_space<semaphore_mem>> -> memref<1x!tpu.dma_semaphore, #tpu.memory_space<semaphore_mem>>
    %dma_wait3A_60 = tpu.memref_squeeze %dma_wait3A_59 : memref<1x!tpu.dma_semaphore, #tpu.memory_space<semaphore_mem>> -> memref<!tpu.dma_semaphore, #tpu.memory_space<semaphore_mem>>
    tpu.wait_indirect_dma semaphore(%dma_wait3A_60 : memref<!tpu.dma_semaphore, #tpu.memory_space<semaphore_mem>>) src(%dma_wait3A_58 : memref<100000x1024xf32, #tpu.memory_space<hbm>>) dst(%dma_wait3A_52 : memref<32x1024xf32, #tpu.memory_space<vmem>>)
    %add3A_61 = arith.constant 0 : i32
    %add3A_62 = arith.addi %mul3A_2, %add3A_61 : i32
    %dma_start3A_63 = arith.constant 0 : i32
    %dma_start3A_64 = arith.constant 0 : i32
    %dma_start3A_65 = arith.constant 0 : i32
    %dma_start3A_66 = arith.constant 0 : i32
    %dma_start3A_67 = tpu.memref_slice %arg6[%dma_start3A_63, %dma_start3A_65, %dma_start3A_66] : memref<3x32x1024xf32, #tpu.memory_space<vmem>> -> memref<1x32x1024xf32, #tpu.memory_space<vmem>>
    %dma_start3A_68 = tpu.memref_squeeze %dma_start3A_67 : memref<1x32x1024xf32, #tpu.memory_space<vmem>> -> memref<32x1024xf32, #tpu.memory_space<vmem>>
    %dma_start3A_69 = arith.constant 0 : i32
    %dma_start3A_70 = tpu.memref_slice %arg4[%add3A_62, %dma_start3A_69] : memref<16384x1024xf32, #tpu.memory_space<hbm>> -> memref<32x1024xf32, #tpu.memory_space<hbm>>
    %dma_start3A_71 = tpu.memref_slice %arg8[%dma_start3A_64] : memref<3x!tpu.dma_semaphore, #tpu.memory_space<semaphore_mem>> -> memref<1x!tpu.dma_semaphore, #tpu.memory_space<semaphore_mem>>
    %dma_start3A_72 = tpu.memref_squeeze %dma_start3A_71 : memref<1x!tpu.dma_semaphore, #tpu.memory_space<semaphore_mem>> -> memref<!tpu.dma_semaphore, #tpu.memory_space<semaphore_mem>>
    %dma_start3A_73 = arith.constant 0 : i32
    %dma_start3A_74 = tpu.memref_slice %arg4[%add3A_62, %dma_start3A_73] : memref<16384x1024xf32, #tpu.memory_space<hbm>> -> memref<32x1024xf32, #tpu.memory_space<hbm>>
    %dma_start3A_75 = arith.constant 0 : i32
    %dma_start3A_76 = arith.constant 0 : i32
    %dma_start3A_77 = tpu.memref_slice %arg6[%dma_start3A_63, %dma_start3A_75, %dma_start3A_76] : memref<3x32x1024xf32, #tpu.memory_space<vmem>> -> memref<1x32x1024xf32, #tpu.memory_space<vmem>>
    %dma_start3A_78 = tpu.memref_squeeze %dma_start3A_77 : memref<1x32x1024xf32, #tpu.memory_space<vmem>> -> memref<32x1024xf32, #tpu.memory_space<vmem>>
    tpu.enqueue_dma source(%dma_start3A_78 : memref<32x1024xf32, #tpu.memory_space<vmem>>) target(%dma_start3A_74 : memref<32x1024xf32, #tpu.memory_space<hbm>>) target_semaphore(%dma_start3A_72 : memref<!tpu.dma_semaphore, #tpu.memory_space<semaphore_mem>>)
    %dma_wait3A_79 = arith.constant 0 : i32
    %dma_wait3A_80 = arith.constant 0 : i32
    %dma_wait3A_81 = arith.constant 0 : i32
    %dma_wait3A_82 = arith.constant 0 : i32
    %dma_wait3A_83 = tpu.memref_slice %arg6[%dma_wait3A_79, %dma_wait3A_81, %dma_wait3A_82] : memref<3x32x1024xf32, #tpu.memory_space<vmem>> -> memref<1x32x1024xf32, #tpu.memory_space<vmem>>
    %dma_wait3A_84 = tpu.memref_squeeze %dma_wait3A_83 : memref<1x32x1024xf32, #tpu.memory_space<vmem>> -> memref<32x1024xf32, #tpu.memory_space<vmem>>
    %dma_wait3A_85 = arith.constant 0 : i32
    %dma_wait3A_86 = tpu.memref_slice %arg4[%add3A_62, %dma_wait3A_85] : memref<16384x1024xf32, #tpu.memory_space<hbm>> -> memref<32x1024xf32, #tpu.memory_space<hbm>>
    %dma_wait3A_87 = tpu.memref_slice %arg8[%dma_wait3A_80] : memref<3x!tpu.dma_semaphore, #tpu.memory_space<semaphore_mem>> -> memref<1x!tpu.dma_semaphore, #tpu.memory_space<semaphore_mem>>
    %dma_wait3A_88 = tpu.memref_squeeze %dma_wait3A_87 : memref<1x!tpu.dma_semaphore, #tpu.memory_space<semaphore_mem>> -> memref<!tpu.dma_semaphore, #tpu.memory_space<semaphore_mem>>
    %dma_wait3A_89 = arith.constant 0 : i32
    %dma_wait3A_90 = tpu.memref_slice %arg4[%add3A_62, %dma_wait3A_89] : memref<16384x1024xf32, #tpu.memory_space<hbm>> -> memref<32x1024xf32, #tpu.memory_space<hbm>>
    %dma_wait3A_91 = arith.constant 0 : i32
    %dma_wait3A_92 = arith.constant 0 : i32
    %dma_wait3A_93 = tpu.memref_slice %arg6[%dma_wait3A_79, %dma_wait3A_91, %dma_wait3A_92] : memref<3x32x1024xf32, #tpu.memory_space<vmem>> -> memref<1x32x1024xf32, #tpu.memory_space<vmem>>
    %dma_wait3A_94 = tpu.memref_squeeze %dma_wait3A_93 : memref<1x32x1024xf32, #tpu.memory_space<vmem>> -> memref<32x1024xf32, #tpu.memory_space<vmem>>
    tpu.wait_dma2 semaphore(%dma_wait3A_88 : memref<!tpu.dma_semaphore, #tpu.memory_space<semaphore_mem>>) src(%dma_wait3A_94 : memref<32x1024xf32, #tpu.memory_space<vmem>>) dst(%dma_wait3A_90 : memref<32x1024xf32, #tpu.memory_space<hbm>>)
    %dma_start3A_95 = arith.constant 3 : i32
    %dma_start3A_96 = arith.constant 0 : i32
    %dma_start3A_97 = arith.constant 0 : i32
    %dma_start3A_98 = arith.constant 0 : i32
    %dma_start3A_99 = arith.constant 0 : i32
    %dma_start3A_100 = tpu.memref_slice %arg6[%dma_start3A_96, %dma_start3A_98, %dma_start3A_99] : memref<3x32x1024xf32, #tpu.memory_space<vmem>> -> memref<1x32x1024xf32, #tpu.memory_space<vmem>>
    %dma_start3A_101 = tpu.memref_squeeze %dma_start3A_100 : memref<1x32x1024xf32, #tpu.memory_space<vmem>> -> memref<32x1024xf32, #tpu.memory_space<vmem>>
    %dma_start3A_102 = arith.constant 0 : i32
    %dma_start3A_103 = tpu.memref_slice %arg5[%dma_start3A_95, %dma_start3A_102] : memref<16x32xi32, #tpu.memory_space<vmem>> -> memref<1x32xi32, #tpu.memory_space<vmem>>
    %dma_start3A_104 = tpu.memref_squeeze %dma_start3A_103 : memref<1x32xi32, #tpu.memory_space<vmem>> -> memref<32xi32, #tpu.memory_space<vmem>>
    %dma_start3A_105 = arith.constant 0 : i32
    %dma_start3A_106 = arith.constant 0 : i32
    %dma_start3A_107 = tpu.memref_slice %arg3[%dma_start3A_105, %dma_start3A_106] : memref<100000x1024xf32, #tpu.memory_space<hbm>> -> memref<100000x1024xf32, #tpu.memory_space<hbm>>
    %dma_start3A_108 = tpu.memref_slice %arg7[%dma_start3A_97] : memref<3x!tpu.dma_semaphore, #tpu.memory_space<semaphore_mem>> -> memref<1x!tpu.dma_semaphore, #tpu.memory_space<semaphore_mem>>
    %dma_start3A_109 = tpu.memref_squeeze %dma_start3A_108 : memref<1x!tpu.dma_semaphore, #tpu.memory_space<semaphore_mem>> -> memref<!tpu.dma_semaphore, #tpu.memory_space<semaphore_mem>>
    tpu.enqueue_indirect_dma source(%dma_start3A_107 : memref<100000x1024xf32, #tpu.memory_space<hbm>>) target(%dma_start3A_101 : memref<32x1024xf32, #tpu.memory_space<vmem>>) offsets(%dma_start3A_104 : memref<32xi32, #tpu.memory_space<vmem>>) semaphore(%dma_start3A_109 : memref<!tpu.dma_semaphore, #tpu.memory_space<semaphore_mem>>)
    %dma_wait3A_110 = arith.constant 1 : i32
    %dma_wait3A_111 = arith.constant 1 : i32
    %dma_wait3A_112 = arith.constant 1 : i32
    %dma_wait3A_113 = arith.constant 0 : i32
    %dma_wait3A_114 = arith.constant 0 : i32
    %dma_wait3A_115 = tpu.memref_slice %arg6[%dma_wait3A_111, %dma_wait3A_113, %dma_wait3A_114] : memref<3x32x1024xf32, #tpu.memory_space<vmem>> -> memref<1x32x1024xf32, #tpu.memory_space<vmem>>
    %dma_wait3A_116 = tpu.memref_squeeze %dma_wait3A_115 : memref<1x32x1024xf32, #tpu.memory_space<vmem>> -> memref<32x1024xf32, #tpu.memory_space<vmem>>
    %dma_wait3A_117 = arith.constant 0 : i32
    %dma_wait3A_118 = tpu.memref_slice %arg5[%dma_wait3A_110, %dma_wait3A_117] : memref<16x32xi32, #tpu.memory_space<vmem>> -> memref<1x32xi32, #tpu.memory_space<vmem>>
    %dma_wait3A_119 = tpu.memref_squeeze %dma_wait3A_118 : memref<1x32xi32, #tpu.memory_space<vmem>> -> memref<32xi32, #tpu.memory_space<vmem>>
    %dma_wait3A_120 = arith.constant 0 : i32
    %dma_wait3A_121 = arith.constant 0 : i32
    %dma_wait3A_122 = tpu.memref_slice %arg3[%dma_wait3A_120, %dma_wait3A_121] : memref<100000x1024xf32, #tpu.memory_space<hbm>> -> memref<100000x1024xf32, #tpu.memory_space<hbm>>
    %dma_wait3A_123 = tpu.memref_slice %arg7[%dma_wait3A_112] : memref<3x!tpu.dma_semaphore, #tpu.memory_space<semaphore_mem>> -> memref<1x!tpu.dma_semaphore, #tpu.memory_space<semaphore_mem>>
    %dma_wait3A_124 = tpu.memref_squeeze %dma_wait3A_123 : memref<1x!tpu.dma_semaphore, #tpu.memory_space<semaphore_mem>> -> memref<!tpu.dma_semaphore, #tpu.memory_space<semaphore_mem>>
    tpu.wait_indirect_dma semaphore(%dma_wait3A_124 : memref<!tpu.dma_semaphore, #tpu.memory_space<semaphore_mem>>) src(%dma_wait3A_122 : memref<100000x1024xf32, #tpu.memory_space<hbm>>) dst(%dma_wait3A_116 : memref<32x1024xf32, #tpu.memory_space<vmem>>)
    %add3A_125 = arith.constant 32 : i32
    %add3A_126 = arith.addi %mul3A_2, %add3A_125 : i32
    %dma_start3A_127 = arith.constant 1 : i32
    %dma_start3A_128 = arith.constant 1 : i32
    %dma_start3A_129 = arith.constant 0 : i32
    %dma_start3A_130 = arith.constant 0 : i32
    %dma_start3A_131 = tpu.memref_slice %arg6[%dma_start3A_127, %dma_start3A_129, %dma_start3A_130] : memref<3x32x1024xf32, #tpu.memory_space<vmem>> -> memref<1x32x1024xf32, #tpu.memory_space<vmem>>
    %dma_start3A_132 = tpu.memref_squeeze %dma_start3A_131 : memref<1x32x1024xf32, #tpu.memory_space<vmem>> -> memref<32x1024xf32, #tpu.memory_space<vmem>>
    %dma_start3A_133 = arith.constant 0 : i32
    %dma_start3A_134 = tpu.memref_slice %arg4[%add3A_126, %dma_start3A_133] : memref<16384x1024xf32, #tpu.memory_space<hbm>> -> memref<32x1024xf32, #tpu.memory_space<hbm>>
    %dma_start3A_135 = tpu.memref_slice %arg8[%dma_start3A_128] : memref<3x!tpu.dma_semaphore, #tpu.memory_space<semaphore_mem>> -> memref<1x!tpu.dma_semaphore, #tpu.memory_space<semaphore_mem>>
    %dma_start3A_136 = tpu.memref_squeeze %dma_start3A_135 : memref<1x!tpu.dma_semaphore, #tpu.memory_space<semaphore_mem>> -> memref<!tpu.dma_semaphore, #tpu.memory_space<semaphore_mem>>
    %dma_start3A_137 = arith.constant 0 : i32
    %dma_start3A_138 = tpu.memref_slice %arg4[%add3A_126, %dma_start3A_137] : memref<16384x1024xf32, #tpu.memory_space<hbm>> -> memref<32x1024xf32, #tpu.memory_space<hbm>>
    %dma_start3A_139 = arith.constant 0 : i32
    %dma_start3A_140 = arith.constant 0 : i32
    %dma_start3A_141 = tpu.memref_slice %arg6[%dma_start3A_127, %dma_start3A_139, %dma_start3A_140] : memref<3x32x1024xf32, #tpu.memory_space<vmem>> -> memref<1x32x1024xf32, #tpu.memory_space<vmem>>
    %dma_start3A_142 = tpu.memref_squeeze %dma_start3A_141 : memref<1x32x1024xf32, #tpu.memory_space<vmem>> -> memref<32x1024xf32, #tpu.memory_space<vmem>>
    tpu.enqueue_dma source(%dma_start3A_142 : memref<32x1024xf32, #tpu.memory_space<vmem>>) target(%dma_start3A_138 : memref<32x1024xf32, #tpu.memory_space<hbm>>) target_semaphore(%dma_start3A_136 : memref<!tpu.dma_semaphore, #tpu.memory_space<semaphore_mem>>)
    %dma_wait3A_143 = arith.constant 1 : i32
    %dma_wait3A_144 = arith.constant 1 : i32
    %dma_wait3A_145 = arith.constant 0 : i32
    %dma_wait3A_146 = arith.constant 0 : i32
    %dma_wait3A_147 = tpu.memref_slice %arg6[%dma_wait3A_143, %dma_wait3A_145, %dma_wait3A_146] : memref<3x32x1024xf32, #tpu.memory_space<vmem>> -> memref<1x32x1024xf32, #tpu.memory_space<vmem>>
    %dma_wait3A_148 = tpu.memref_squeeze %dma_wait3A_147 : memref<1x32x1024xf32, #tpu.memory_space<vmem>> -> memref<32x1024xf32, #tpu.memory_space<vmem>>
    %dma_wait3A_149 = arith.constant 0 : i32
    %dma_wait3A_150 = tpu.memref_slice %arg4[%add3A_126, %dma_wait3A_149] : memref<16384x1024xf32, #tpu.memory_space<hbm>> -> memref<32x1024xf32, #tpu.memory_space<hbm>>
    %dma_wait3A_151 = tpu.memref_slice %arg8[%dma_wait3A_144] : memref<3x!tpu.dma_semaphore, #tpu.memory_space<semaphore_mem>> -> memref<1x!tpu.dma_semaphore, #tpu.memory_space<semaphore_mem>>
    %dma_wait3A_152 = tpu.memref_squeeze %dma_wait3A_151 : memref<1x!tpu.dma_semaphore, #tpu.memory_space<semaphore_mem>> -> memref<!tpu.dma_semaphore, #tpu.memory_space<semaphore_mem>>
    %dma_wait3A_153 = arith.constant 0 : i32
    %dma_wait3A_154 = tpu.memref_slice %arg4[%add3A_126, %dma_wait3A_153] : memref<16384x1024xf32, #tpu.memory_space<hbm>> -> memref<32x1024xf32, #tpu.memory_space<hbm>>
    %dma_wait3A_155 = arith.constant 0 : i32
    %dma_wait3A_156 = arith.constant 0 : i32
    %dma_wait3A_157 = tpu.memref_slice %arg6[%dma_wait3A_143, %dma_wait3A_155, %dma_wait3A_156] : memref<3x32x1024xf32, #tpu.memory_space<vmem>> -> memref<1x32x1024xf32, #tpu.memory_space<vmem>>
    %dma_wait3A_158 = tpu.memref_squeeze %dma_wait3A_157 : memref<1x32x1024xf32, #tpu.memory_space<vmem>> -> memref<32x1024xf32, #tpu.memory_space<vmem>>
    tpu.wait_dma2 semaphore(%dma_wait3A_152 : memref<!tpu.dma_semaphore, #tpu.memory_space<semaphore_mem>>) src(%dma_wait3A_158 : memref<32x1024xf32, #tpu.memory_space<vmem>>) dst(%dma_wait3A_154 : memref<32x1024xf32, #tpu.memory_space<hbm>>)
    %dma_start3A_159 = arith.constant 4 : i32
    %dma_start3A_160 = arith.constant 1 : i32
    %dma_start3A_161 = arith.constant 1 : i32
    %dma_start3A_162 = arith.constant 0 : i32
    %dma_start3A_163 = arith.constant 0 : i32
    %dma_start3A_164 = tpu.memref_slice %arg6[%dma_start3A_160, %dma_start3A_162, %dma_start3A_163] : memref<3x32x1024xf32, #tpu.memory_space<vmem>> -> memref<1x32x1024xf32, #tpu.memory_space<vmem>>
    %dma_start3A_165 = tpu.memref_squeeze %dma_start3A_164 : memref<1x32x1024xf32, #tpu.memory_space<vmem>> -> memref<32x1024xf32, #tpu.memory_space<vmem>>
    %dma_start3A_166 = arith.constant 0 : i32
    %dma_start3A_167 = tpu.memref_slice %arg5[%dma_start3A_159, %dma_start3A_166] : memref<16x32xi32, #tpu.memory_space<vmem>> -> memref<1x32xi32, #tpu.memory_space<vmem>>
    %dma_start3A_168 = tpu.memref_squeeze %dma_start3A_167 : memref<1x32xi32, #tpu.memory_space<vmem>> -> memref<32xi32, #tpu.memory_space<vmem>>
    %dma_start3A_169 = arith.constant 0 : i32
    %dma_start3A_170 = arith.constant 0 : i32
    %dma_start3A_171 = tpu.memref_slice %arg3[%dma_start3A_169, %dma_start3A_170] : memref<100000x1024xf32, #tpu.memory_space<hbm>> -> memref<100000x1024xf32, #tpu.memory_space<hbm>>
    %dma_start3A_172 = tpu.memref_slice %arg7[%dma_start3A_161] : memref<3x!tpu.dma_semaphore, #tpu.memory_space<semaphore_mem>> -> memref<1x!tpu.dma_semaphore, #tpu.memory_space<semaphore_mem>>
    %dma_start3A_173 = tpu.memref_squeeze %dma_start3A_172 : memref<1x!tpu.dma_semaphore, #tpu.memory_space<semaphore_mem>> -> memref<!tpu.dma_semaphore, #tpu.memory_space<semaphore_mem>>
    tpu.enqueue_indirect_dma source(%dma_start3A_171 : memref<100000x1024xf32, #tpu.memory_space<hbm>>) target(%dma_start3A_165 : memref<32x1024xf32, #tpu.memory_space<vmem>>) offsets(%dma_start3A_168 : memref<32xi32, #tpu.memory_space<vmem>>) semaphore(%dma_start3A_173 : memref<!tpu.dma_semaphore, #tpu.memory_space<semaphore_mem>>)
    %dma_wait3A_174 = arith.constant 2 : i32
    %dma_wait3A_175 = arith.constant 2 : i32
    %dma_wait3A_176 = arith.constant 2 : i32
    %dma_wait3A_177 = arith.constant 0 : i32
    %dma_wait3A_178 = arith.constant 0 : i32
    %dma_wait3A_179 = tpu.memref_slice %arg6[%dma_wait3A_175, %dma_wait3A_177, %dma_wait3A_178] : memref<3x32x1024xf32, #tpu.memory_space<vmem>> -> memref<1x32x1024xf32, #tpu.memory_space<vmem>>
    %dma_wait3A_180 = tpu.memref_squeeze %dma_wait3A_179 : memref<1x32x1024xf32, #tpu.memory_space<vmem>> -> memref<32x1024xf32, #tpu.memory_space<vmem>>
    %dma_wait3A_181 = arith.constant 0 : i32
    %dma_wait3A_182 = tpu.memref_slice %arg5[%dma_wait3A_174, %dma_wait3A_181] : memref<16x32xi32, #tpu.memory_space<vmem>> -> memref<1x32xi32, #tpu.memory_space<vmem>>
    %dma_wait3A_183 = tpu.memref_squeeze %dma_wait3A_182 : memref<1x32xi32, #tpu.memory_space<vmem>> -> memref<32xi32, #tpu.memory_space<vmem>>
    %dma_wait3A_184 = arith.constant 0 : i32
    %dma_wait3A_185 = arith.constant 0 : i32
    %dma_wait3A_186 = tpu.memref_slice %arg3[%dma_wait3A_184, %dma_wait3A_185] : memref<100000x1024xf32, #tpu.memory_space<hbm>> -> memref<100000x1024xf32, #tpu.memory_space<hbm>>
    %dma_wait3A_187 = tpu.memref_slice %arg7[%dma_wait3A_176] : memref<3x!tpu.dma_semaphore, #tpu.memory_space<semaphore_mem>> -> memref<1x!tpu.dma_semaphore, #tpu.memory_space<semaphore_mem>>
    %dma_wait3A_188 = tpu.memref_squeeze %dma_wait3A_187 : memref<1x!tpu.dma_semaphore, #tpu.memory_space<semaphore_mem>> -> memref<!tpu.dma_semaphore, #tpu.memory_space<semaphore_mem>>
    tpu.wait_indirect_dma semaphore(%dma_wait3A_188 : memref<!tpu.dma_semaphore, #tpu.memory_space<semaphore_mem>>) src(%dma_wait3A_186 : memref<100000x1024xf32, #tpu.memory_space<hbm>>) dst(%dma_wait3A_180 : memref<32x1024xf32, #tpu.memory_space<vmem>>)
    %add3A_189 = arith.constant 64 : i32
    %add3A_190 = arith.addi %mul3A_2, %add3A_189 : i32
    %dma_start3A_191 = arith.constant 2 : i32
    %dma_start3A_192 = arith.constant 2 : i32
    %dma_start3A_193 = arith.constant 0 : i32
    %dma_start3A_194 = arith.constant 0 : i32
    %dma_start3A_195 = tpu.memref_slice %arg6[%dma_start3A_191, %dma_start3A_193, %dma_start3A_194] : memref<3x32x1024xf32, #tpu.memory_space<vmem>> -> memref<1x32x1024xf32, #tpu.memory_space<vmem>>
    %dma_start3A_196 = tpu.memref_squeeze %dma_start3A_195 : memref<1x32x1024xf32, #tpu.memory_space<vmem>> -> memref<32x1024xf32, #tpu.memory_space<vmem>>
    %dma_start3A_197 = arith.constant 0 : i32
    %dma_start3A_198 = tpu.memref_slice %arg4[%add3A_190, %dma_start3A_197] : memref<16384x1024xf32, #tpu.memory_space<hbm>> -> memref<32x1024xf32, #tpu.memory_space<hbm>>
    %dma_start3A_199 = tpu.memref_slice %arg8[%dma_start3A_192] : memref<3x!tpu.dma_semaphore, #tpu.memory_space<semaphore_mem>> -> memref<1x!tpu.dma_semaphore, #tpu.memory_space<semaphore_mem>>
    %dma_start3A_200 = tpu.memref_squeeze %dma_start3A_199 : memref<1x!tpu.dma_semaphore, #tpu.memory_space<semaphore_mem>> -> memref<!tpu.dma_semaphore, #tpu.memory_space<semaphore_mem>>
    %dma_start3A_201 = arith.constant 0 : i32
    %dma_start3A_202 = tpu.memref_slice %arg4[%add3A_190, %dma_start3A_201] : memref<16384x1024xf32, #tpu.memory_space<hbm>> -> memref<32x1024xf32, #tpu.memory_space<hbm>>
    %dma_start3A_203 = arith.constant 0 : i32
    %dma_start3A_204 = arith.constant 0 : i32
    %dma_start3A_205 = tpu.memref_slice %arg6[%dma_start3A_191, %dma_start3A_203, %dma_start3A_204] : memref<3x32x1024xf32, #tpu.memory_space<vmem>> -> memref<1x32x1024xf32, #tpu.memory_space<vmem>>
    %dma_start3A_206 = tpu.memref_squeeze %dma_start3A_205 : memref<1x32x1024xf32, #tpu.memory_space<vmem>> -> memref<32x1024xf32, #tpu.memory_space<vmem>>
    tpu.enqueue_dma source(%dma_start3A_206 : memref<32x1024xf32, #tpu.memory_space<vmem>>) target(%dma_start3A_202 : memref<32x1024xf32, #tpu.memory_space<hbm>>) target_semaphore(%dma_start3A_200 : memref<!tpu.dma_semaphore, #tpu.memory_space<semaphore_mem>>)
    %dma_wait3A_207 = arith.constant 2 : i32
    %dma_wait3A_208 = arith.constant 2 : i32
    %dma_wait3A_209 = arith.constant 0 : i32
    %dma_wait3A_210 = arith.constant 0 : i32
    %dma_wait3A_211 = tpu.memref_slice %arg6[%dma_wait3A_207, %dma_wait3A_209, %dma_wait3A_210] : memref<3x32x1024xf32, #tpu.memory_space<vmem>> -> memref<1x32x1024xf32, #tpu.memory_space<vmem>>
    %dma_wait3A_212 = tpu.memref_squeeze %dma_wait3A_211 : memref<1x32x1024xf32, #tpu.memory_space<vmem>> -> memref<32x1024xf32, #tpu.memory_space<vmem>>
    %dma_wait3A_213 = arith.constant 0 : i32
    %dma_wait3A_214 = tpu.memref_slice %arg4[%add3A_190, %dma_wait3A_213] : memref<16384x1024xf32, #tpu.memory_space<hbm>> -> memref<32x1024xf32, #tpu.memory_space<hbm>>
    %dma_wait3A_215 = tpu.memref_slice %arg8[%dma_wait3A_208] : memref<3x!tpu.dma_semaphore, #tpu.memory_space<semaphore_mem>> -> memref<1x!tpu.dma_semaphore, #tpu.memory_space<semaphore_mem>>
    %dma_wait3A_216 = tpu.memref_squeeze %dma_wait3A_215 : memref<1x!tpu.dma_semaphore, #tpu.memory_space<semaphore_mem>> -> memref<!tpu.dma_semaphore, #tpu.memory_space<semaphore_mem>>
    %dma_wait3A_217 = arith.constant 0 : i32
    %dma_wait3A_218 = tpu.memref_slice %arg4[%add3A_190, %dma_wait3A_217] : memref<16384x1024xf32, #tpu.memory_space<hbm>> -> memref<32x1024xf32, #tpu.memory_space<hbm>>
    %dma_wait3A_219 = arith.constant 0 : i32
    %dma_wait3A_220 = arith.constant 0 : i32
    %dma_wait3A_221 = tpu.memref_slice %arg6[%dma_wait3A_207, %dma_wait3A_219, %dma_wait3A_220] : memref<3x32x1024xf32, #tpu.memory_space<vmem>> -> memref<1x32x1024xf32, #tpu.memory_space<vmem>>
    %dma_wait3A_222 = tpu.memref_squeeze %dma_wait3A_221 : memref<1x32x1024xf32, #tpu.memory_space<vmem>> -> memref<32x1024xf32, #tpu.memory_space<vmem>>
    tpu.wait_dma2 semaphore(%dma_wait3A_216 : memref<!tpu.dma_semaphore, #tpu.memory_space<semaphore_mem>>) src(%dma_wait3A_222 : memref<32x1024xf32, #tpu.memory_space<vmem>>) dst(%dma_wait3A_218 : memref<32x1024xf32, #tpu.memory_space<hbm>>)
    %dma_start3A_223 = arith.constant 5 : i32
    %dma_start3A_224 = arith.constant 2 : i32
    %dma_start3A_225 = arith.constant 2 : i32
    %dma_start3A_226 = arith.constant 0 : i32
    %dma_start3A_227 = arith.constant 0 : i32
    %dma_start3A_228 = tpu.memref_slice %arg6[%dma_start3A_224, %dma_start3A_226, %dma_start3A_227] : memref<3x32x1024xf32, #tpu.memory_space<vmem>> -> memref<1x32x1024xf32, #tpu.memory_space<vmem>>
    %dma_start3A_229 = tpu.memref_squeeze %dma_start3A_228 : memref<1x32x1024xf32, #tpu.memory_space<vmem>> -> memref<32x1024xf32, #tpu.memory_space<vmem>>
    %dma_start3A_230 = arith.constant 0 : i32
    %dma_start3A_231 = tpu.memref_slice %arg5[%dma_start3A_223, %dma_start3A_230] : memref<16x32xi32, #tpu.memory_space<vmem>> -> memref<1x32xi32, #tpu.memory_space<vmem>>
    %dma_start3A_232 = tpu.memref_squeeze %dma_start3A_231 : memref<1x32xi32, #tpu.memory_space<vmem>> -> memref<32xi32, #tpu.memory_space<vmem>>
    %dma_start3A_233 = arith.constant 0 : i32
    %dma_start3A_234 = arith.constant 0 : i32
    %dma_start3A_235 = tpu.memref_slice %arg3[%dma_start3A_233, %dma_start3A_234] : memref<100000x1024xf32, #tpu.memory_space<hbm>> -> memref<100000x1024xf32, #tpu.memory_space<hbm>>
    %dma_start3A_236 = tpu.memref_slice %arg7[%dma_start3A_225] : memref<3x!tpu.dma_semaphore, #tpu.memory_space<semaphore_mem>> -> memref<1x!tpu.dma_semaphore, #tpu.memory_space<semaphore_mem>>
    %dma_start3A_237 = tpu.memref_squeeze %dma_start3A_236 : memref<1x!tpu.dma_semaphore, #tpu.memory_space<semaphore_mem>> -> memref<!tpu.dma_semaphore, #tpu.memory_space<semaphore_mem>>
    tpu.enqueue_indirect_dma source(%dma_start3A_235 : memref<100000x1024xf32, #tpu.memory_space<hbm>>) target(%dma_start3A_229 : memref<32x1024xf32, #tpu.memory_space<vmem>>) offsets(%dma_start3A_232 : memref<32xi32, #tpu.memory_space<vmem>>) semaphore(%dma_start3A_237 : memref<!tpu.dma_semaphore, #tpu.memory_space<semaphore_mem>>)
    %dma_wait3A_238 = arith.constant 3 : i32
    %dma_wait3A_239 = arith.constant 0 : i32
    %dma_wait3A_240 = arith.constant 0 : i32
    %dma_wait3A_241 = arith.constant 0 : i32
    %dma_wait3A_242 = arith.constant 0 : i32
    %dma_wait3A_243 = tpu.memref_slice %arg6[%dma_wait3A_239, %dma_wait3A_241, %dma_wait3A_242] : memref<3x32x1024xf32, #tpu.memory_space<vmem>> -> memref<1x32x1024xf32, #tpu.memory_space<vmem>>
    %dma_wait3A_244 = tpu.memref_squeeze %dma_wait3A_243 : memref<1x32x1024xf32, #tpu.memory_space<vmem>> -> memref<32x1024xf32, #tpu.memory_space<vmem>>
    %dma_wait3A_245 = arith.constant 0 : i32
    %dma_wait3A_246 = tpu.memref_slice %arg5[%dma_wait3A_238, %dma_wait3A_245] : memref<16x32xi32, #tpu.memory_space<vmem>> -> memref<1x32xi32, #tpu.memory_space<vmem>>
    %dma_wait3A_247 = tpu.memref_squeeze %dma_wait3A_246 : memref<1x32xi32, #tpu.memory_space<vmem>> -> memref<32xi32, #tpu.memory_space<vmem>>
    %dma_wait3A_248 = arith.constant 0 : i32
    %dma_wait3A_249 = arith.constant 0 : i32
    %dma_wait3A_250 = tpu.memref_slice %arg3[%dma_wait3A_248, %dma_wait3A_249] : memref<100000x1024xf32, #tpu.memory_space<hbm>> -> memref<100000x1024xf32, #tpu.memory_space<hbm>>
    %dma_wait3A_251 = tpu.memref_slice %arg7[%dma_wait3A_240] : memref<3x!tpu.dma_semaphore, #tpu.memory_space<semaphore_mem>> -> memref<1x!tpu.dma_semaphore, #tpu.memory_space<semaphore_mem>>
    %dma_wait3A_252 = tpu.memref_squeeze %dma_wait3A_251 : memref<1x!tpu.dma_semaphore, #tpu.memory_space<semaphore_mem>> -> memref<!tpu.dma_semaphore, #tpu.memory_space<semaphore_mem>>
    tpu.wait_indirect_dma semaphore(%dma_wait3A_252 : memref<!tpu.dma_semaphore, #tpu.memory_space<semaphore_mem>>) src(%dma_wait3A_250 : memref<100000x1024xf32, #tpu.memory_space<hbm>>) dst(%dma_wait3A_244 : memref<32x1024xf32, #tpu.memory_space<vmem>>)
    %add3A_253 = arith.constant 96 : i32
    %add3A_254 = arith.addi %mul3A_2, %add3A_253 : i32
    %dma_start3A_255 = arith.constant 0 : i32
    %dma_start3A_256 = arith.constant 0 : i32
    %dma_start3A_257 = arith.constant 0 : i32
    %dma_start3A_258 = arith.constant 0 : i32
    %dma_start3A_259 = tpu.memref_slice %arg6[%dma_start3A_255, %dma_start3A_257, %dma_start3A_258] : memref<3x32x1024xf32, #tpu.memory_space<vmem>> -> memref<1x32x1024xf32, #tpu.memory_space<vmem>>
    %dma_start3A_260 = tpu.memref_squeeze %dma_start3A_259 : memref<1x32x1024xf32, #tpu.memory_space<vmem>> -> memref<32x1024xf32, #tpu.memory_space<vmem>>
    %dma_start3A_261 = arith.constant 0 : i32
    %dma_start3A_262 = tpu.memref_slice %arg4[%add3A_254, %dma_start3A_261] : memref<16384x1024xf32, #tpu.memory_space<hbm>> -> memref<32x1024xf32, #tpu.memory_space<hbm>>
    %dma_start3A_263 = tpu.memref_slice %arg8[%dma_start3A_256] : memref<3x!tpu.dma_semaphore, #tpu.memory_space<semaphore_mem>> -> memref<1x!tpu.dma_semaphore, #tpu.memory_space<semaphore_mem>>
    %dma_start3A_264 = tpu.memref_squeeze %dma_start3A_263 : memref<1x!tpu.dma_semaphore, #tpu.memory_space<semaphore_mem>> -> memref<!tpu.dma_semaphore, #tpu.memory_space<semaphore_mem>>
    %dma_start3A_265 = arith.constant 0 : i32
    %dma_start3A_266 = tpu.memref_slice %arg4[%add3A_254, %dma_start3A_265] : memref<16384x1024xf32, #tpu.memory_space<hbm>> -> memref<32x1024xf32, #tpu.memory_space<hbm>>
    %dma_start3A_267 = arith.constant 0 : i32
    %dma_start3A_268 = arith.constant 0 : i32
    %dma_start3A_269 = tpu.memref_slice %arg6[%dma_start3A_255, %dma_start3A_267, %dma_start3A_268] : memref<3x32x1024xf32, #tpu.memory_space<vmem>> -> memref<1x32x1024xf32, #tpu.memory_space<vmem>>
    %dma_start3A_270 = tpu.memref_squeeze %dma_start3A_269 : memref<1x32x1024xf32, #tpu.memory_space<vmem>> -> memref<32x1024xf32, #tpu.memory_space<vmem>>
    tpu.enqueue_dma source(%dma_start3A_270 : memref<32x1024xf32, #tpu.memory_space<vmem>>) target(%dma_start3A_266 : memref<32x1024xf32, #tpu.memory_space<hbm>>) target_semaphore(%dma_start3A_264 : memref<!tpu.dma_semaphore, #tpu.memory_space<semaphore_mem>>)
    %dma_wait3A_271 = arith.constant 0 : i32
    %dma_wait3A_272 = arith.constant 0 : i32
    %dma_wait3A_273 = arith.constant 0 : i32
    %dma_wait3A_274 = arith.constant 0 : i32
    %dma_wait3A_275 = tpu.memref_slice %arg6[%dma_wait3A_271, %dma_wait3A_273, %dma_wait3A_274] : memref<3x32x1024xf32, #tpu.memory_space<vmem>> -> memref<1x32x1024xf32, #tpu.memory_space<vmem>>
    %dma_wait3A_276 = tpu.memref_squeeze %dma_wait3A_275 : memref<1x32x1024xf32, #tpu.memory_space<vmem>> -> memref<32x1024xf32, #tpu.memory_space<vmem>>
    %dma_wait3A_277 = arith.constant 0 : i32
    %dma_wait3A_278 = tpu.memref_slice %arg4[%add3A_254, %dma_wait3A_277] : memref<16384x1024xf32, #tpu.memory_space<hbm>> -> memref<32x1024xf32, #tpu.memory_space<hbm>>
    %dma_wait3A_279 = tpu.memref_slice %arg8[%dma_wait3A_272] : memref<3x!tpu.dma_semaphore, #tpu.memory_space<semaphore_mem>> -> memref<1x!tpu.dma_semaphore, #tpu.memory_space<semaphore_mem>>
    %dma_wait3A_280 = tpu.memref_squeeze %dma_wait3A_279 : memref<1x!tpu.dma_semaphore, #tpu.memory_space<semaphore_mem>> -> memref<!tpu.dma_semaphore, #tpu.memory_space<semaphore_mem>>
    %dma_wait3A_281 = arith.constant 0 : i32
    %dma_wait3A_282 = tpu.memref_slice %arg4[%add3A_254, %dma_wait3A_281] : memref<16384x1024xf32, #tpu.memory_space<hbm>> -> memref<32x1024xf32, #tpu.memory_space<hbm>>
    %dma_wait3A_283 = arith.constant 0 : i32
    %dma_wait3A_284 = arith.constant 0 : i32
    %dma_wait3A_285 = tpu.memref_slice %arg6[%dma_wait3A_271, %dma_wait3A_283, %dma_wait3A_284] : memref<3x32x1024xf32, #tpu.memory_space<vmem>> -> memref<1x32x1024xf32, #tpu.memory_space<vmem>>
    %dma_wait3A_286 = tpu.memref_squeeze %dma_wait3A_285 : memref<1x32x1024xf32, #tpu.memory_space<vmem>> -> memref<32x1024xf32, #tpu.memory_space<vmem>>
    tpu.wait_dma2 semaphore(%dma_wait3A_280 : memref<!tpu.dma_semaphore, #tpu.memory_space<semaphore_mem>>) src(%dma_wait3A_286 : memref<32x1024xf32, #tpu.memory_space<vmem>>) dst(%dma_wait3A_282 : memref<32x1024xf32, #tpu.memory_space<hbm>>)
    %dma_start3A_287 = arith.constant 6 : i32
    %dma_start3A_288 = arith.constant 0 : i32
    %dma_start3A_289 = arith.constant 0 : i32
    %dma_start3A_290 = arith.constant 0 : i32
    %dma_start3A_291 = arith.constant 0 : i32
    %dma_start3A_292 = tpu.memref_slice %arg6[%dma_start3A_288, %dma_start3A_290, %dma_start3A_291] : memref<3x32x1024xf32, #tpu.memory_space<vmem>> -> memref<1x32x1024xf32, #tpu.memory_space<vmem>>
    %dma_start3A_293 = tpu.memref_squeeze %dma_start3A_292 : memref<1x32x1024xf32, #tpu.memory_space<vmem>> -> memref<32x1024xf32, #tpu.memory_space<vmem>>
    %dma_start3A_294 = arith.constant 0 : i32
    %dma_start3A_295 = tpu.memref_slice %arg5[%dma_start3A_287, %dma_start3A_294] : memref<16x32xi32, #tpu.memory_space<vmem>> -> memref<1x32xi32, #tpu.memory_space<vmem>>
    %dma_start3A_296 = tpu.memref_squeeze %dma_start3A_295 : memref<1x32xi32, #tpu.memory_space<vmem>> -> memref<32xi32, #tpu.memory_space<vmem>>
    %dma_start3A_297 = arith.constant 0 : i32
    %dma_start3A_298 = arith.constant 0 : i32
    %dma_start3A_299 = tpu.memref_slice %arg3[%dma_start3A_297, %dma_start3A_298] : memref<100000x1024xf32, #tpu.memory_space<hbm>> -> memref<100000x1024xf32, #tpu.memory_space<hbm>>
    %dma_start3A_300 = tpu.memref_slice %arg7[%dma_start3A_289] : memref<3x!tpu.dma_semaphore, #tpu.memory_space<semaphore_mem>> -> memref<1x!tpu.dma_semaphore, #tpu.memory_space<semaphore_mem>>
    %dma_start3A_301 = tpu.memref_squeeze %dma_start3A_300 : memref<1x!tpu.dma_semaphore, #tpu.memory_space<semaphore_mem>> -> memref<!tpu.dma_semaphore, #tpu.memory_space<semaphore_mem>>
    tpu.enqueue_indirect_dma source(%dma_start3A_299 : memref<100000x1024xf32, #tpu.memory_space<hbm>>) target(%dma_start3A_293 : memref<32x1024xf32, #tpu.memory_space<vmem>>) offsets(%dma_start3A_296 : memref<32xi32, #tpu.memory_space<vmem>>) semaphore(%dma_start3A_301 : memref<!tpu.dma_semaphore, #tpu.memory_space<semaphore_mem>>)
    %dma_wait3A_302 = arith.constant 4 : i32
    %dma_wait3A_303 = arith.constant 1 : i32
    %dma_wait3A_304 = arith.constant 1 : i32
    %dma_wait3A_305 = arith.constant 0 : i32
    %dma_wait3A_306 = arith.constant 0 : i32
    %dma_wait3A_307 = tpu.memref_slice %arg6[%dma_wait3A_303, %dma_wait3A_305, %dma_wait3A_306] : memref<3x32x1024xf32, #tpu.memory_space<vmem>> -> memref<1x32x1024xf32, #tpu.memory_space<vmem>>
    %dma_wait3A_308 = tpu.memref_squeeze %dma_wait3A_307 : memref<1x32x1024xf32, #tpu.memory_space<vmem>> -> memref<32x1024xf32, #tpu.memory_space<vmem>>
    %dma_wait3A_309 = arith.constant 0 : i32
    %dma_wait3A_310 = tpu.memref_slice %arg5[%dma_wait3A_302, %dma_wait3A_309] : memref<16x32xi32, #tpu.memory_space<vmem>> -> memref<1x32xi32, #tpu.memory_space<vmem>>
    %dma_wait3A_311 = tpu.memref_squeeze %dma_wait3A_310 : memref<1x32xi32, #tpu.memory_space<vmem>> -> memref<32xi32, #tpu.memory_space<vmem>>
    %dma_wait3A_312 = arith.constant 0 : i32
    %dma_wait3A_313 = arith.constant 0 : i32
    %dma_wait3A_314 = tpu.memref_slice %arg3[%dma_wait3A_312, %dma_wait3A_313] : memref<100000x1024xf32, #tpu.memory_space<hbm>> -> memref<100000x1024xf32, #tpu.memory_space<hbm>>
    %dma_wait3A_315 = tpu.memref_slice %arg7[%dma_wait3A_304] : memref<3x!tpu.dma_semaphore, #tpu.memory_space<semaphore_mem>> -> memref<1x!tpu.dma_semaphore, #tpu.memory_space<semaphore_mem>>
    %dma_wait3A_316 = tpu.memref_squeeze %dma_wait3A_315 : memref<1x!tpu.dma_semaphore, #tpu.memory_space<semaphore_mem>> -> memref<!tpu.dma_semaphore, #tpu.memory_space<semaphore_mem>>
    tpu.wait_indirect_dma semaphore(%dma_wait3A_316 : memref<!tpu.dma_semaphore, #tpu.memory_space<semaphore_mem>>) src(%dma_wait3A_314 : memref<100000x1024xf32, #tpu.memory_space<hbm>>) dst(%dma_wait3A_308 : memref<32x1024xf32, #tpu.memory_space<vmem>>)
    %add3A_317 = arith.constant 128 : i32
    %add3A_318 = arith.addi %mul3A_2, %add3A_317 : i32
    %dma_start3A_319 = arith.constant 1 : i32
    %dma_start3A_320 = arith.constant 1 : i32
    %dma_start3A_321 = arith.constant 0 : i32
    %dma_start3A_322 = arith.constant 0 : i32
    %dma_start3A_323 = tpu.memref_slice %arg6[%dma_start3A_319, %dma_start3A_321, %dma_start3A_322] : memref<3x32x1024xf32, #tpu.memory_space<vmem>> -> memref<1x32x1024xf32, #tpu.memory_space<vmem>>
    %dma_start3A_324 = tpu.memref_squeeze %dma_start3A_323 : memref<1x32x1024xf32, #tpu.memory_space<vmem>> -> memref<32x1024xf32, #tpu.memory_space<vmem>>
    %dma_start3A_325 = arith.constant 0 : i32
    %dma_start3A_326 = tpu.memref_slice %arg4[%add3A_318, %dma_start3A_325] : memref<16384x1024xf32, #tpu.memory_space<hbm>> -> memref<32x1024xf32, #tpu.memory_space<hbm>>
    %dma_start3A_327 = tpu.memref_slice %arg8[%dma_start3A_320] : memref<3x!tpu.dma_semaphore, #tpu.memory_space<semaphore_mem>> -> memref<1x!tpu.dma_semaphore, #tpu.memory_space<semaphore_mem>>
    %dma_start3A_328 = tpu.memref_squeeze %dma_start3A_327 : memref<1x!tpu.dma_semaphore, #tpu.memory_space<semaphore_mem>> -> memref<!tpu.dma_semaphore, #tpu.memory_space<semaphore_mem>>
    %dma_start3A_329 = arith.constant 0 : i32
    %dma_start3A_330 = tpu.memref_slice %arg4[%add3A_318, %dma_start3A_329] : memref<16384x1024xf32, #tpu.memory_space<hbm>> -> memref<32x1024xf32, #tpu.memory_space<hbm>>
    %dma_start3A_331 = arith.constant 0 : i32
    %dma_start3A_332 = arith.constant 0 : i32
    %dma_start3A_333 = tpu.memref_slice %arg6[%dma_start3A_319, %dma_start3A_331, %dma_start3A_332] : memref<3x32x1024xf32, #tpu.memory_space<vmem>> -> memref<1x32x1024xf32, #tpu.memory_space<vmem>>
    %dma_start3A_334 = tpu.memref_squeeze %dma_start3A_333 : memref<1x32x1024xf32, #tpu.memory_space<vmem>> -> memref<32x1024xf32, #tpu.memory_space<vmem>>
    tpu.enqueue_dma source(%dma_start3A_334 : memref<32x1024xf32, #tpu.memory_space<vmem>>) target(%dma_start3A_330 : memref<32x1024xf32, #tpu.memory_space<hbm>>) target_semaphore(%dma_start3A_328 : memref<!tpu.dma_semaphore, #tpu.memory_space<semaphore_mem>>)
    %dma_wait3A_335 = arith.constant 1 : i32
    %dma_wait3A_336 = arith.constant 1 : i32
    %dma_wait3A_337 = arith.constant 0 : i32
    %dma_wait3A_338 = arith.constant 0 : i32
    %dma_wait3A_339 = tpu.memref_slice %arg6[%dma_wait3A_335, %dma_wait3A_337, %dma_wait3A_338] : memref<3x32x1024xf32, #tpu.memory_space<vmem>> -> memref<1x32x1024xf32, #tpu.memory_space<vmem>>
    %dma_wait3A_340 = tpu.memref_squeeze %dma_wait3A_339 : memref<1x32x1024xf32, #tpu.memory_space<vmem>> -> memref<32x1024xf32, #tpu.memory_space<vmem>>
    %dma_wait3A_341 = arith.constant 0 : i32
    %dma_wait3A_342 = tpu.memref_slice %arg4[%add3A_318, %dma_wait3A_341] : memref<16384x1024xf32, #tpu.memory_space<hbm>> -> memref<32x1024xf32, #tpu.memory_space<hbm>>
    %dma_wait3A_343 = tpu.memref_slice %arg8[%dma_wait3A_336] : memref<3x!tpu.dma_semaphore, #tpu.memory_space<semaphore_mem>> -> memref<1x!tpu.dma_semaphore, #tpu.memory_space<semaphore_mem>>
    %dma_wait3A_344 = tpu.memref_squeeze %dma_wait3A_343 : memref<1x!tpu.dma_semaphore, #tpu.memory_space<semaphore_mem>> -> memref<!tpu.dma_semaphore, #tpu.memory_space<semaphore_mem>>
    %dma_wait3A_345 = arith.constant 0 : i32
    %dma_wait3A_346 = tpu.memref_slice %arg4[%add3A_318, %dma_wait3A_345] : memref<16384x1024xf32, #tpu.memory_space<hbm>> -> memref<32x1024xf32, #tpu.memory_space<hbm>>
    %dma_wait3A_347 = arith.constant 0 : i32
    %dma_wait3A_348 = arith.constant 0 : i32
    %dma_wait3A_349 = tpu.memref_slice %arg6[%dma_wait3A_335, %dma_wait3A_347, %dma_wait3A_348] : memref<3x32x1024xf32, #tpu.memory_space<vmem>> -> memref<1x32x1024xf32, #tpu.memory_space<vmem>>
    %dma_wait3A_350 = tpu.memref_squeeze %dma_wait3A_349 : memref<1x32x1024xf32, #tpu.memory_space<vmem>> -> memref<32x1024xf32, #tpu.memory_space<vmem>>
    tpu.wait_dma2 semaphore(%dma_wait3A_344 : memref<!tpu.dma_semaphore, #tpu.memory_space<semaphore_mem>>) src(%dma_wait3A_350 : memref<32x1024xf32, #tpu.memory_space<vmem>>) dst(%dma_wait3A_346 : memref<32x1024xf32, #tpu.memory_space<hbm>>)
    %dma_start3A_351 = arith.constant 7 : i32
    %dma_start3A_352 = arith.constant 1 : i32
    %dma_start3A_353 = arith.constant 1 : i32
    %dma_start3A_354 = arith.constant 0 : i32
    %dma_start3A_355 = arith.constant 0 : i32
    %dma_start3A_356 = tpu.memref_slice %arg6[%dma_start3A_352, %dma_start3A_354, %dma_start3A_355] : memref<3x32x1024xf32, #tpu.memory_space<vmem>> -> memref<1x32x1024xf32, #tpu.memory_space<vmem>>
    %dma_start3A_357 = tpu.memref_squeeze %dma_start3A_356 : memref<1x32x1024xf32, #tpu.memory_space<vmem>> -> memref<32x1024xf32, #tpu.memory_space<vmem>>
    %dma_start3A_358 = arith.constant 0 : i32
    %dma_start3A_359 = tpu.memref_slice %arg5[%dma_start3A_351, %dma_start3A_358] : memref<16x32xi32, #tpu.memory_space<vmem>> -> memref<1x32xi32, #tpu.memory_space<vmem>>
    %dma_start3A_360 = tpu.memref_squeeze %dma_start3A_359 : memref<1x32xi32, #tpu.memory_space<vmem>> -> memref<32xi32, #tpu.memory_space<vmem>>
    %dma_start3A_361 = arith.constant 0 : i32
    %dma_start3A_362 = arith.constant 0 : i32
    %dma_start3A_363 = tpu.memref_slice %arg3[%dma_start3A_361, %dma_start3A_362] : memref<100000x1024xf32, #tpu.memory_space<hbm>> -> memref<100000x1024xf32, #tpu.memory_space<hbm>>
    %dma_start3A_364 = tpu.memref_slice %arg7[%dma_start3A_353] : memref<3x!tpu.dma_semaphore, #tpu.memory_space<semaphore_mem>> -> memref<1x!tpu.dma_semaphore, #tpu.memory_space<semaphore_mem>>
    %dma_start3A_365 = tpu.memref_squeeze %dma_start3A_364 : memref<1x!tpu.dma_semaphore, #tpu.memory_space<semaphore_mem>> -> memref<!tpu.dma_semaphore, #tpu.memory_space<semaphore_mem>>
    tpu.enqueue_indirect_dma source(%dma_start3A_363 : memref<100000x1024xf32, #tpu.memory_space<hbm>>) target(%dma_start3A_357 : memref<32x1024xf32, #tpu.memory_space<vmem>>) offsets(%dma_start3A_360 : memref<32xi32, #tpu.memory_space<vmem>>) semaphore(%dma_start3A_365 : memref<!tpu.dma_semaphore, #tpu.memory_space<semaphore_mem>>)
    %dma_wait3A_366 = arith.constant 5 : i32
    %dma_wait3A_367 = arith.constant 2 : i32
    %dma_wait3A_368 = arith.constant 2 : i32
    %dma_wait3A_369 = arith.constant 0 : i32
    %dma_wait3A_370 = arith.constant 0 : i32
    %dma_wait3A_371 = tpu.memref_slice %arg6[%dma_wait3A_367, %dma_wait3A_369, %dma_wait3A_370] : memref<3x32x1024xf32, #tpu.memory_space<vmem>> -> memref<1x32x1024xf32, #tpu.memory_space<vmem>>
    %dma_wait3A_372 = tpu.memref_squeeze %dma_wait3A_371 : memref<1x32x1024xf32, #tpu.memory_space<vmem>> -> memref<32x1024xf32, #tpu.memory_space<vmem>>
    %dma_wait3A_373 = arith.constant 0 : i32
    %dma_wait3A_374 = tpu.memref_slice %arg5[%dma_wait3A_366, %dma_wait3A_373] : memref<16x32xi32, #tpu.memory_space<vmem>> -> memref<1x32xi32, #tpu.memory_space<vmem>>
    %dma_wait3A_375 = tpu.memref_squeeze %dma_wait3A_374 : memref<1x32xi32, #tpu.memory_space<vmem>> -> memref<32xi32, #tpu.memory_space<vmem>>
    %dma_wait3A_376 = arith.constant 0 : i32
    %dma_wait3A_377 = arith.constant 0 : i32
    %dma_wait3A_378 = tpu.memref_slice %arg3[%dma_wait3A_376, %dma_wait3A_377] : memref<100000x1024xf32, #tpu.memory_space<hbm>> -> memref<100000x1024xf32, #tpu.memory_space<hbm>>
    %dma_wait3A_379 = tpu.memref_slice %arg7[%dma_wait3A_368] : memref<3x!tpu.dma_semaphore, #tpu.memory_space<semaphore_mem>> -> memref<1x!tpu.dma_semaphore, #tpu.memory_space<semaphore_mem>>
    %dma_wait3A_380 = tpu.memref_squeeze %dma_wait3A_379 : memref<1x!tpu.dma_semaphore, #tpu.memory_space<semaphore_mem>> -> memref<!tpu.dma_semaphore, #tpu.memory_space<semaphore_mem>>
    tpu.wait_indirect_dma semaphore(%dma_wait3A_380 : memref<!tpu.dma_semaphore, #tpu.memory_space<semaphore_mem>>) src(%dma_wait3A_378 : memref<100000x1024xf32, #tpu.memory_space<hbm>>) dst(%dma_wait3A_372 : memref<32x1024xf32, #tpu.memory_space<vmem>>)
    %add3A_381 = arith.constant 160 : i32
    %add3A_382 = arith.addi %mul3A_2, %add3A_381 : i32
    %dma_start3A_383 = arith.constant 2 : i32
    %dma_start3A_384 = arith.constant 2 : i32
    %dma_start3A_385 = arith.constant 0 : i32
    %dma_start3A_386 = arith.constant 0 : i32
    %dma_start3A_387 = tpu.memref_slice %arg6[%dma_start3A_383, %dma_start3A_385, %dma_start3A_386] : memref<3x32x1024xf32, #tpu.memory_space<vmem>> -> memref<1x32x1024xf32, #tpu.memory_space<vmem>>
    %dma_start3A_388 = tpu.memref_squeeze %dma_start3A_387 : memref<1x32x1024xf32, #tpu.memory_space<vmem>> -> memref<32x1024xf32, #tpu.memory_space<vmem>>
    %dma_start3A_389 = arith.constant 0 : i32
    %dma_start3A_390 = tpu.memref_slice %arg4[%add3A_382, %dma_start3A_389] : memref<16384x1024xf32, #tpu.memory_space<hbm>> -> memref<32x1024xf32, #tpu.memory_space<hbm>>
    %dma_start3A_391 = tpu.memref_slice %arg8[%dma_start3A_384] : memref<3x!tpu.dma_semaphore, #tpu.memory_space<semaphore_mem>> -> memref<1x!tpu.dma_semaphore, #tpu.memory_space<semaphore_mem>>
    %dma_start3A_392 = tpu.memref_squeeze %dma_start3A_391 : memref<1x!tpu.dma_semaphore, #tpu.memory_space<semaphore_mem>> -> memref<!tpu.dma_semaphore, #tpu.memory_space<semaphore_mem>>
    %dma_start3A_393 = arith.constant 0 : i32
    %dma_start3A_394 = tpu.memref_slice %arg4[%add3A_382, %dma_start3A_393] : memref<16384x1024xf32, #tpu.memory_space<hbm>> -> memref<32x1024xf32, #tpu.memory_space<hbm>>
    %dma_start3A_395 = arith.constant 0 : i32
    %dma_start3A_396 = arith.constant 0 : i32
    %dma_start3A_397 = tpu.memref_slice %arg6[%dma_start3A_383, %dma_start3A_395, %dma_start3A_396] : memref<3x32x1024xf32, #tpu.memory_space<vmem>> -> memref<1x32x1024xf32, #tpu.memory_space<vmem>>
    %dma_start3A_398 = tpu.memref_squeeze %dma_start3A_397 : memref<1x32x1024xf32, #tpu.memory_space<vmem>> -> memref<32x1024xf32, #tpu.memory_space<vmem>>
    tpu.enqueue_dma source(%dma_start3A_398 : memref<32x1024xf32, #tpu.memory_space<vmem>>) target(%dma_start3A_394 : memref<32x1024xf32, #tpu.memory_space<hbm>>) target_semaphore(%dma_start3A_392 : memref<!tpu.dma_semaphore, #tpu.memory_space<semaphore_mem>>)
    %dma_wait3A_399 = arith.constant 2 : i32
    %dma_wait3A_400 = arith.constant 2 : i32
    %dma_wait3A_401 = arith.constant 0 : i32
    %dma_wait3A_402 = arith.constant 0 : i32
    %dma_wait3A_403 = tpu.memref_slice %arg6[%dma_wait3A_399, %dma_wait3A_401, %dma_wait3A_402] : memref<3x32x1024xf32, #tpu.memory_space<vmem>> -> memref<1x32x1024xf32, #tpu.memory_space<vmem>>
    %dma_wait3A_404 = tpu.memref_squeeze %dma_wait3A_403 : memref<1x32x1024xf32, #tpu.memory_space<vmem>> -> memref<32x1024xf32, #tpu.memory_space<vmem>>
    %dma_wait3A_405 = arith.constant 0 : i32
    %dma_wait3A_406 = tpu.memref_slice %arg4[%add3A_382, %dma_wait3A_405] : memref<16384x1024xf32, #tpu.memory_space<hbm>> -> memref<32x1024xf32, #tpu.memory_space<hbm>>
    %dma_wait3A_407 = tpu.memref_slice %arg8[%dma_wait3A_400] : memref<3x!tpu.dma_semaphore, #tpu.memory_space<semaphore_mem>> -> memref<1x!tpu.dma_semaphore, #tpu.memory_space<semaphore_mem>>
    %dma_wait3A_408 = tpu.memref_squeeze %dma_wait3A_407 : memref<1x!tpu.dma_semaphore, #tpu.memory_space<semaphore_mem>> -> memref<!tpu.dma_semaphore, #tpu.memory_space<semaphore_mem>>
    %dma_wait3A_409 = arith.constant 0 : i32
    %dma_wait3A_410 = tpu.memref_slice %arg4[%add3A_382, %dma_wait3A_409] : memref<16384x1024xf32, #tpu.memory_space<hbm>> -> memref<32x1024xf32, #tpu.memory_space<hbm>>
    %dma_wait3A_411 = arith.constant 0 : i32
    %dma_wait3A_412 = arith.constant 0 : i32
    %dma_wait3A_413 = tpu.memref_slice %arg6[%dma_wait3A_399, %dma_wait3A_411, %dma_wait3A_412] : memref<3x32x1024xf32, #tpu.memory_space<vmem>> -> memref<1x32x1024xf32, #tpu.memory_space<vmem>>
    %dma_wait3A_414 = tpu.memref_squeeze %dma_wait3A_413 : memref<1x32x1024xf32, #tpu.memory_space<vmem>> -> memref<32x1024xf32, #tpu.memory_space<vmem>>
    tpu.wait_dma2 semaphore(%dma_wait3A_408 : memref<!tpu.dma_semaphore, #tpu.memory_space<semaphore_mem>>) src(%dma_wait3A_414 : memref<32x1024xf32, #tpu.memory_space<vmem>>) dst(%dma_wait3A_410 : memref<32x1024xf32, #tpu.memory_space<hbm>>)
    %dma_start3A_415 = arith.constant 8 : i32
    %dma_start3A_416 = arith.constant 2 : i32
    %dma_start3A_417 = arith.constant 2 : i32
    %dma_start3A_418 = arith.constant 0 : i32
    %dma_start3A_419 = arith.constant 0 : i32
    %dma_start3A_420 = tpu.memref_slice %arg6[%dma_start3A_416, %dma_start3A_418, %dma_start3A_419] : memref<3x32x1024xf32, #tpu.memory_space<vmem>> -> memref<1x32x1024xf32, #tpu.memory_space<vmem>>
    %dma_start3A_421 = tpu.memref_squeeze %dma_start3A_420 : memref<1x32x1024xf32, #tpu.memory_space<vmem>> -> memref<32x1024xf32, #tpu.memory_space<vmem>>
    %dma_start3A_422 = arith.constant 0 : i32
    %dma_start3A_423 = tpu.memref_slice %arg5[%dma_start3A_415, %dma_start3A_422] : memref<16x32xi32, #tpu.memory_space<vmem>> -> memref<1x32xi32, #tpu.memory_space<vmem>>
    %dma_start3A_424 = tpu.memref_squeeze %dma_start3A_423 : memref<1x32xi32, #tpu.memory_space<vmem>> -> memref<32xi32, #tpu.memory_space<vmem>>
    %dma_start3A_425 = arith.constant 0 : i32
    %dma_start3A_426 = arith.constant 0 : i32
    %dma_start3A_427 = tpu.memref_slice %arg3[%dma_start3A_425, %dma_start3A_426] : memref<100000x1024xf32, #tpu.memory_space<hbm>> -> memref<100000x1024xf32, #tpu.memory_space<hbm>>
    %dma_start3A_428 = tpu.memref_slice %arg7[%dma_start3A_417] : memref<3x!tpu.dma_semaphore, #tpu.memory_space<semaphore_mem>> -> memref<1x!tpu.dma_semaphore, #tpu.memory_space<semaphore_mem>>
    %dma_start3A_429 = tpu.memref_squeeze %dma_start3A_428 : memref<1x!tpu.dma_semaphore, #tpu.memory_space<semaphore_mem>> -> memref<!tpu.dma_semaphore, #tpu.memory_space<semaphore_mem>>
    tpu.enqueue_indirect_dma source(%dma_start3A_427 : memref<100000x1024xf32, #tpu.memory_space<hbm>>) target(%dma_start3A_421 : memref<32x1024xf32, #tpu.memory_space<vmem>>) offsets(%dma_start3A_424 : memref<32xi32, #tpu.memory_space<vmem>>) semaphore(%dma_start3A_429 : memref<!tpu.dma_semaphore, #tpu.memory_space<semaphore_mem>>)
    %dma_wait3A_430 = arith.constant 6 : i32
    %dma_wait3A_431 = arith.constant 0 : i32
    %dma_wait3A_432 = arith.constant 0 : i32
    %dma_wait3A_433 = arith.constant 0 : i32
    %dma_wait3A_434 = arith.constant 0 : i32
    %dma_wait3A_435 = tpu.memref_slice %arg6[%dma_wait3A_431, %dma_wait3A_433, %dma_wait3A_434] : memref<3x32x1024xf32, #tpu.memory_space<vmem>> -> memref<1x32x1024xf32, #tpu.memory_space<vmem>>
    %dma_wait3A_436 = tpu.memref_squeeze %dma_wait3A_435 : memref<1x32x1024xf32, #tpu.memory_space<vmem>> -> memref<32x1024xf32, #tpu.memory_space<vmem>>
    %dma_wait3A_437 = arith.constant 0 : i32
    %dma_wait3A_438 = tpu.memref_slice %arg5[%dma_wait3A_430, %dma_wait3A_437] : memref<16x32xi32, #tpu.memory_space<vmem>> -> memref<1x32xi32, #tpu.memory_space<vmem>>
    %dma_wait3A_439 = tpu.memref_squeeze %dma_wait3A_438 : memref<1x32xi32, #tpu.memory_space<vmem>> -> memref<32xi32, #tpu.memory_space<vmem>>
    %dma_wait3A_440 = arith.constant 0 : i32
    %dma_wait3A_441 = arith.constant 0 : i32
    %dma_wait3A_442 = tpu.memref_slice %arg3[%dma_wait3A_440, %dma_wait3A_441] : memref<100000x1024xf32, #tpu.memory_space<hbm>> -> memref<100000x1024xf32, #tpu.memory_space<hbm>>
    %dma_wait3A_443 = tpu.memref_slice %arg7[%dma_wait3A_432] : memref<3x!tpu.dma_semaphore, #tpu.memory_space<semaphore_mem>> -> memref<1x!tpu.dma_semaphore, #tpu.memory_space<semaphore_mem>>
    %dma_wait3A_444 = tpu.memref_squeeze %dma_wait3A_443 : memref<1x!tpu.dma_semaphore, #tpu.memory_space<semaphore_mem>> -> memref<!tpu.dma_semaphore, #tpu.memory_space<semaphore_mem>>
    tpu.wait_indirect_dma semaphore(%dma_wait3A_444 : memref<!tpu.dma_semaphore, #tpu.memory_space<semaphore_mem>>) src(%dma_wait3A_442 : memref<100000x1024xf32, #tpu.memory_space<hbm>>) dst(%dma_wait3A_436 : memref<32x1024xf32, #tpu.memory_space<vmem>>)
    %add3A_445 = arith.constant 192 : i32
    %add3A_446 = arith.addi %mul3A_2, %add3A_445 : i32
    %dma_start3A_447 = arith.constant 0 : i32
    %dma_start3A_448 = arith.constant 0 : i32
    %dma_start3A_449 = arith.constant 0 : i32
    %dma_start3A_450 = arith.constant 0 : i32
    %dma_start3A_451 = tpu.memref_slice %arg6[%dma_start3A_447, %dma_start3A_449, %dma_start3A_450] : memref<3x32x1024xf32, #tpu.memory_space<vmem>> -> memref<1x32x1024xf32, #tpu.memory_space<vmem>>
    %dma_start3A_452 = tpu.memref_squeeze %dma_start3A_451 : memref<1x32x1024xf32, #tpu.memory_space<vmem>> -> memref<32x1024xf32, #tpu.memory_space<vmem>>
    %dma_start3A_453 = arith.constant 0 : i32
    %dma_start3A_454 = tpu.memref_slice %arg4[%add3A_446, %dma_start3A_453] : memref<16384x1024xf32, #tpu.memory_space<hbm>> -> memref<32x1024xf32, #tpu.memory_space<hbm>>
    %dma_start3A_455 = tpu.memref_slice %arg8[%dma_start3A_448] : memref<3x!tpu.dma_semaphore, #tpu.memory_space<semaphore_mem>> -> memref<1x!tpu.dma_semaphore, #tpu.memory_space<semaphore_mem>>
    %dma_start3A_456 = tpu.memref_squeeze %dma_start3A_455 : memref<1x!tpu.dma_semaphore, #tpu.memory_space<semaphore_mem>> -> memref<!tpu.dma_semaphore, #tpu.memory_space<semaphore_mem>>
    %dma_start3A_457 = arith.constant 0 : i32
    %dma_start3A_458 = tpu.memref_slice %arg4[%add3A_446, %dma_start3A_457] : memref<16384x1024xf32, #tpu.memory_space<hbm>> -> memref<32x1024xf32, #tpu.memory_space<hbm>>
    %dma_start3A_459 = arith.constant 0 : i32
    %dma_start3A_460 = arith.constant 0 : i32
    %dma_start3A_461 = tpu.memref_slice %arg6[%dma_start3A_447, %dma_start3A_459, %dma_start3A_460] : memref<3x32x1024xf32, #tpu.memory_space<vmem>> -> memref<1x32x1024xf32, #tpu.memory_space<vmem>>
    %dma_start3A_462 = tpu.memref_squeeze %dma_start3A_461 : memref<1x32x1024xf32, #tpu.memory_space<vmem>> -> memref<32x1024xf32, #tpu.memory_space<vmem>>
    tpu.enqueue_dma source(%dma_start3A_462 : memref<32x1024xf32, #tpu.memory_space<vmem>>) target(%dma_start3A_458 : memref<32x1024xf32, #tpu.memory_space<hbm>>) target_semaphore(%dma_start3A_456 : memref<!tpu.dma_semaphore, #tpu.memory_space<semaphore_mem>>)
    %dma_wait3A_463 = arith.constant 0 : i32
    %dma_wait3A_464 = arith.constant 0 : i32
    %dma_wait3A_465 = arith.constant 0 : i32
    %dma_wait3A_466 = arith.constant 0 : i32
    %dma_wait3A_467 = tpu.memref_slice %arg6[%dma_wait3A_463, %dma_wait3A_465, %dma_wait3A_466] : memref<3x32x1024xf32, #tpu.memory_space<vmem>> -> memref<1x32x1024xf32, #tpu.memory_space<vmem>>
    %dma_wait3A_468 = tpu.memref_squeeze %dma_wait3A_467 : memref<1x32x1024xf32, #tpu.memory_space<vmem>> -> memref<32x1024xf32, #tpu.memory_space<vmem>>
    %dma_wait3A_469 = arith.constant 0 : i32
    %dma_wait3A_470 = tpu.memref_slice %arg4[%add3A_446, %dma_wait3A_469] : memref<16384x1024xf32, #tpu.memory_space<hbm>> -> memref<32x1024xf32, #tpu.memory_space<hbm>>
    %dma_wait3A_471 = tpu.memref_slice %arg8[%dma_wait3A_464] : memref<3x!tpu.dma_semaphore, #tpu.memory_space<semaphore_mem>> -> memref<1x!tpu.dma_semaphore, #tpu.memory_space<semaphore_mem>>
    %dma_wait3A_472 = tpu.memref_squeeze %dma_wait3A_471 : memref<1x!tpu.dma_semaphore, #tpu.memory_space<semaphore_mem>> -> memref<!tpu.dma_semaphore, #tpu.memory_space<semaphore_mem>>
    %dma_wait3A_473 = arith.constant 0 : i32
    %dma_wait3A_474 = tpu.memref_slice %arg4[%add3A_446, %dma_wait3A_473] : memref<16384x1024xf32, #tpu.memory_space<hbm>> -> memref<32x1024xf32, #tpu.memory_space<hbm>>
    %dma_wait3A_475 = arith.constant 0 : i32
    %dma_wait3A_476 = arith.constant 0 : i32
    %dma_wait3A_477 = tpu.memref_slice %arg6[%dma_wait3A_463, %dma_wait3A_475, %dma_wait3A_476] : memref<3x32x1024xf32, #tpu.memory_space<vmem>> -> memref<1x32x1024xf32, #tpu.memory_space<vmem>>
    %dma_wait3A_478 = tpu.memref_squeeze %dma_wait3A_477 : memref<1x32x1024xf32, #tpu.memory_space<vmem>> -> memref<32x1024xf32, #tpu.memory_space<vmem>>
    tpu.wait_dma2 semaphore(%dma_wait3A_472 : memref<!tpu.dma_semaphore, #tpu.memory_space<semaphore_mem>>) src(%dma_wait3A_478 : memref<32x1024xf32, #tpu.memory_space<vmem>>) dst(%dma_wait3A_474 : memref<32x1024xf32, #tpu.memory_space<hbm>>)
    %dma_start3A_479 = arith.constant 9 : i32
    %dma_start3A_480 = arith.constant 0 : i32
    %dma_start3A_481 = arith.constant 0 : i32
    %dma_start3A_482 = arith.constant 0 : i32
    %dma_start3A_483 = arith.constant 0 : i32
    %dma_start3A_484 = tpu.memref_slice %arg6[%dma_start3A_480, %dma_start3A_482, %dma_start3A_483] : memref<3x32x1024xf32, #tpu.memory_space<vmem>> -> memref<1x32x1024xf32, #tpu.memory_space<vmem>>
    %dma_start3A_485 = tpu.memref_squeeze %dma_start3A_484 : memref<1x32x1024xf32, #tpu.memory_space<vmem>> -> memref<32x1024xf32, #tpu.memory_space<vmem>>
    %dma_start3A_486 = arith.constant 0 : i32
    %dma_start3A_487 = tpu.memref_slice %arg5[%dma_start3A_479, %dma_start3A_486] : memref<16x32xi32, #tpu.memory_space<vmem>> -> memref<1x32xi32, #tpu.memory_space<vmem>>
    %dma_start3A_488 = tpu.memref_squeeze %dma_start3A_487 : memref<1x32xi32, #tpu.memory_space<vmem>> -> memref<32xi32, #tpu.memory_space<vmem>>
    %dma_start3A_489 = arith.constant 0 : i32
    %dma_start3A_490 = arith.constant 0 : i32
    %dma_start3A_491 = tpu.memref_slice %arg3[%dma_start3A_489, %dma_start3A_490] : memref<100000x1024xf32, #tpu.memory_space<hbm>> -> memref<100000x1024xf32, #tpu.memory_space<hbm>>
    %dma_start3A_492 = tpu.memref_slice %arg7[%dma_start3A_481] : memref<3x!tpu.dma_semaphore, #tpu.memory_space<semaphore_mem>> -> memref<1x!tpu.dma_semaphore, #tpu.memory_space<semaphore_mem>>
    %dma_start3A_493 = tpu.memref_squeeze %dma_start3A_492 : memref<1x!tpu.dma_semaphore, #tpu.memory_space<semaphore_mem>> -> memref<!tpu.dma_semaphore, #tpu.memory_space<semaphore_mem>>
    tpu.enqueue_indirect_dma source(%dma_start3A_491 : memref<100000x1024xf32, #tpu.memory_space<hbm>>) target(%dma_start3A_485 : memref<32x1024xf32, #tpu.memory_space<vmem>>) offsets(%dma_start3A_488 : memref<32xi32, #tpu.memory_space<vmem>>) semaphore(%dma_start3A_493 : memref<!tpu.dma_semaphore, #tpu.memory_space<semaphore_mem>>)
    %dma_wait3A_494 = arith.constant 7 : i32
    %dma_wait3A_495 = arith.constant 1 : i32
    %dma_wait3A_496 = arith.constant 1 : i32
    %dma_wait3A_497 = arith.constant 0 : i32
    %dma_wait3A_498 = arith.constant 0 : i32
    %dma_wait3A_499 = tpu.memref_slice %arg6[%dma_wait3A_495, %dma_wait3A_497, %dma_wait3A_498] : memref<3x32x1024xf32, #tpu.memory_space<vmem>> -> memref<1x32x1024xf32, #tpu.memory_space<vmem>>
    %dma_wait3A_500 = tpu.memref_squeeze %dma_wait3A_499 : memref<1x32x1024xf32, #tpu.memory_space<vmem>> -> memref<32x1024xf32, #tpu.memory_space<vmem>>
    %dma_wait3A_501 = arith.constant 0 : i32
    %dma_wait3A_502 = tpu.memref_slice %arg5[%dma_wait3A_494, %dma_wait3A_501] : memref<16x32xi32, #tpu.memory_space<vmem>> -> memref<1x32xi32, #tpu.memory_space<vmem>>
    %dma_wait3A_503 = tpu.memref_squeeze %dma_wait3A_502 : memref<1x32xi32, #tpu.memory_space<vmem>> -> memref<32xi32, #tpu.memory_space<vmem>>
    %dma_wait3A_504 = arith.constant 0 : i32
    %dma_wait3A_505 = arith.constant 0 : i32
    %dma_wait3A_506 = tpu.memref_slice %arg3[%dma_wait3A_504, %dma_wait3A_505] : memref<100000x1024xf32, #tpu.memory_space<hbm>> -> memref<100000x1024xf32, #tpu.memory_space<hbm>>
    %dma_wait3A_507 = tpu.memref_slice %arg7[%dma_wait3A_496] : memref<3x!tpu.dma_semaphore, #tpu.memory_space<semaphore_mem>> -> memref<1x!tpu.dma_semaphore, #tpu.memory_space<semaphore_mem>>
    %dma_wait3A_508 = tpu.memref_squeeze %dma_wait3A_507 : memref<1x!tpu.dma_semaphore, #tpu.memory_space<semaphore_mem>> -> memref<!tpu.dma_semaphore, #tpu.memory_space<semaphore_mem>>
    tpu.wait_indirect_dma semaphore(%dma_wait3A_508 : memref<!tpu.dma_semaphore, #tpu.memory_space<semaphore_mem>>) src(%dma_wait3A_506 : memref<100000x1024xf32, #tpu.memory_space<hbm>>) dst(%dma_wait3A_500 : memref<32x1024xf32, #tpu.memory_space<vmem>>)
    %add3A_509 = arith.constant 224 : i32
    %add3A_510 = arith.addi %mul3A_2, %add3A_509 : i32
    %dma_start3A_511 = arith.constant 1 : i32
    %dma_start3A_512 = arith.constant 1 : i32
    %dma_start3A_513 = arith.constant 0 : i32
    %dma_start3A_514 = arith.constant 0 : i32
    %dma_start3A_515 = tpu.memref_slice %arg6[%dma_start3A_511, %dma_start3A_513, %dma_start3A_514] : memref<3x32x1024xf32, #tpu.memory_space<vmem>> -> memref<1x32x1024xf32, #tpu.memory_space<vmem>>
    %dma_start3A_516 = tpu.memref_squeeze %dma_start3A_515 : memref<1x32x1024xf32, #tpu.memory_space<vmem>> -> memref<32x1024xf32, #tpu.memory_space<vmem>>
    %dma_start3A_517 = arith.constant 0 : i32
    %dma_start3A_518 = tpu.memref_slice %arg4[%add3A_510, %dma_start3A_517] : memref<16384x1024xf32, #tpu.memory_space<hbm>> -> memref<32x1024xf32, #tpu.memory_space<hbm>>
    %dma_start3A_519 = tpu.memref_slice %arg8[%dma_start3A_512] : memref<3x!tpu.dma_semaphore, #tpu.memory_space<semaphore_mem>> -> memref<1x!tpu.dma_semaphore, #tpu.memory_space<semaphore_mem>>
    %dma_start3A_520 = tpu.memref_squeeze %dma_start3A_519 : memref<1x!tpu.dma_semaphore, #tpu.memory_space<semaphore_mem>> -> memref<!tpu.dma_semaphore, #tpu.memory_space<semaphore_mem>>
    %dma_start3A_521 = arith.constant 0 : i32
    %dma_start3A_522 = tpu.memref_slice %arg4[%add3A_510, %dma_start3A_521] : memref<16384x1024xf32, #tpu.memory_space<hbm>> -> memref<32x1024xf32, #tpu.memory_space<hbm>>
    %dma_start3A_523 = arith.constant 0 : i32
    %dma_start3A_524 = arith.constant 0 : i32
    %dma_start3A_525 = tpu.memref_slice %arg6[%dma_start3A_511, %dma_start3A_523, %dma_start3A_524] : memref<3x32x1024xf32, #tpu.memory_space<vmem>> -> memref<1x32x1024xf32, #tpu.memory_space<vmem>>
    %dma_start3A_526 = tpu.memref_squeeze %dma_start3A_525 : memref<1x32x1024xf32, #tpu.memory_space<vmem>> -> memref<32x1024xf32, #tpu.memory_space<vmem>>
    tpu.enqueue_dma source(%dma_start3A_526 : memref<32x1024xf32, #tpu.memory_space<vmem>>) target(%dma_start3A_522 : memref<32x1024xf32, #tpu.memory_space<hbm>>) target_semaphore(%dma_start3A_520 : memref<!tpu.dma_semaphore, #tpu.memory_space<semaphore_mem>>)
    %dma_wait3A_527 = arith.constant 1 : i32
    %dma_wait3A_528 = arith.constant 1 : i32
    %dma_wait3A_529 = arith.constant 0 : i32
    %dma_wait3A_530 = arith.constant 0 : i32
    %dma_wait3A_531 = tpu.memref_slice %arg6[%dma_wait3A_527, %dma_wait3A_529, %dma_wait3A_530] : memref<3x32x1024xf32, #tpu.memory_space<vmem>> -> memref<1x32x1024xf32, #tpu.memory_space<vmem>>
    %dma_wait3A_532 = tpu.memref_squeeze %dma_wait3A_531 : memref<1x32x1024xf32, #tpu.memory_space<vmem>> -> memref<32x1024xf32, #tpu.memory_space<vmem>>
    %dma_wait3A_533 = arith.constant 0 : i32
    %dma_wait3A_534 = tpu.memref_slice %arg4[%add3A_510, %dma_wait3A_533] : memref<16384x1024xf32, #tpu.memory_space<hbm>> -> memref<32x1024xf32, #tpu.memory_space<hbm>>
    %dma_wait3A_535 = tpu.memref_slice %arg8[%dma_wait3A_528] : memref<3x!tpu.dma_semaphore, #tpu.memory_space<semaphore_mem>> -> memref<1x!tpu.dma_semaphore, #tpu.memory_space<semaphore_mem>>
    %dma_wait3A_536 = tpu.memref_squeeze %dma_wait3A_535 : memref<1x!tpu.dma_semaphore, #tpu.memory_space<semaphore_mem>> -> memref<!tpu.dma_semaphore, #tpu.memory_space<semaphore_mem>>
    %dma_wait3A_537 = arith.constant 0 : i32
    %dma_wait3A_538 = tpu.memref_slice %arg4[%add3A_510, %dma_wait3A_537] : memref<16384x1024xf32, #tpu.memory_space<hbm>> -> memref<32x1024xf32, #tpu.memory_space<hbm>>
    %dma_wait3A_539 = arith.constant 0 : i32
    %dma_wait3A_540 = arith.constant 0 : i32
    %dma_wait3A_541 = tpu.memref_slice %arg6[%dma_wait3A_527, %dma_wait3A_539, %dma_wait3A_540] : memref<3x32x1024xf32, #tpu.memory_space<vmem>> -> memref<1x32x1024xf32, #tpu.memory_space<vmem>>
    %dma_wait3A_542 = tpu.memref_squeeze %dma_wait3A_541 : memref<1x32x1024xf32, #tpu.memory_space<vmem>> -> memref<32x1024xf32, #tpu.memory_space<vmem>>
    tpu.wait_dma2 semaphore(%dma_wait3A_536 : memref<!tpu.dma_semaphore, #tpu.memory_space<semaphore_mem>>) src(%dma_wait3A_542 : memref<32x1024xf32, #tpu.memory_space<vmem>>) dst(%dma_wait3A_538 : memref<32x1024xf32, #tpu.memory_space<hbm>>)
    %dma_start3A_543 = arith.constant 10 : i32
    %dma_start3A_544 = arith.constant 1 : i32
    %dma_start3A_545 = arith.constant 1 : i32
    %dma_start3A_546 = arith.constant 0 : i32
    %dma_start3A_547 = arith.constant 0 : i32
    %dma_start3A_548 = tpu.memref_slice %arg6[%dma_start3A_544, %dma_start3A_546, %dma_start3A_547] : memref<3x32x1024xf32, #tpu.memory_space<vmem>> -> memref<1x32x1024xf32, #tpu.memory_space<vmem>>
    %dma_start3A_549 = tpu.memref_squeeze %dma_start3A_548 : memref<1x32x1024xf32, #tpu.memory_space<vmem>> -> memref<32x1024xf32, #tpu.memory_space<vmem>>
    %dma_start3A_550 = arith.constant 0 : i32
    %dma_start3A_551 = tpu.memref_slice %arg5[%dma_start3A_543, %dma_start3A_550] : memref<16x32xi32, #tpu.memory_space<vmem>> -> memref<1x32xi32, #tpu.memory_space<vmem>>
    %dma_start3A_552 = tpu.memref_squeeze %dma_start3A_551 : memref<1x32xi32, #tpu.memory_space<vmem>> -> memref<32xi32, #tpu.memory_space<vmem>>
    %dma_start3A_553 = arith.constant 0 : i32
    %dma_start3A_554 = arith.constant 0 : i32
    %dma_start3A_555 = tpu.memref_slice %arg3[%dma_start3A_553, %dma_start3A_554] : memref<100000x1024xf32, #tpu.memory_space<hbm>> -> memref<100000x1024xf32, #tpu.memory_space<hbm>>
    %dma_start3A_556 = tpu.memref_slice %arg7[%dma_start3A_545] : memref<3x!tpu.dma_semaphore, #tpu.memory_space<semaphore_mem>> -> memref<1x!tpu.dma_semaphore, #tpu.memory_space<semaphore_mem>>
    %dma_start3A_557 = tpu.memref_squeeze %dma_start3A_556 : memref<1x!tpu.dma_semaphore, #tpu.memory_space<semaphore_mem>> -> memref<!tpu.dma_semaphore, #tpu.memory_space<semaphore_mem>>
    tpu.enqueue_indirect_dma source(%dma_start3A_555 : memref<100000x1024xf32, #tpu.memory_space<hbm>>) target(%dma_start3A_549 : memref<32x1024xf32, #tpu.memory_space<vmem>>) offsets(%dma_start3A_552 : memref<32xi32, #tpu.memory_space<vmem>>) semaphore(%dma_start3A_557 : memref<!tpu.dma_semaphore, #tpu.memory_space<semaphore_mem>>)
    %dma_wait3A_558 = arith.constant 8 : i32
    %dma_wait3A_559 = arith.constant 2 : i32
    %dma_wait3A_560 = arith.constant 2 : i32
    %dma_wait3A_561 = arith.constant 0 : i32
    %dma_wait3A_562 = arith.constant 0 : i32
    %dma_wait3A_563 = tpu.memref_slice %arg6[%dma_wait3A_559, %dma_wait3A_561, %dma_wait3A_562] : memref<3x32x1024xf32, #tpu.memory_space<vmem>> -> memref<1x32x1024xf32, #tpu.memory_space<vmem>>
    %dma_wait3A_564 = tpu.memref_squeeze %dma_wait3A_563 : memref<1x32x1024xf32, #tpu.memory_space<vmem>> -> memref<32x1024xf32, #tpu.memory_space<vmem>>
    %dma_wait3A_565 = arith.constant 0 : i32
    %dma_wait3A_566 = tpu.memref_slice %arg5[%dma_wait3A_558, %dma_wait3A_565] : memref<16x32xi32, #tpu.memory_space<vmem>> -> memref<1x32xi32, #tpu.memory_space<vmem>>
    %dma_wait3A_567 = tpu.memref_squeeze %dma_wait3A_566 : memref<1x32xi32, #tpu.memory_space<vmem>> -> memref<32xi32, #tpu.memory_space<vmem>>
    %dma_wait3A_568 = arith.constant 0 : i32
    %dma_wait3A_569 = arith.constant 0 : i32
    %dma_wait3A_570 = tpu.memref_slice %arg3[%dma_wait3A_568, %dma_wait3A_569] : memref<100000x1024xf32, #tpu.memory_space<hbm>> -> memref<100000x1024xf32, #tpu.memory_space<hbm>>
    %dma_wait3A_571 = tpu.memref_slice %arg7[%dma_wait3A_560] : memref<3x!tpu.dma_semaphore, #tpu.memory_space<semaphore_mem>> -> memref<1x!tpu.dma_semaphore, #tpu.memory_space<semaphore_mem>>
    %dma_wait3A_572 = tpu.memref_squeeze %dma_wait3A_571 : memref<1x!tpu.dma_semaphore, #tpu.memory_space<semaphore_mem>> -> memref<!tpu.dma_semaphore, #tpu.memory_space<semaphore_mem>>
    tpu.wait_indirect_dma semaphore(%dma_wait3A_572 : memref<!tpu.dma_semaphore, #tpu.memory_space<semaphore_mem>>) src(%dma_wait3A_570 : memref<100000x1024xf32, #tpu.memory_space<hbm>>) dst(%dma_wait3A_564 : memref<32x1024xf32, #tpu.memory_space<vmem>>)
    %add3A_573 = arith.constant 256 : i32
    %add3A_574 = arith.addi %mul3A_2, %add3A_573 : i32
    %dma_start3A_575 = arith.constant 2 : i32
    %dma_start3A_576 = arith.constant 2 : i32
    %dma_start3A_577 = arith.constant 0 : i32
    %dma_start3A_578 = arith.constant 0 : i32
    %dma_start3A_579 = tpu.memref_slice %arg6[%dma_start3A_575, %dma_start3A_577, %dma_start3A_578] : memref<3x32x1024xf32, #tpu.memory_space<vmem>> -> memref<1x32x1024xf32, #tpu.memory_space<vmem>>
    %dma_start3A_580 = tpu.memref_squeeze %dma_start3A_579 : memref<1x32x1024xf32, #tpu.memory_space<vmem>> -> memref<32x1024xf32, #tpu.memory_space<vmem>>
    %dma_start3A_581 = arith.constant 0 : i32
    %dma_start3A_582 = tpu.memref_slice %arg4[%add3A_574, %dma_start3A_581] : memref<16384x1024xf32, #tpu.memory_space<hbm>> -> memref<32x1024xf32, #tpu.memory_space<hbm>>
    %dma_start3A_583 = tpu.memref_slice %arg8[%dma_start3A_576] : memref<3x!tpu.dma_semaphore, #tpu.memory_space<semaphore_mem>> -> memref<1x!tpu.dma_semaphore, #tpu.memory_space<semaphore_mem>>
    %dma_start3A_584 = tpu.memref_squeeze %dma_start3A_583 : memref<1x!tpu.dma_semaphore, #tpu.memory_space<semaphore_mem>> -> memref<!tpu.dma_semaphore, #tpu.memory_space<semaphore_mem>>
    %dma_start3A_585 = arith.constant 0 : i32
    %dma_start3A_586 = tpu.memref_slice %arg4[%add3A_574, %dma_start3A_585] : memref<16384x1024xf32, #tpu.memory_space<hbm>> -> memref<32x1024xf32, #tpu.memory_space<hbm>>
    %dma_start3A_587 = arith.constant 0 : i32
    %dma_start3A_588 = arith.constant 0 : i32
    %dma_start3A_589 = tpu.memref_slice %arg6[%dma_start3A_575, %dma_start3A_587, %dma_start3A_588] : memref<3x32x1024xf32, #tpu.memory_space<vmem>> -> memref<1x32x1024xf32, #tpu.memory_space<vmem>>
    %dma_start3A_590 = tpu.memref_squeeze %dma_start3A_589 : memref<1x32x1024xf32, #tpu.memory_space<vmem>> -> memref<32x1024xf32, #tpu.memory_space<vmem>>
    tpu.enqueue_dma source(%dma_start3A_590 : memref<32x1024xf32, #tpu.memory_space<vmem>>) target(%dma_start3A_586 : memref<32x1024xf32, #tpu.memory_space<hbm>>) target_semaphore(%dma_start3A_584 : memref<!tpu.dma_semaphore, #tpu.memory_space<semaphore_mem>>)
    %dma_wait3A_591 = arith.constant 2 : i32
    %dma_wait3A_592 = arith.constant 2 : i32
    %dma_wait3A_593 = arith.constant 0 : i32
    %dma_wait3A_594 = arith.constant 0 : i32
    %dma_wait3A_595 = tpu.memref_slice %arg6[%dma_wait3A_591, %dma_wait3A_593, %dma_wait3A_594] : memref<3x32x1024xf32, #tpu.memory_space<vmem>> -> memref<1x32x1024xf32, #tpu.memory_space<vmem>>
    %dma_wait3A_596 = tpu.memref_squeeze %dma_wait3A_595 : memref<1x32x1024xf32, #tpu.memory_space<vmem>> -> memref<32x1024xf32, #tpu.memory_space<vmem>>
    %dma_wait3A_597 = arith.constant 0 : i32
    %dma_wait3A_598 = tpu.memref_slice %arg4[%add3A_574, %dma_wait3A_597] : memref<16384x1024xf32, #tpu.memory_space<hbm>> -> memref<32x1024xf32, #tpu.memory_space<hbm>>
    %dma_wait3A_599 = tpu.memref_slice %arg8[%dma_wait3A_592] : memref<3x!tpu.dma_semaphore, #tpu.memory_space<semaphore_mem>> -> memref<1x!tpu.dma_semaphore, #tpu.memory_space<semaphore_mem>>
    %dma_wait3A_600 = tpu.memref_squeeze %dma_wait3A_599 : memref<1x!tpu.dma_semaphore, #tpu.memory_space<semaphore_mem>> -> memref<!tpu.dma_semaphore, #tpu.memory_space<semaphore_mem>>
    %dma_wait3A_601 = arith.constant 0 : i32
    %dma_wait3A_602 = tpu.memref_slice %arg4[%add3A_574, %dma_wait3A_601] : memref<16384x1024xf32, #tpu.memory_space<hbm>> -> memref<32x1024xf32, #tpu.memory_space<hbm>>
    %dma_wait3A_603 = arith.constant 0 : i32
    %dma_wait3A_604 = arith.constant 0 : i32
    %dma_wait3A_605 = tpu.memref_slice %arg6[%dma_wait3A_591, %dma_wait3A_603, %dma_wait3A_604] : memref<3x32x1024xf32, #tpu.memory_space<vmem>> -> memref<1x32x1024xf32, #tpu.memory_space<vmem>>
    %dma_wait3A_606 = tpu.memref_squeeze %dma_wait3A_605 : memref<1x32x1024xf32, #tpu.memory_space<vmem>> -> memref<32x1024xf32, #tpu.memory_space<vmem>>
    tpu.wait_dma2 semaphore(%dma_wait3A_600 : memref<!tpu.dma_semaphore, #tpu.memory_space<semaphore_mem>>) src(%dma_wait3A_606 : memref<32x1024xf32, #tpu.memory_space<vmem>>) dst(%dma_wait3A_602 : memref<32x1024xf32, #tpu.memory_space<hbm>>)
    %dma_start3A_607 = arith.constant 11 : i32
    %dma_start3A_608 = arith.constant 2 : i32
    %dma_start3A_609 = arith.constant 2 : i32
    %dma_start3A_610 = arith.constant 0 : i32
    %dma_start3A_611 = arith.constant 0 : i32
    %dma_start3A_612 = tpu.memref_slice %arg6[%dma_start3A_608, %dma_start3A_610, %dma_start3A_611] : memref<3x32x1024xf32, #tpu.memory_space<vmem>> -> memref<1x32x1024xf32, #tpu.memory_space<vmem>>
    %dma_start3A_613 = tpu.memref_squeeze %dma_start3A_612 : memref<1x32x1024xf32, #tpu.memory_space<vmem>> -> memref<32x1024xf32, #tpu.memory_space<vmem>>
    %dma_start3A_614 = arith.constant 0 : i32
    %dma_start3A_615 = tpu.memref_slice %arg5[%dma_start3A_607, %dma_start3A_614] : memref<16x32xi32, #tpu.memory_space<vmem>> -> memref<1x32xi32, #tpu.memory_space<vmem>>
    %dma_start3A_616 = tpu.memref_squeeze %dma_start3A_615 : memref<1x32xi32, #tpu.memory_space<vmem>> -> memref<32xi32, #tpu.memory_space<vmem>>
    %dma_start3A_617 = arith.constant 0 : i32
    %dma_start3A_618 = arith.constant 0 : i32
    %dma_start3A_619 = tpu.memref_slice %arg3[%dma_start3A_617, %dma_start3A_618] : memref<100000x1024xf32, #tpu.memory_space<hbm>> -> memref<100000x1024xf32, #tpu.memory_space<hbm>>
    %dma_start3A_620 = tpu.memref_slice %arg7[%dma_start3A_609] : memref<3x!tpu.dma_semaphore, #tpu.memory_space<semaphore_mem>> -> memref<1x!tpu.dma_semaphore, #tpu.memory_space<semaphore_mem>>
    %dma_start3A_621 = tpu.memref_squeeze %dma_start3A_620 : memref<1x!tpu.dma_semaphore, #tpu.memory_space<semaphore_mem>> -> memref<!tpu.dma_semaphore, #tpu.memory_space<semaphore_mem>>
    tpu.enqueue_indirect_dma source(%dma_start3A_619 : memref<100000x1024xf32, #tpu.memory_space<hbm>>) target(%dma_start3A_613 : memref<32x1024xf32, #tpu.memory_space<vmem>>) offsets(%dma_start3A_616 : memref<32xi32, #tpu.memory_space<vmem>>) semaphore(%dma_start3A_621 : memref<!tpu.dma_semaphore, #tpu.memory_space<semaphore_mem>>)
    %dma_wait3A_622 = arith.constant 9 : i32
    %dma_wait3A_623 = arith.constant 0 : i32
    %dma_wait3A_624 = arith.constant 0 : i32
    %dma_wait3A_625 = arith.constant 0 : i32
    %dma_wait3A_626 = arith.constant 0 : i32
    %dma_wait3A_627 = tpu.memref_slice %arg6[%dma_wait3A_623, %dma_wait3A_625, %dma_wait3A_626] : memref<3x32x1024xf32, #tpu.memory_space<vmem>> -> memref<1x32x1024xf32, #tpu.memory_space<vmem>>
    %dma_wait3A_628 = tpu.memref_squeeze %dma_wait3A_627 : memref<1x32x1024xf32, #tpu.memory_space<vmem>> -> memref<32x1024xf32, #tpu.memory_space<vmem>>
    %dma_wait3A_629 = arith.constant 0 : i32
    %dma_wait3A_630 = tpu.memref_slice %arg5[%dma_wait3A_622, %dma_wait3A_629] : memref<16x32xi32, #tpu.memory_space<vmem>> -> memref<1x32xi32, #tpu.memory_space<vmem>>
    %dma_wait3A_631 = tpu.memref_squeeze %dma_wait3A_630 : memref<1x32xi32, #tpu.memory_space<vmem>> -> memref<32xi32, #tpu.memory_space<vmem>>
    %dma_wait3A_632 = arith.constant 0 : i32
    %dma_wait3A_633 = arith.constant 0 : i32
    %dma_wait3A_634 = tpu.memref_slice %arg3[%dma_wait3A_632, %dma_wait3A_633] : memref<100000x1024xf32, #tpu.memory_space<hbm>> -> memref<100000x1024xf32, #tpu.memory_space<hbm>>
    %dma_wait3A_635 = tpu.memref_slice %arg7[%dma_wait3A_624] : memref<3x!tpu.dma_semaphore, #tpu.memory_space<semaphore_mem>> -> memref<1x!tpu.dma_semaphore, #tpu.memory_space<semaphore_mem>>
    %dma_wait3A_636 = tpu.memref_squeeze %dma_wait3A_635 : memref<1x!tpu.dma_semaphore, #tpu.memory_space<semaphore_mem>> -> memref<!tpu.dma_semaphore, #tpu.memory_space<semaphore_mem>>
    tpu.wait_indirect_dma semaphore(%dma_wait3A_636 : memref<!tpu.dma_semaphore, #tpu.memory_space<semaphore_mem>>) src(%dma_wait3A_634 : memref<100000x1024xf32, #tpu.memory_space<hbm>>) dst(%dma_wait3A_628 : memref<32x1024xf32, #tpu.memory_space<vmem>>)
    %add3A_637 = arith.constant 288 : i32
    %add3A_638 = arith.addi %mul3A_2, %add3A_637 : i32
    %dma_start3A_639 = arith.constant 0 : i32
    %dma_start3A_640 = arith.constant 0 : i32
    %dma_start3A_641 = arith.constant 0 : i32
    %dma_start3A_642 = arith.constant 0 : i32
    %dma_start3A_643 = tpu.memref_slice %arg6[%dma_start3A_639, %dma_start3A_641, %dma_start3A_642] : memref<3x32x1024xf32, #tpu.memory_space<vmem>> -> memref<1x32x1024xf32, #tpu.memory_space<vmem>>
    %dma_start3A_644 = tpu.memref_squeeze %dma_start3A_643 : memref<1x32x1024xf32, #tpu.memory_space<vmem>> -> memref<32x1024xf32, #tpu.memory_space<vmem>>
    %dma_start3A_645 = arith.constant 0 : i32
    %dma_start3A_646 = tpu.memref_slice %arg4[%add3A_638, %dma_start3A_645] : memref<16384x1024xf32, #tpu.memory_space<hbm>> -> memref<32x1024xf32, #tpu.memory_space<hbm>>
    %dma_start3A_647 = tpu.memref_slice %arg8[%dma_start3A_640] : memref<3x!tpu.dma_semaphore, #tpu.memory_space<semaphore_mem>> -> memref<1x!tpu.dma_semaphore, #tpu.memory_space<semaphore_mem>>
    %dma_start3A_648 = tpu.memref_squeeze %dma_start3A_647 : memref<1x!tpu.dma_semaphore, #tpu.memory_space<semaphore_mem>> -> memref<!tpu.dma_semaphore, #tpu.memory_space<semaphore_mem>>
    %dma_start3A_649 = arith.constant 0 : i32
    %dma_start3A_650 = tpu.memref_slice %arg4[%add3A_638, %dma_start3A_649] : memref<16384x1024xf32, #tpu.memory_space<hbm>> -> memref<32x1024xf32, #tpu.memory_space<hbm>>
    %dma_start3A_651 = arith.constant 0 : i32
    %dma_start3A_652 = arith.constant 0 : i32
    %dma_start3A_653 = tpu.memref_slice %arg6[%dma_start3A_639, %dma_start3A_651, %dma_start3A_652] : memref<3x32x1024xf32, #tpu.memory_space<vmem>> -> memref<1x32x1024xf32, #tpu.memory_space<vmem>>
    %dma_start3A_654 = tpu.memref_squeeze %dma_start3A_653 : memref<1x32x1024xf32, #tpu.memory_space<vmem>> -> memref<32x1024xf32, #tpu.memory_space<vmem>>
    tpu.enqueue_dma source(%dma_start3A_654 : memref<32x1024xf32, #tpu.memory_space<vmem>>) target(%dma_start3A_650 : memref<32x1024xf32, #tpu.memory_space<hbm>>) target_semaphore(%dma_start3A_648 : memref<!tpu.dma_semaphore, #tpu.memory_space<semaphore_mem>>)
    %dma_wait3A_655 = arith.constant 0 : i32
    %dma_wait3A_656 = arith.constant 0 : i32
    %dma_wait3A_657 = arith.constant 0 : i32
    %dma_wait3A_658 = arith.constant 0 : i32
    %dma_wait3A_659 = tpu.memref_slice %arg6[%dma_wait3A_655, %dma_wait3A_657, %dma_wait3A_658] : memref<3x32x1024xf32, #tpu.memory_space<vmem>> -> memref<1x32x1024xf32, #tpu.memory_space<vmem>>
    %dma_wait3A_660 = tpu.memref_squeeze %dma_wait3A_659 : memref<1x32x1024xf32, #tpu.memory_space<vmem>> -> memref<32x1024xf32, #tpu.memory_space<vmem>>
    %dma_wait3A_661 = arith.constant 0 : i32
    %dma_wait3A_662 = tpu.memref_slice %arg4[%add3A_638, %dma_wait3A_661] : memref<16384x1024xf32, #tpu.memory_space<hbm>> -> memref<32x1024xf32, #tpu.memory_space<hbm>>
    %dma_wait3A_663 = tpu.memref_slice %arg8[%dma_wait3A_656] : memref<3x!tpu.dma_semaphore, #tpu.memory_space<semaphore_mem>> -> memref<1x!tpu.dma_semaphore, #tpu.memory_space<semaphore_mem>>
    %dma_wait3A_664 = tpu.memref_squeeze %dma_wait3A_663 : memref<1x!tpu.dma_semaphore, #tpu.memory_space<semaphore_mem>> -> memref<!tpu.dma_semaphore, #tpu.memory_space<semaphore_mem>>
    %dma_wait3A_665 = arith.constant 0 : i32
    %dma_wait3A_666 = tpu.memref_slice %arg4[%add3A_638, %dma_wait3A_665] : memref<16384x1024xf32, #tpu.memory_space<hbm>> -> memref<32x1024xf32, #tpu.memory_space<hbm>>
    %dma_wait3A_667 = arith.constant 0 : i32
    %dma_wait3A_668 = arith.constant 0 : i32
    %dma_wait3A_669 = tpu.memref_slice %arg6[%dma_wait3A_655, %dma_wait3A_667, %dma_wait3A_668] : memref<3x32x1024xf32, #tpu.memory_space<vmem>> -> memref<1x32x1024xf32, #tpu.memory_space<vmem>>
    %dma_wait3A_670 = tpu.memref_squeeze %dma_wait3A_669 : memref<1x32x1024xf32, #tpu.memory_space<vmem>> -> memref<32x1024xf32, #tpu.memory_space<vmem>>
    tpu.wait_dma2 semaphore(%dma_wait3A_664 : memref<!tpu.dma_semaphore, #tpu.memory_space<semaphore_mem>>) src(%dma_wait3A_670 : memref<32x1024xf32, #tpu.memory_space<vmem>>) dst(%dma_wait3A_666 : memref<32x1024xf32, #tpu.memory_space<hbm>>)
    %dma_start3A_671 = arith.constant 12 : i32
    %dma_start3A_672 = arith.constant 0 : i32
    %dma_start3A_673 = arith.constant 0 : i32
    %dma_start3A_674 = arith.constant 0 : i32
    %dma_start3A_675 = arith.constant 0 : i32
    %dma_start3A_676 = tpu.memref_slice %arg6[%dma_start3A_672, %dma_start3A_674, %dma_start3A_675] : memref<3x32x1024xf32, #tpu.memory_space<vmem>> -> memref<1x32x1024xf32, #tpu.memory_space<vmem>>
    %dma_start3A_677 = tpu.memref_squeeze %dma_start3A_676 : memref<1x32x1024xf32, #tpu.memory_space<vmem>> -> memref<32x1024xf32, #tpu.memory_space<vmem>>
    %dma_start3A_678 = arith.constant 0 : i32
    %dma_start3A_679 = tpu.memref_slice %arg5[%dma_start3A_671, %dma_start3A_678] : memref<16x32xi32, #tpu.memory_space<vmem>> -> memref<1x32xi32, #tpu.memory_space<vmem>>
    %dma_start3A_680 = tpu.memref_squeeze %dma_start3A_679 : memref<1x32xi32, #tpu.memory_space<vmem>> -> memref<32xi32, #tpu.memory_space<vmem>>
    %dma_start3A_681 = arith.constant 0 : i32
    %dma_start3A_682 = arith.constant 0 : i32
    %dma_start3A_683 = tpu.memref_slice %arg3[%dma_start3A_681, %dma_start3A_682] : memref<100000x1024xf32, #tpu.memory_space<hbm>> -> memref<100000x1024xf32, #tpu.memory_space<hbm>>
    %dma_start3A_684 = tpu.memref_slice %arg7[%dma_start3A_673] : memref<3x!tpu.dma_semaphore, #tpu.memory_space<semaphore_mem>> -> memref<1x!tpu.dma_semaphore, #tpu.memory_space<semaphore_mem>>
    %dma_start3A_685 = tpu.memref_squeeze %dma_start3A_684 : memref<1x!tpu.dma_semaphore, #tpu.memory_space<semaphore_mem>> -> memref<!tpu.dma_semaphore, #tpu.memory_space<semaphore_mem>>
    tpu.enqueue_indirect_dma source(%dma_start3A_683 : memref<100000x1024xf32, #tpu.memory_space<hbm>>) target(%dma_start3A_677 : memref<32x1024xf32, #tpu.memory_space<vmem>>) offsets(%dma_start3A_680 : memref<32xi32, #tpu.memory_space<vmem>>) semaphore(%dma_start3A_685 : memref<!tpu.dma_semaphore, #tpu.memory_space<semaphore_mem>>)
    %dma_wait3A_686 = arith.constant 10 : i32
    %dma_wait3A_687 = arith.constant 1 : i32
    %dma_wait3A_688 = arith.constant 1 : i32
    %dma_wait3A_689 = arith.constant 0 : i32
    %dma_wait3A_690 = arith.constant 0 : i32
    %dma_wait3A_691 = tpu.memref_slice %arg6[%dma_wait3A_687, %dma_wait3A_689, %dma_wait3A_690] : memref<3x32x1024xf32, #tpu.memory_space<vmem>> -> memref<1x32x1024xf32, #tpu.memory_space<vmem>>
    %dma_wait3A_692 = tpu.memref_squeeze %dma_wait3A_691 : memref<1x32x1024xf32, #tpu.memory_space<vmem>> -> memref<32x1024xf32, #tpu.memory_space<vmem>>
    %dma_wait3A_693 = arith.constant 0 : i32
    %dma_wait3A_694 = tpu.memref_slice %arg5[%dma_wait3A_686, %dma_wait3A_693] : memref<16x32xi32, #tpu.memory_space<vmem>> -> memref<1x32xi32, #tpu.memory_space<vmem>>
    %dma_wait3A_695 = tpu.memref_squeeze %dma_wait3A_694 : memref<1x32xi32, #tpu.memory_space<vmem>> -> memref<32xi32, #tpu.memory_space<vmem>>
    %dma_wait3A_696 = arith.constant 0 : i32
    %dma_wait3A_697 = arith.constant 0 : i32
    %dma_wait3A_698 = tpu.memref_slice %arg3[%dma_wait3A_696, %dma_wait3A_697] : memref<100000x1024xf32, #tpu.memory_space<hbm>> -> memref<100000x1024xf32, #tpu.memory_space<hbm>>
    %dma_wait3A_699 = tpu.memref_slice %arg7[%dma_wait3A_688] : memref<3x!tpu.dma_semaphore, #tpu.memory_space<semaphore_mem>> -> memref<1x!tpu.dma_semaphore, #tpu.memory_space<semaphore_mem>>
    %dma_wait3A_700 = tpu.memref_squeeze %dma_wait3A_699 : memref<1x!tpu.dma_semaphore, #tpu.memory_space<semaphore_mem>> -> memref<!tpu.dma_semaphore, #tpu.memory_space<semaphore_mem>>
    tpu.wait_indirect_dma semaphore(%dma_wait3A_700 : memref<!tpu.dma_semaphore, #tpu.memory_space<semaphore_mem>>) src(%dma_wait3A_698 : memref<100000x1024xf32, #tpu.memory_space<hbm>>) dst(%dma_wait3A_692 : memref<32x1024xf32, #tpu.memory_space<vmem>>)
    %add3A_701 = arith.constant 320 : i32
    %add3A_702 = arith.addi %mul3A_2, %add3A_701 : i32
    %dma_start3A_703 = arith.constant 1 : i32
    %dma_start3A_704 = arith.constant 1 : i32
    %dma_start3A_705 = arith.constant 0 : i32
    %dma_start3A_706 = arith.constant 0 : i32
    %dma_start3A_707 = tpu.memref_slice %arg6[%dma_start3A_703, %dma_start3A_705, %dma_start3A_706] : memref<3x32x1024xf32, #tpu.memory_space<vmem>> -> memref<1x32x1024xf32, #tpu.memory_space<vmem>>
    %dma_start3A_708 = tpu.memref_squeeze %dma_start3A_707 : memref<1x32x1024xf32, #tpu.memory_space<vmem>> -> memref<32x1024xf32, #tpu.memory_space<vmem>>
    %dma_start3A_709 = arith.constant 0 : i32
    %dma_start3A_710 = tpu.memref_slice %arg4[%add3A_702, %dma_start3A_709] : memref<16384x1024xf32, #tpu.memory_space<hbm>> -> memref<32x1024xf32, #tpu.memory_space<hbm>>
    %dma_start3A_711 = tpu.memref_slice %arg8[%dma_start3A_704] : memref<3x!tpu.dma_semaphore, #tpu.memory_space<semaphore_mem>> -> memref<1x!tpu.dma_semaphore, #tpu.memory_space<semaphore_mem>>
    %dma_start3A_712 = tpu.memref_squeeze %dma_start3A_711 : memref<1x!tpu.dma_semaphore, #tpu.memory_space<semaphore_mem>> -> memref<!tpu.dma_semaphore, #tpu.memory_space<semaphore_mem>>
    %dma_start3A_713 = arith.constant 0 : i32
    %dma_start3A_714 = tpu.memref_slice %arg4[%add3A_702, %dma_start3A_713] : memref<16384x1024xf32, #tpu.memory_space<hbm>> -> memref<32x1024xf32, #tpu.memory_space<hbm>>
    %dma_start3A_715 = arith.constant 0 : i32
    %dma_start3A_716 = arith.constant 0 : i32
    %dma_start3A_717 = tpu.memref_slice %arg6[%dma_start3A_703, %dma_start3A_715, %dma_start3A_716] : memref<3x32x1024xf32, #tpu.memory_space<vmem>> -> memref<1x32x1024xf32, #tpu.memory_space<vmem>>
    %dma_start3A_718 = tpu.memref_squeeze %dma_start3A_717 : memref<1x32x1024xf32, #tpu.memory_space<vmem>> -> memref<32x1024xf32, #tpu.memory_space<vmem>>
    tpu.enqueue_dma source(%dma_start3A_718 : memref<32x1024xf32, #tpu.memory_space<vmem>>) target(%dma_start3A_714 : memref<32x1024xf32, #tpu.memory_space<hbm>>) target_semaphore(%dma_start3A_712 : memref<!tpu.dma_semaphore, #tpu.memory_space<semaphore_mem>>)
    %dma_wait3A_719 = arith.constant 1 : i32
    %dma_wait3A_720 = arith.constant 1 : i32
    %dma_wait3A_721 = arith.constant 0 : i32
    %dma_wait3A_722 = arith.constant 0 : i32
    %dma_wait3A_723 = tpu.memref_slice %arg6[%dma_wait3A_719, %dma_wait3A_721, %dma_wait3A_722] : memref<3x32x1024xf32, #tpu.memory_space<vmem>> -> memref<1x32x1024xf32, #tpu.memory_space<vmem>>
    %dma_wait3A_724 = tpu.memref_squeeze %dma_wait3A_723 : memref<1x32x1024xf32, #tpu.memory_space<vmem>> -> memref<32x1024xf32, #tpu.memory_space<vmem>>
    %dma_wait3A_725 = arith.constant 0 : i32
    %dma_wait3A_726 = tpu.memref_slice %arg4[%add3A_702, %dma_wait3A_725] : memref<16384x1024xf32, #tpu.memory_space<hbm>> -> memref<32x1024xf32, #tpu.memory_space<hbm>>
    %dma_wait3A_727 = tpu.memref_slice %arg8[%dma_wait3A_720] : memref<3x!tpu.dma_semaphore, #tpu.memory_space<semaphore_mem>> -> memref<1x!tpu.dma_semaphore, #tpu.memory_space<semaphore_mem>>
    %dma_wait3A_728 = tpu.memref_squeeze %dma_wait3A_727 : memref<1x!tpu.dma_semaphore, #tpu.memory_space<semaphore_mem>> -> memref<!tpu.dma_semaphore, #tpu.memory_space<semaphore_mem>>
    %dma_wait3A_729 = arith.constant 0 : i32
    %dma_wait3A_730 = tpu.memref_slice %arg4[%add3A_702, %dma_wait3A_729] : memref<16384x1024xf32, #tpu.memory_space<hbm>> -> memref<32x1024xf32, #tpu.memory_space<hbm>>
    %dma_wait3A_731 = arith.constant 0 : i32
    %dma_wait3A_732 = arith.constant 0 : i32
    %dma_wait3A_733 = tpu.memref_slice %arg6[%dma_wait3A_719, %dma_wait3A_731, %dma_wait3A_732] : memref<3x32x1024xf32, #tpu.memory_space<vmem>> -> memref<1x32x1024xf32, #tpu.memory_space<vmem>>
    %dma_wait3A_734 = tpu.memref_squeeze %dma_wait3A_733 : memref<1x32x1024xf32, #tpu.memory_space<vmem>> -> memref<32x1024xf32, #tpu.memory_space<vmem>>
    tpu.wait_dma2 semaphore(%dma_wait3A_728 : memref<!tpu.dma_semaphore, #tpu.memory_space<semaphore_mem>>) src(%dma_wait3A_734 : memref<32x1024xf32, #tpu.memory_space<vmem>>) dst(%dma_wait3A_730 : memref<32x1024xf32, #tpu.memory_space<hbm>>)
    %dma_start3A_735 = arith.constant 13 : i32
    %dma_start3A_736 = arith.constant 1 : i32
    %dma_start3A_737 = arith.constant 1 : i32
    %dma_start3A_738 = arith.constant 0 : i32
    %dma_start3A_739 = arith.constant 0 : i32
    %dma_start3A_740 = tpu.memref_slice %arg6[%dma_start3A_736, %dma_start3A_738, %dma_start3A_739] : memref<3x32x1024xf32, #tpu.memory_space<vmem>> -> memref<1x32x1024xf32, #tpu.memory_space<vmem>>
    %dma_start3A_741 = tpu.memref_squeeze %dma_start3A_740 : memref<1x32x1024xf32, #tpu.memory_space<vmem>> -> memref<32x1024xf32, #tpu.memory_space<vmem>>
    %dma_start3A_742 = arith.constant 0 : i32
    %dma_start3A_743 = tpu.memref_slice %arg5[%dma_start3A_735, %dma_start3A_742] : memref<16x32xi32, #tpu.memory_space<vmem>> -> memref<1x32xi32, #tpu.memory_space<vmem>>
    %dma_start3A_744 = tpu.memref_squeeze %dma_start3A_743 : memref<1x32xi32, #tpu.memory_space<vmem>> -> memref<32xi32, #tpu.memory_space<vmem>>
    %dma_start3A_745 = arith.constant 0 : i32
    %dma_start3A_746 = arith.constant 0 : i32
    %dma_start3A_747 = tpu.memref_slice %arg3[%dma_start3A_745, %dma_start3A_746] : memref<100000x1024xf32, #tpu.memory_space<hbm>> -> memref<100000x1024xf32, #tpu.memory_space<hbm>>
    %dma_start3A_748 = tpu.memref_slice %arg7[%dma_start3A_737] : memref<3x!tpu.dma_semaphore, #tpu.memory_space<semaphore_mem>> -> memref<1x!tpu.dma_semaphore, #tpu.memory_space<semaphore_mem>>
    %dma_start3A_749 = tpu.memref_squeeze %dma_start3A_748 : memref<1x!tpu.dma_semaphore, #tpu.memory_space<semaphore_mem>> -> memref<!tpu.dma_semaphore, #tpu.memory_space<semaphore_mem>>
    tpu.enqueue_indirect_dma source(%dma_start3A_747 : memref<100000x1024xf32, #tpu.memory_space<hbm>>) target(%dma_start3A_741 : memref<32x1024xf32, #tpu.memory_space<vmem>>) offsets(%dma_start3A_744 : memref<32xi32, #tpu.memory_space<vmem>>) semaphore(%dma_start3A_749 : memref<!tpu.dma_semaphore, #tpu.memory_space<semaphore_mem>>)
    %dma_wait3A_750 = arith.constant 11 : i32
    %dma_wait3A_751 = arith.constant 2 : i32
    %dma_wait3A_752 = arith.constant 2 : i32
    %dma_wait3A_753 = arith.constant 0 : i32
    %dma_wait3A_754 = arith.constant 0 : i32
    %dma_wait3A_755 = tpu.memref_slice %arg6[%dma_wait3A_751, %dma_wait3A_753, %dma_wait3A_754] : memref<3x32x1024xf32, #tpu.memory_space<vmem>> -> memref<1x32x1024xf32, #tpu.memory_space<vmem>>
    %dma_wait3A_756 = tpu.memref_squeeze %dma_wait3A_755 : memref<1x32x1024xf32, #tpu.memory_space<vmem>> -> memref<32x1024xf32, #tpu.memory_space<vmem>>
    %dma_wait3A_757 = arith.constant 0 : i32
    %dma_wait3A_758 = tpu.memref_slice %arg5[%dma_wait3A_750, %dma_wait3A_757] : memref<16x32xi32, #tpu.memory_space<vmem>> -> memref<1x32xi32, #tpu.memory_space<vmem>>
    %dma_wait3A_759 = tpu.memref_squeeze %dma_wait3A_758 : memref<1x32xi32, #tpu.memory_space<vmem>> -> memref<32xi32, #tpu.memory_space<vmem>>
    %dma_wait3A_760 = arith.constant 0 : i32
    %dma_wait3A_761 = arith.constant 0 : i32
    %dma_wait3A_762 = tpu.memref_slice %arg3[%dma_wait3A_760, %dma_wait3A_761] : memref<100000x1024xf32, #tpu.memory_space<hbm>> -> memref<100000x1024xf32, #tpu.memory_space<hbm>>
    %dma_wait3A_763 = tpu.memref_slice %arg7[%dma_wait3A_752] : memref<3x!tpu.dma_semaphore, #tpu.memory_space<semaphore_mem>> -> memref<1x!tpu.dma_semaphore, #tpu.memory_space<semaphore_mem>>
    %dma_wait3A_764 = tpu.memref_squeeze %dma_wait3A_763 : memref<1x!tpu.dma_semaphore, #tpu.memory_space<semaphore_mem>> -> memref<!tpu.dma_semaphore, #tpu.memory_space<semaphore_mem>>
    tpu.wait_indirect_dma semaphore(%dma_wait3A_764 : memref<!tpu.dma_semaphore, #tpu.memory_space<semaphore_mem>>) src(%dma_wait3A_762 : memref<100000x1024xf32, #tpu.memory_space<hbm>>) dst(%dma_wait3A_756 : memref<32x1024xf32, #tpu.memory_space<vmem>>)
    %add3A_765 = arith.constant 352 : i32
    %add3A_766 = arith.addi %mul3A_2, %add3A_765 : i32
    %dma_start3A_767 = arith.constant 2 : i32
    %dma_start3A_768 = arith.constant 2 : i32
    %dma_start3A_769 = arith.constant 0 : i32
    %dma_start3A_770 = arith.constant 0 : i32
    %dma_start3A_771 = tpu.memref_slice %arg6[%dma_start3A_767, %dma_start3A_769, %dma_start3A_770] : memref<3x32x1024xf32, #tpu.memory_space<vmem>> -> memref<1x32x1024xf32, #tpu.memory_space<vmem>>
    %dma_start3A_772 = tpu.memref_squeeze %dma_start3A_771 : memref<1x32x1024xf32, #tpu.memory_space<vmem>> -> memref<32x1024xf32, #tpu.memory_space<vmem>>
    %dma_start3A_773 = arith.constant 0 : i32
    %dma_start3A_774 = tpu.memref_slice %arg4[%add3A_766, %dma_start3A_773] : memref<16384x1024xf32, #tpu.memory_space<hbm>> -> memref<32x1024xf32, #tpu.memory_space<hbm>>
    %dma_start3A_775 = tpu.memref_slice %arg8[%dma_start3A_768] : memref<3x!tpu.dma_semaphore, #tpu.memory_space<semaphore_mem>> -> memref<1x!tpu.dma_semaphore, #tpu.memory_space<semaphore_mem>>
    %dma_start3A_776 = tpu.memref_squeeze %dma_start3A_775 : memref<1x!tpu.dma_semaphore, #tpu.memory_space<semaphore_mem>> -> memref<!tpu.dma_semaphore, #tpu.memory_space<semaphore_mem>>
    %dma_start3A_777 = arith.constant 0 : i32
    %dma_start3A_778 = tpu.memref_slice %arg4[%add3A_766, %dma_start3A_777] : memref<16384x1024xf32, #tpu.memory_space<hbm>> -> memref<32x1024xf32, #tpu.memory_space<hbm>>
    %dma_start3A_779 = arith.constant 0 : i32
    %dma_start3A_780 = arith.constant 0 : i32
    %dma_start3A_781 = tpu.memref_slice %arg6[%dma_start3A_767, %dma_start3A_779, %dma_start3A_780] : memref<3x32x1024xf32, #tpu.memory_space<vmem>> -> memref<1x32x1024xf32, #tpu.memory_space<vmem>>
    %dma_start3A_782 = tpu.memref_squeeze %dma_start3A_781 : memref<1x32x1024xf32, #tpu.memory_space<vmem>> -> memref<32x1024xf32, #tpu.memory_space<vmem>>
    tpu.enqueue_dma source(%dma_start3A_782 : memref<32x1024xf32, #tpu.memory_space<vmem>>) target(%dma_start3A_778 : memref<32x1024xf32, #tpu.memory_space<hbm>>) target_semaphore(%dma_start3A_776 : memref<!tpu.dma_semaphore, #tpu.memory_space<semaphore_mem>>)
    %dma_wait3A_783 = arith.constant 2 : i32
    %dma_wait3A_784 = arith.constant 2 : i32
    %dma_wait3A_785 = arith.constant 0 : i32
    %dma_wait3A_786 = arith.constant 0 : i32
    %dma_wait3A_787 = tpu.memref_slice %arg6[%dma_wait3A_783, %dma_wait3A_785, %dma_wait3A_786] : memref<3x32x1024xf32, #tpu.memory_space<vmem>> -> memref<1x32x1024xf32, #tpu.memory_space<vmem>>
    %dma_wait3A_788 = tpu.memref_squeeze %dma_wait3A_787 : memref<1x32x1024xf32, #tpu.memory_space<vmem>> -> memref<32x1024xf32, #tpu.memory_space<vmem>>
    %dma_wait3A_789 = arith.constant 0 : i32
    %dma_wait3A_790 = tpu.memref_slice %arg4[%add3A_766, %dma_wait3A_789] : memref<16384x1024xf32, #tpu.memory_space<hbm>> -> memref<32x1024xf32, #tpu.memory_space<hbm>>
    %dma_wait3A_791 = tpu.memref_slice %arg8[%dma_wait3A_784] : memref<3x!tpu.dma_semaphore, #tpu.memory_space<semaphore_mem>> -> memref<1x!tpu.dma_semaphore, #tpu.memory_space<semaphore_mem>>
    %dma_wait3A_792 = tpu.memref_squeeze %dma_wait3A_791 : memref<1x!tpu.dma_semaphore, #tpu.memory_space<semaphore_mem>> -> memref<!tpu.dma_semaphore, #tpu.memory_space<semaphore_mem>>
    %dma_wait3A_793 = arith.constant 0 : i32
    %dma_wait3A_794 = tpu.memref_slice %arg4[%add3A_766, %dma_wait3A_793] : memref<16384x1024xf32, #tpu.memory_space<hbm>> -> memref<32x1024xf32, #tpu.memory_space<hbm>>
    %dma_wait3A_795 = arith.constant 0 : i32
    %dma_wait3A_796 = arith.constant 0 : i32
    %dma_wait3A_797 = tpu.memref_slice %arg6[%dma_wait3A_783, %dma_wait3A_795, %dma_wait3A_796] : memref<3x32x1024xf32, #tpu.memory_space<vmem>> -> memref<1x32x1024xf32, #tpu.memory_space<vmem>>
    %dma_wait3A_798 = tpu.memref_squeeze %dma_wait3A_797 : memref<1x32x1024xf32, #tpu.memory_space<vmem>> -> memref<32x1024xf32, #tpu.memory_space<vmem>>
    tpu.wait_dma2 semaphore(%dma_wait3A_792 : memref<!tpu.dma_semaphore, #tpu.memory_space<semaphore_mem>>) src(%dma_wait3A_798 : memref<32x1024xf32, #tpu.memory_space<vmem>>) dst(%dma_wait3A_794 : memref<32x1024xf32, #tpu.memory_space<hbm>>)
    %dma_start3A_799 = arith.constant 14 : i32
    %dma_start3A_800 = arith.constant 2 : i32
    %dma_start3A_801 = arith.constant 2 : i32
    %dma_start3A_802 = arith.constant 0 : i32
    %dma_start3A_803 = arith.constant 0 : i32
    %dma_start3A_804 = tpu.memref_slice %arg6[%dma_start3A_800, %dma_start3A_802, %dma_start3A_803] : memref<3x32x1024xf32, #tpu.memory_space<vmem>> -> memref<1x32x1024xf32, #tpu.memory_space<vmem>>
    %dma_start3A_805 = tpu.memref_squeeze %dma_start3A_804 : memref<1x32x1024xf32, #tpu.memory_space<vmem>> -> memref<32x1024xf32, #tpu.memory_space<vmem>>
    %dma_start3A_806 = arith.constant 0 : i32
    %dma_start3A_807 = tpu.memref_slice %arg5[%dma_start3A_799, %dma_start3A_806] : memref<16x32xi32, #tpu.memory_space<vmem>> -> memref<1x32xi32, #tpu.memory_space<vmem>>
    %dma_start3A_808 = tpu.memref_squeeze %dma_start3A_807 : memref<1x32xi32, #tpu.memory_space<vmem>> -> memref<32xi32, #tpu.memory_space<vmem>>
    %dma_start3A_809 = arith.constant 0 : i32
    %dma_start3A_810 = arith.constant 0 : i32
    %dma_start3A_811 = tpu.memref_slice %arg3[%dma_start3A_809, %dma_start3A_810] : memref<100000x1024xf32, #tpu.memory_space<hbm>> -> memref<100000x1024xf32, #tpu.memory_space<hbm>>
    %dma_start3A_812 = tpu.memref_slice %arg7[%dma_start3A_801] : memref<3x!tpu.dma_semaphore, #tpu.memory_space<semaphore_mem>> -> memref<1x!tpu.dma_semaphore, #tpu.memory_space<semaphore_mem>>
    %dma_start3A_813 = tpu.memref_squeeze %dma_start3A_812 : memref<1x!tpu.dma_semaphore, #tpu.memory_space<semaphore_mem>> -> memref<!tpu.dma_semaphore, #tpu.memory_space<semaphore_mem>>
    tpu.enqueue_indirect_dma source(%dma_start3A_811 : memref<100000x1024xf32, #tpu.memory_space<hbm>>) target(%dma_start3A_805 : memref<32x1024xf32, #tpu.memory_space<vmem>>) offsets(%dma_start3A_808 : memref<32xi32, #tpu.memory_space<vmem>>) semaphore(%dma_start3A_813 : memref<!tpu.dma_semaphore, #tpu.memory_space<semaphore_mem>>)
    %dma_wait3A_814 = arith.constant 12 : i32
    %dma_wait3A_815 = arith.constant 0 : i32
    %dma_wait3A_816 = arith.constant 0 : i32
    %dma_wait3A_817 = arith.constant 0 : i32
    %dma_wait3A_818 = arith.constant 0 : i32
    %dma_wait3A_819 = tpu.memref_slice %arg6[%dma_wait3A_815, %dma_wait3A_817, %dma_wait3A_818] : memref<3x32x1024xf32, #tpu.memory_space<vmem>> -> memref<1x32x1024xf32, #tpu.memory_space<vmem>>
    %dma_wait3A_820 = tpu.memref_squeeze %dma_wait3A_819 : memref<1x32x1024xf32, #tpu.memory_space<vmem>> -> memref<32x1024xf32, #tpu.memory_space<vmem>>
    %dma_wait3A_821 = arith.constant 0 : i32
    %dma_wait3A_822 = tpu.memref_slice %arg5[%dma_wait3A_814, %dma_wait3A_821] : memref<16x32xi32, #tpu.memory_space<vmem>> -> memref<1x32xi32, #tpu.memory_space<vmem>>
    %dma_wait3A_823 = tpu.memref_squeeze %dma_wait3A_822 : memref<1x32xi32, #tpu.memory_space<vmem>> -> memref<32xi32, #tpu.memory_space<vmem>>
    %dma_wait3A_824 = arith.constant 0 : i32
    %dma_wait3A_825 = arith.constant 0 : i32
    %dma_wait3A_826 = tpu.memref_slice %arg3[%dma_wait3A_824, %dma_wait3A_825] : memref<100000x1024xf32, #tpu.memory_space<hbm>> -> memref<100000x1024xf32, #tpu.memory_space<hbm>>
    %dma_wait3A_827 = tpu.memref_slice %arg7[%dma_wait3A_816] : memref<3x!tpu.dma_semaphore, #tpu.memory_space<semaphore_mem>> -> memref<1x!tpu.dma_semaphore, #tpu.memory_space<semaphore_mem>>
    %dma_wait3A_828 = tpu.memref_squeeze %dma_wait3A_827 : memref<1x!tpu.dma_semaphore, #tpu.memory_space<semaphore_mem>> -> memref<!tpu.dma_semaphore, #tpu.memory_space<semaphore_mem>>
    tpu.wait_indirect_dma semaphore(%dma_wait3A_828 : memref<!tpu.dma_semaphore, #tpu.memory_space<semaphore_mem>>) src(%dma_wait3A_826 : memref<100000x1024xf32, #tpu.memory_space<hbm>>) dst(%dma_wait3A_820 : memref<32x1024xf32, #tpu.memory_space<vmem>>)
    %add3A_829 = arith.constant 384 : i32
    %add3A_830 = arith.addi %mul3A_2, %add3A_829 : i32
    %dma_start3A_831 = arith.constant 0 : i32
    %dma_start3A_832 = arith.constant 0 : i32
    %dma_start3A_833 = arith.constant 0 : i32
    %dma_start3A_834 = arith.constant 0 : i32
    %dma_start3A_835 = tpu.memref_slice %arg6[%dma_start3A_831, %dma_start3A_833, %dma_start3A_834] : memref<3x32x1024xf32, #tpu.memory_space<vmem>> -> memref<1x32x1024xf32, #tpu.memory_space<vmem>>
    %dma_start3A_836 = tpu.memref_squeeze %dma_start3A_835 : memref<1x32x1024xf32, #tpu.memory_space<vmem>> -> memref<32x1024xf32, #tpu.memory_space<vmem>>
    %dma_start3A_837 = arith.constant 0 : i32
    %dma_start3A_838 = tpu.memref_slice %arg4[%add3A_830, %dma_start3A_837] : memref<16384x1024xf32, #tpu.memory_space<hbm>> -> memref<32x1024xf32, #tpu.memory_space<hbm>>
    %dma_start3A_839 = tpu.memref_slice %arg8[%dma_start3A_832] : memref<3x!tpu.dma_semaphore, #tpu.memory_space<semaphore_mem>> -> memref<1x!tpu.dma_semaphore, #tpu.memory_space<semaphore_mem>>
    %dma_start3A_840 = tpu.memref_squeeze %dma_start3A_839 : memref<1x!tpu.dma_semaphore, #tpu.memory_space<semaphore_mem>> -> memref<!tpu.dma_semaphore, #tpu.memory_space<semaphore_mem>>
    %dma_start3A_841 = arith.constant 0 : i32
    %dma_start3A_842 = tpu.memref_slice %arg4[%add3A_830, %dma_start3A_841] : memref<16384x1024xf32, #tpu.memory_space<hbm>> -> memref<32x1024xf32, #tpu.memory_space<hbm>>
    %dma_start3A_843 = arith.constant 0 : i32
    %dma_start3A_844 = arith.constant 0 : i32
    %dma_start3A_845 = tpu.memref_slice %arg6[%dma_start3A_831, %dma_start3A_843, %dma_start3A_844] : memref<3x32x1024xf32, #tpu.memory_space<vmem>> -> memref<1x32x1024xf32, #tpu.memory_space<vmem>>
    %dma_start3A_846 = tpu.memref_squeeze %dma_start3A_845 : memref<1x32x1024xf32, #tpu.memory_space<vmem>> -> memref<32x1024xf32, #tpu.memory_space<vmem>>
    tpu.enqueue_dma source(%dma_start3A_846 : memref<32x1024xf32, #tpu.memory_space<vmem>>) target(%dma_start3A_842 : memref<32x1024xf32, #tpu.memory_space<hbm>>) target_semaphore(%dma_start3A_840 : memref<!tpu.dma_semaphore, #tpu.memory_space<semaphore_mem>>)
    %dma_wait3A_847 = arith.constant 0 : i32
    %dma_wait3A_848 = arith.constant 0 : i32
    %dma_wait3A_849 = arith.constant 0 : i32
    %dma_wait3A_850 = arith.constant 0 : i32
    %dma_wait3A_851 = tpu.memref_slice %arg6[%dma_wait3A_847, %dma_wait3A_849, %dma_wait3A_850] : memref<3x32x1024xf32, #tpu.memory_space<vmem>> -> memref<1x32x1024xf32, #tpu.memory_space<vmem>>
    %dma_wait3A_852 = tpu.memref_squeeze %dma_wait3A_851 : memref<1x32x1024xf32, #tpu.memory_space<vmem>> -> memref<32x1024xf32, #tpu.memory_space<vmem>>
    %dma_wait3A_853 = arith.constant 0 : i32
    %dma_wait3A_854 = tpu.memref_slice %arg4[%add3A_830, %dma_wait3A_853] : memref<16384x1024xf32, #tpu.memory_space<hbm>> -> memref<32x1024xf32, #tpu.memory_space<hbm>>
    %dma_wait3A_855 = tpu.memref_slice %arg8[%dma_wait3A_848] : memref<3x!tpu.dma_semaphore, #tpu.memory_space<semaphore_mem>> -> memref<1x!tpu.dma_semaphore, #tpu.memory_space<semaphore_mem>>
    %dma_wait3A_856 = tpu.memref_squeeze %dma_wait3A_855 : memref<1x!tpu.dma_semaphore, #tpu.memory_space<semaphore_mem>> -> memref<!tpu.dma_semaphore, #tpu.memory_space<semaphore_mem>>
    %dma_wait3A_857 = arith.constant 0 : i32
    %dma_wait3A_858 = tpu.memref_slice %arg4[%add3A_830, %dma_wait3A_857] : memref<16384x1024xf32, #tpu.memory_space<hbm>> -> memref<32x1024xf32, #tpu.memory_space<hbm>>
    %dma_wait3A_859 = arith.constant 0 : i32
    %dma_wait3A_860 = arith.constant 0 : i32
    %dma_wait3A_861 = tpu.memref_slice %arg6[%dma_wait3A_847, %dma_wait3A_859, %dma_wait3A_860] : memref<3x32x1024xf32, #tpu.memory_space<vmem>> -> memref<1x32x1024xf32, #tpu.memory_space<vmem>>
    %dma_wait3A_862 = tpu.memref_squeeze %dma_wait3A_861 : memref<1x32x1024xf32, #tpu.memory_space<vmem>> -> memref<32x1024xf32, #tpu.memory_space<vmem>>
    tpu.wait_dma2 semaphore(%dma_wait3A_856 : memref<!tpu.dma_semaphore, #tpu.memory_space<semaphore_mem>>) src(%dma_wait3A_862 : memref<32x1024xf32, #tpu.memory_space<vmem>>) dst(%dma_wait3A_858 : memref<32x1024xf32, #tpu.memory_space<hbm>>)
    %dma_start3A_863 = arith.constant 15 : i32
    %dma_start3A_864 = arith.constant 0 : i32
    %dma_start3A_865 = arith.constant 0 : i32
    %dma_start3A_866 = arith.constant 0 : i32
    %dma_start3A_867 = arith.constant 0 : i32
    %dma_start3A_868 = tpu.memref_slice %arg6[%dma_start3A_864, %dma_start3A_866, %dma_start3A_867] : memref<3x32x1024xf32, #tpu.memory_space<vmem>> -> memref<1x32x1024xf32, #tpu.memory_space<vmem>>
    %dma_start3A_869 = tpu.memref_squeeze %dma_start3A_868 : memref<1x32x1024xf32, #tpu.memory_space<vmem>> -> memref<32x1024xf32, #tpu.memory_space<vmem>>
    %dma_start3A_870 = arith.constant 0 : i32
    %dma_start3A_871 = tpu.memref_slice %arg5[%dma_start3A_863, %dma_start3A_870] : memref<16x32xi32, #tpu.memory_space<vmem>> -> memref<1x32xi32, #tpu.memory_space<vmem>>
    %dma_start3A_872 = tpu.memref_squeeze %dma_start3A_871 : memref<1x32xi32, #tpu.memory_space<vmem>> -> memref<32xi32, #tpu.memory_space<vmem>>
    %dma_start3A_873 = arith.constant 0 : i32
    %dma_start3A_874 = arith.constant 0 : i32
    %dma_start3A_875 = tpu.memref_slice %arg3[%dma_start3A_873, %dma_start3A_874] : memref<100000x1024xf32, #tpu.memory_space<hbm>> -> memref<100000x1024xf32, #tpu.memory_space<hbm>>
    %dma_start3A_876 = tpu.memref_slice %arg7[%dma_start3A_865] : memref<3x!tpu.dma_semaphore, #tpu.memory_space<semaphore_mem>> -> memref<1x!tpu.dma_semaphore, #tpu.memory_space<semaphore_mem>>
    %dma_start3A_877 = tpu.memref_squeeze %dma_start3A_876 : memref<1x!tpu.dma_semaphore, #tpu.memory_space<semaphore_mem>> -> memref<!tpu.dma_semaphore, #tpu.memory_space<semaphore_mem>>
    tpu.enqueue_indirect_dma source(%dma_start3A_875 : memref<100000x1024xf32, #tpu.memory_space<hbm>>) target(%dma_start3A_869 : memref<32x1024xf32, #tpu.memory_space<vmem>>) offsets(%dma_start3A_872 : memref<32xi32, #tpu.memory_space<vmem>>) semaphore(%dma_start3A_877 : memref<!tpu.dma_semaphore, #tpu.memory_space<semaphore_mem>>)
    %dma_wait3A_878 = arith.constant 13 : i32
    %dma_wait3A_879 = arith.constant 1 : i32
    %dma_wait3A_880 = arith.constant 1 : i32
    %dma_wait3A_881 = arith.constant 0 : i32
    %dma_wait3A_882 = arith.constant 0 : i32
    %dma_wait3A_883 = tpu.memref_slice %arg6[%dma_wait3A_879, %dma_wait3A_881, %dma_wait3A_882] : memref<3x32x1024xf32, #tpu.memory_space<vmem>> -> memref<1x32x1024xf32, #tpu.memory_space<vmem>>
    %dma_wait3A_884 = tpu.memref_squeeze %dma_wait3A_883 : memref<1x32x1024xf32, #tpu.memory_space<vmem>> -> memref<32x1024xf32, #tpu.memory_space<vmem>>
    %dma_wait3A_885 = arith.constant 0 : i32
    %dma_wait3A_886 = tpu.memref_slice %arg5[%dma_wait3A_878, %dma_wait3A_885] : memref<16x32xi32, #tpu.memory_space<vmem>> -> memref<1x32xi32, #tpu.memory_space<vmem>>
    %dma_wait3A_887 = tpu.memref_squeeze %dma_wait3A_886 : memref<1x32xi32, #tpu.memory_space<vmem>> -> memref<32xi32, #tpu.memory_space<vmem>>
    %dma_wait3A_888 = arith.constant 0 : i32
    %dma_wait3A_889 = arith.constant 0 : i32
    %dma_wait3A_890 = tpu.memref_slice %arg3[%dma_wait3A_888, %dma_wait3A_889] : memref<100000x1024xf32, #tpu.memory_space<hbm>> -> memref<100000x1024xf32, #tpu.memory_space<hbm>>
    %dma_wait3A_891 = tpu.memref_slice %arg7[%dma_wait3A_880] : memref<3x!tpu.dma_semaphore, #tpu.memory_space<semaphore_mem>> -> memref<1x!tpu.dma_semaphore, #tpu.memory_space<semaphore_mem>>
    %dma_wait3A_892 = tpu.memref_squeeze %dma_wait3A_891 : memref<1x!tpu.dma_semaphore, #tpu.memory_space<semaphore_mem>> -> memref<!tpu.dma_semaphore, #tpu.memory_space<semaphore_mem>>
    tpu.wait_indirect_dma semaphore(%dma_wait3A_892 : memref<!tpu.dma_semaphore, #tpu.memory_space<semaphore_mem>>) src(%dma_wait3A_890 : memref<100000x1024xf32, #tpu.memory_space<hbm>>) dst(%dma_wait3A_884 : memref<32x1024xf32, #tpu.memory_space<vmem>>)
    %add3A_893 = arith.constant 416 : i32
    %add3A_894 = arith.addi %mul3A_2, %add3A_893 : i32
    %dma_start3A_895 = arith.constant 1 : i32
    %dma_start3A_896 = arith.constant 1 : i32
    %dma_start3A_897 = arith.constant 0 : i32
    %dma_start3A_898 = arith.constant 0 : i32
    %dma_start3A_899 = tpu.memref_slice %arg6[%dma_start3A_895, %dma_start3A_897, %dma_start3A_898] : memref<3x32x1024xf32, #tpu.memory_space<vmem>> -> memref<1x32x1024xf32, #tpu.memory_space<vmem>>
    %dma_start3A_900 = tpu.memref_squeeze %dma_start3A_899 : memref<1x32x1024xf32, #tpu.memory_space<vmem>> -> memref<32x1024xf32, #tpu.memory_space<vmem>>
    %dma_start3A_901 = arith.constant 0 : i32
    %dma_start3A_902 = tpu.memref_slice %arg4[%add3A_894, %dma_start3A_901] : memref<16384x1024xf32, #tpu.memory_space<hbm>> -> memref<32x1024xf32, #tpu.memory_space<hbm>>
    %dma_start3A_903 = tpu.memref_slice %arg8[%dma_start3A_896] : memref<3x!tpu.dma_semaphore, #tpu.memory_space<semaphore_mem>> -> memref<1x!tpu.dma_semaphore, #tpu.memory_space<semaphore_mem>>
    %dma_start3A_904 = tpu.memref_squeeze %dma_start3A_903 : memref<1x!tpu.dma_semaphore, #tpu.memory_space<semaphore_mem>> -> memref<!tpu.dma_semaphore, #tpu.memory_space<semaphore_mem>>
    %dma_start3A_905 = arith.constant 0 : i32
    %dma_start3A_906 = tpu.memref_slice %arg4[%add3A_894, %dma_start3A_905] : memref<16384x1024xf32, #tpu.memory_space<hbm>> -> memref<32x1024xf32, #tpu.memory_space<hbm>>
    %dma_start3A_907 = arith.constant 0 : i32
    %dma_start3A_908 = arith.constant 0 : i32
    %dma_start3A_909 = tpu.memref_slice %arg6[%dma_start3A_895, %dma_start3A_907, %dma_start3A_908] : memref<3x32x1024xf32, #tpu.memory_space<vmem>> -> memref<1x32x1024xf32, #tpu.memory_space<vmem>>
    %dma_start3A_910 = tpu.memref_squeeze %dma_start3A_909 : memref<1x32x1024xf32, #tpu.memory_space<vmem>> -> memref<32x1024xf32, #tpu.memory_space<vmem>>
    tpu.enqueue_dma source(%dma_start3A_910 : memref<32x1024xf32, #tpu.memory_space<vmem>>) target(%dma_start3A_906 : memref<32x1024xf32, #tpu.memory_space<hbm>>) target_semaphore(%dma_start3A_904 : memref<!tpu.dma_semaphore, #tpu.memory_space<semaphore_mem>>)
    %dma_wait3A_911 = arith.constant 14 : i32
    %dma_wait3A_912 = arith.constant 2 : i32
    %dma_wait3A_913 = arith.constant 2 : i32
    %dma_wait3A_914 = arith.constant 0 : i32
    %dma_wait3A_915 = arith.constant 0 : i32
    %dma_wait3A_916 = tpu.memref_slice %arg6[%dma_wait3A_912, %dma_wait3A_914, %dma_wait3A_915] : memref<3x32x1024xf32, #tpu.memory_space<vmem>> -> memref<1x32x1024xf32, #tpu.memory_space<vmem>>
    %dma_wait3A_917 = tpu.memref_squeeze %dma_wait3A_916 : memref<1x32x1024xf32, #tpu.memory_space<vmem>> -> memref<32x1024xf32, #tpu.memory_space<vmem>>
    %dma_wait3A_918 = arith.constant 0 : i32
    %dma_wait3A_919 = tpu.memref_slice %arg5[%dma_wait3A_911, %dma_wait3A_918] : memref<16x32xi32, #tpu.memory_space<vmem>> -> memref<1x32xi32, #tpu.memory_space<vmem>>
    %dma_wait3A_920 = tpu.memref_squeeze %dma_wait3A_919 : memref<1x32xi32, #tpu.memory_space<vmem>> -> memref<32xi32, #tpu.memory_space<vmem>>
    %dma_wait3A_921 = arith.constant 0 : i32
    %dma_wait3A_922 = arith.constant 0 : i32
    %dma_wait3A_923 = tpu.memref_slice %arg3[%dma_wait3A_921, %dma_wait3A_922] : memref<100000x1024xf32, #tpu.memory_space<hbm>> -> memref<100000x1024xf32, #tpu.memory_space<hbm>>
    %dma_wait3A_924 = tpu.memref_slice %arg7[%dma_wait3A_913] : memref<3x!tpu.dma_semaphore, #tpu.memory_space<semaphore_mem>> -> memref<1x!tpu.dma_semaphore, #tpu.memory_space<semaphore_mem>>
    %dma_wait3A_925 = tpu.memref_squeeze %dma_wait3A_924 : memref<1x!tpu.dma_semaphore, #tpu.memory_space<semaphore_mem>> -> memref<!tpu.dma_semaphore, #tpu.memory_space<semaphore_mem>>
    tpu.wait_indirect_dma semaphore(%dma_wait3A_925 : memref<!tpu.dma_semaphore, #tpu.memory_space<semaphore_mem>>) src(%dma_wait3A_923 : memref<100000x1024xf32, #tpu.memory_space<hbm>>) dst(%dma_wait3A_917 : memref<32x1024xf32, #tpu.memory_space<vmem>>)
    %add3A_926 = arith.constant 448 : i32
    %add3A_927 = arith.addi %mul3A_2, %add3A_926 : i32
    %dma_start3A_928 = arith.constant 2 : i32
    %dma_start3A_929 = arith.constant 2 : i32
    %dma_start3A_930 = arith.constant 0 : i32
    %dma_start3A_931 = arith.constant 0 : i32
    %dma_start3A_932 = tpu.memref_slice %arg6[%dma_start3A_928, %dma_start3A_930, %dma_start3A_931] : memref<3x32x1024xf32, #tpu.memory_space<vmem>> -> memref<1x32x1024xf32, #tpu.memory_space<vmem>>
    %dma_start3A_933 = tpu.memref_squeeze %dma_start3A_932 : memref<1x32x1024xf32, #tpu.memory_space<vmem>> -> memref<32x1024xf32, #tpu.memory_space<vmem>>
    %dma_start3A_934 = arith.constant 0 : i32
    %dma_start3A_935 = tpu.memref_slice %arg4[%add3A_927, %dma_start3A_934] : memref<16384x1024xf32, #tpu.memory_space<hbm>> -> memref<32x1024xf32, #tpu.memory_space<hbm>>
    %dma_start3A_936 = tpu.memref_slice %arg8[%dma_start3A_929] : memref<3x!tpu.dma_semaphore, #tpu.memory_space<semaphore_mem>> -> memref<1x!tpu.dma_semaphore, #tpu.memory_space<semaphore_mem>>
    %dma_start3A_937 = tpu.memref_squeeze %dma_start3A_936 : memref<1x!tpu.dma_semaphore, #tpu.memory_space<semaphore_mem>> -> memref<!tpu.dma_semaphore, #tpu.memory_space<semaphore_mem>>
    %dma_start3A_938 = arith.constant 0 : i32
    %dma_start3A_939 = tpu.memref_slice %arg4[%add3A_927, %dma_start3A_938] : memref<16384x1024xf32, #tpu.memory_space<hbm>> -> memref<32x1024xf32, #tpu.memory_space<hbm>>
    %dma_start3A_940 = arith.constant 0 : i32
    %dma_start3A_941 = arith.constant 0 : i32
    %dma_start3A_942 = tpu.memref_slice %arg6[%dma_start3A_928, %dma_start3A_940, %dma_start3A_941] : memref<3x32x1024xf32, #tpu.memory_space<vmem>> -> memref<1x32x1024xf32, #tpu.memory_space<vmem>>
    %dma_start3A_943 = tpu.memref_squeeze %dma_start3A_942 : memref<1x32x1024xf32, #tpu.memory_space<vmem>> -> memref<32x1024xf32, #tpu.memory_space<vmem>>
    tpu.enqueue_dma source(%dma_start3A_943 : memref<32x1024xf32, #tpu.memory_space<vmem>>) target(%dma_start3A_939 : memref<32x1024xf32, #tpu.memory_space<hbm>>) target_semaphore(%dma_start3A_937 : memref<!tpu.dma_semaphore, #tpu.memory_space<semaphore_mem>>)
    %dma_wait3A_944 = arith.constant 15 : i32
    %dma_wait3A_945 = arith.constant 0 : i32
    %dma_wait3A_946 = arith.constant 0 : i32
    %dma_wait3A_947 = arith.constant 0 : i32
    %dma_wait3A_948 = arith.constant 0 : i32
    %dma_wait3A_949 = tpu.memref_slice %arg6[%dma_wait3A_945, %dma_wait3A_947, %dma_wait3A_948] : memref<3x32x1024xf32, #tpu.memory_space<vmem>> -> memref<1x32x1024xf32, #tpu.memory_space<vmem>>
    %dma_wait3A_950 = tpu.memref_squeeze %dma_wait3A_949 : memref<1x32x1024xf32, #tpu.memory_space<vmem>> -> memref<32x1024xf32, #tpu.memory_space<vmem>>
    %dma_wait3A_951 = arith.constant 0 : i32
    %dma_wait3A_952 = tpu.memref_slice %arg5[%dma_wait3A_944, %dma_wait3A_951] : memref<16x32xi32, #tpu.memory_space<vmem>> -> memref<1x32xi32, #tpu.memory_space<vmem>>
    %dma_wait3A_953 = tpu.memref_squeeze %dma_wait3A_952 : memref<1x32xi32, #tpu.memory_space<vmem>> -> memref<32xi32, #tpu.memory_space<vmem>>
    %dma_wait3A_954 = arith.constant 0 : i32
    %dma_wait3A_955 = arith.constant 0 : i32
    %dma_wait3A_956 = tpu.memref_slice %arg3[%dma_wait3A_954, %dma_wait3A_955] : memref<100000x1024xf32, #tpu.memory_space<hbm>> -> memref<100000x1024xf32, #tpu.memory_space<hbm>>
    %dma_wait3A_957 = tpu.memref_slice %arg7[%dma_wait3A_946] : memref<3x!tpu.dma_semaphore, #tpu.memory_space<semaphore_mem>> -> memref<1x!tpu.dma_semaphore, #tpu.memory_space<semaphore_mem>>
    %dma_wait3A_958 = tpu.memref_squeeze %dma_wait3A_957 : memref<1x!tpu.dma_semaphore, #tpu.memory_space<semaphore_mem>> -> memref<!tpu.dma_semaphore, #tpu.memory_space<semaphore_mem>>
    tpu.wait_indirect_dma semaphore(%dma_wait3A_958 : memref<!tpu.dma_semaphore, #tpu.memory_space<semaphore_mem>>) src(%dma_wait3A_956 : memref<100000x1024xf32, #tpu.memory_space<hbm>>) dst(%dma_wait3A_950 : memref<32x1024xf32, #tpu.memory_space<vmem>>)
    %add3A_959 = arith.constant 480 : i32
    %add3A_960 = arith.addi %mul3A_2, %add3A_959 : i32
    %dma_start3A_961 = arith.constant 0 : i32
    %dma_start3A_962 = arith.constant 0 : i32
    %dma_start3A_963 = arith.constant 0 : i32
    %dma_start3A_964 = arith.constant 0 : i32
    %dma_start3A_965 = tpu.memref_slice %arg6[%dma_start3A_961, %dma_start3A_963, %dma_start3A_964] : memref<3x32x1024xf32, #tpu.memory_space<vmem>> -> memref<1x32x1024xf32, #tpu.memory_space<vmem>>
    %dma_start3A_966 = tpu.memref_squeeze %dma_start3A_965 : memref<1x32x1024xf32, #tpu.memory_space<vmem>> -> memref<32x1024xf32, #tpu.memory_space<vmem>>
    %dma_start3A_967 = arith.constant 0 : i32
    %dma_start3A_968 = tpu.memref_slice %arg4[%add3A_960, %dma_start3A_967] : memref<16384x1024xf32, #tpu.memory_space<hbm>> -> memref<32x1024xf32, #tpu.memory_space<hbm>>
    %dma_start3A_969 = tpu.memref_slice %arg8[%dma_start3A_962] : memref<3x!tpu.dma_semaphore, #tpu.memory_space<semaphore_mem>> -> memref<1x!tpu.dma_semaphore, #tpu.memory_space<semaphore_mem>>
    %dma_start3A_970 = tpu.memref_squeeze %dma_start3A_969 : memref<1x!tpu.dma_semaphore, #tpu.memory_space<semaphore_mem>> -> memref<!tpu.dma_semaphore, #tpu.memory_space<semaphore_mem>>
    %dma_start3A_971 = arith.constant 0 : i32
    %dma_start3A_972 = tpu.memref_slice %arg4[%add3A_960, %dma_start3A_971] : memref<16384x1024xf32, #tpu.memory_space<hbm>> -> memref<32x1024xf32, #tpu.memory_space<hbm>>
    %dma_start3A_973 = arith.constant 0 : i32
    %dma_start3A_974 = arith.constant 0 : i32
    %dma_start3A_975 = tpu.memref_slice %arg6[%dma_start3A_961, %dma_start3A_973, %dma_start3A_974] : memref<3x32x1024xf32, #tpu.memory_space<vmem>> -> memref<1x32x1024xf32, #tpu.memory_space<vmem>>
    %dma_start3A_976 = tpu.memref_squeeze %dma_start3A_975 : memref<1x32x1024xf32, #tpu.memory_space<vmem>> -> memref<32x1024xf32, #tpu.memory_space<vmem>>
    tpu.enqueue_dma source(%dma_start3A_976 : memref<32x1024xf32, #tpu.memory_space<vmem>>) target(%dma_start3A_972 : memref<32x1024xf32, #tpu.memory_space<hbm>>) target_semaphore(%dma_start3A_970 : memref<!tpu.dma_semaphore, #tpu.memory_space<semaphore_mem>>)
    %dma_wait3A_977 = arith.constant 1 : i32
    %dma_wait3A_978 = arith.constant 1 : i32
    %dma_wait3A_979 = arith.constant 0 : i32
    %dma_wait3A_980 = arith.constant 0 : i32
    %dma_wait3A_981 = tpu.memref_slice %arg6[%dma_wait3A_977, %dma_wait3A_979, %dma_wait3A_980] : memref<3x32x1024xf32, #tpu.memory_space<vmem>> -> memref<1x32x1024xf32, #tpu.memory_space<vmem>>
    %dma_wait3A_982 = tpu.memref_squeeze %dma_wait3A_981 : memref<1x32x1024xf32, #tpu.memory_space<vmem>> -> memref<32x1024xf32, #tpu.memory_space<vmem>>
    %dma_wait3A_983 = arith.constant 0 : i32
    %dma_wait3A_984 = tpu.memref_slice %arg4[%add3A_894, %dma_wait3A_983] : memref<16384x1024xf32, #tpu.memory_space<hbm>> -> memref<32x1024xf32, #tpu.memory_space<hbm>>
    %dma_wait3A_985 = tpu.memref_slice %arg8[%dma_wait3A_978] : memref<3x!tpu.dma_semaphore, #tpu.memory_space<semaphore_mem>> -> memref<1x!tpu.dma_semaphore, #tpu.memory_space<semaphore_mem>>
    %dma_wait3A_986 = tpu.memref_squeeze %dma_wait3A_985 : memref<1x!tpu.dma_semaphore, #tpu.memory_space<semaphore_mem>> -> memref<!tpu.dma_semaphore, #tpu.memory_space<semaphore_mem>>
    %dma_wait3A_987 = arith.constant 0 : i32
    %dma_wait3A_988 = tpu.memref_slice %arg4[%add3A_894, %dma_wait3A_987] : memref<16384x1024xf32, #tpu.memory_space<hbm>> -> memref<32x1024xf32, #tpu.memory_space<hbm>>
    %dma_wait3A_989 = arith.constant 0 : i32
    %dma_wait3A_990 = arith.constant 0 : i32
    %dma_wait3A_991 = tpu.memref_slice %arg6[%dma_wait3A_977, %dma_wait3A_989, %dma_wait3A_990] : memref<3x32x1024xf32, #tpu.memory_space<vmem>> -> memref<1x32x1024xf32, #tpu.memory_space<vmem>>
    %dma_wait3A_992 = tpu.memref_squeeze %dma_wait3A_991 : memref<1x32x1024xf32, #tpu.memory_space<vmem>> -> memref<32x1024xf32, #tpu.memory_space<vmem>>
    tpu.wait_dma2 semaphore(%dma_wait3A_986 : memref<!tpu.dma_semaphore, #tpu.memory_space<semaphore_mem>>) src(%dma_wait3A_992 : memref<32x1024xf32, #tpu.memory_space<vmem>>) dst(%dma_wait3A_988 : memref<32x1024xf32, #tpu.memory_space<hbm>>)
    %dma_wait3A_993 = arith.constant 2 : i32
    %dma_wait3A_994 = arith.constant 2 : i32
    %dma_wait3A_995 = arith.constant 0 : i32
    %dma_wait3A_996 = arith.constant 0 : i32
    %dma_wait3A_997 = tpu.memref_slice %arg6[%dma_wait3A_993, %dma_wait3A_995, %dma_wait3A_996] : memref<3x32x1024xf32, #tpu.memory_space<vmem>> -> memref<1x32x1024xf32, #tpu.memory_space<vmem>>
    %dma_wait3A_998 = tpu.memref_squeeze %dma_wait3A_997 : memref<1x32x1024xf32, #tpu.memory_space<vmem>> -> memref<32x1024xf32, #tpu.memory_space<vmem>>
    %dma_wait3A_999 = arith.constant 0 : i32
    %dma_wait3A_1000 = tpu.memref_slice %arg4[%add3A_927, %dma_wait3A_999] : memref<16384x1024xf32, #tpu.memory_space<hbm>> -> memref<32x1024xf32, #tpu.memory_space<hbm>>
    %dma_wait3A_1001 = tpu.memref_slice %arg8[%dma_wait3A_994] : memref<3x!tpu.dma_semaphore, #tpu.memory_space<semaphore_mem>> -> memref<1x!tpu.dma_semaphore, #tpu.memory_space<semaphore_mem>>
    %dma_wait3A_1002 = tpu.memref_squeeze %dma_wait3A_1001 : memref<1x!tpu.dma_semaphore, #tpu.memory_space<semaphore_mem>> -> memref<!tpu.dma_semaphore, #tpu.memory_space<semaphore_mem>>
    %dma_wait3A_1003 = arith.constant 0 : i32
    %dma_wait3A_1004 = tpu.memref_slice %arg4[%add3A_927, %dma_wait3A_1003] : memref<16384x1024xf32, #tpu.memory_space<hbm>> -> memref<32x1024xf32, #tpu.memory_space<hbm>>
    %dma_wait3A_1005 = arith.constant 0 : i32
    %dma_wait3A_1006 = arith.constant 0 : i32
    %dma_wait3A_1007 = tpu.memref_slice %arg6[%dma_wait3A_993, %dma_wait3A_1005, %dma_wait3A_1006] : memref<3x32x1024xf32, #tpu.memory_space<vmem>> -> memref<1x32x1024xf32, #tpu.memory_space<vmem>>
    %dma_wait3A_1008 = tpu.memref_squeeze %dma_wait3A_1007 : memref<1x32x1024xf32, #tpu.memory_space<vmem>> -> memref<32x1024xf32, #tpu.memory_space<vmem>>
    tpu.wait_dma2 semaphore(%dma_wait3A_1002 : memref<!tpu.dma_semaphore, #tpu.memory_space<semaphore_mem>>) src(%dma_wait3A_1008 : memref<32x1024xf32, #tpu.memory_space<vmem>>) dst(%dma_wait3A_1004 : memref<32x1024xf32, #tpu.memory_space<hbm>>)
    %dma_wait3A_1009 = arith.constant 0 : i32
    %dma_wait3A_1010 = arith.constant 0 : i32
    %dma_wait3A_1011 = arith.constant 0 : i32
    %dma_wait3A_1012 = arith.constant 0 : i32
    %dma_wait3A_1013 = tpu.memref_slice %arg6[%dma_wait3A_1009, %dma_wait3A_1011, %dma_wait3A_1012] : memref<3x32x1024xf32, #tpu.memory_space<vmem>> -> memref<1x32x1024xf32, #tpu.memory_space<vmem>>
    %dma_wait3A_1014 = tpu.memref_squeeze %dma_wait3A_1013 : memref<1x32x1024xf32, #tpu.memory_space<vmem>> -> memref<32x1024xf32, #tpu.memory_space<vmem>>
    %dma_wait3A_1015 = arith.constant 0 : i32
    %dma_wait3A_1016 = tpu.memref_slice %arg4[%add3A_960, %dma_wait3A_1015] : memref<16384x1024xf32, #tpu.memory_space<hbm>> -> memref<32x1024xf32, #tpu.memory_space<hbm>>
    %dma_wait3A_1017 = tpu.memref_slice %arg8[%dma_wait3A_1010] : memref<3x!tpu.dma_semaphore, #tpu.memory_space<semaphore_mem>> -> memref<1x!tpu.dma_semaphore, #tpu.memory_space<semaphore_mem>>
    %dma_wait3A_1018 = tpu.memref_squeeze %dma_wait3A_1017 : memref<1x!tpu.dma_semaphore, #tpu.memory_space<semaphore_mem>> -> memref<!tpu.dma_semaphore, #tpu.memory_space<semaphore_mem>>
    %dma_wait3A_1019 = arith.constant 0 : i32
    %dma_wait3A_1020 = tpu.memref_slice %arg4[%add3A_960, %dma_wait3A_1019] : memref<16384x1024xf32, #tpu.memory_space<hbm>> -> memref<32x1024xf32, #tpu.memory_space<hbm>>
    %dma_wait3A_1021 = arith.constant 0 : i32
    %dma_wait3A_1022 = arith.constant 0 : i32
    %dma_wait3A_1023 = tpu.memref_slice %arg6[%dma_wait3A_1009, %dma_wait3A_1021, %dma_wait3A_1022] : memref<3x32x1024xf32, #tpu.memory_space<vmem>> -> memref<1x32x1024xf32, #tpu.memory_space<vmem>>
    %dma_wait3A_1024 = tpu.memref_squeeze %dma_wait3A_1023 : memref<1x32x1024xf32, #tpu.memory_space<vmem>> -> memref<32x1024xf32, #tpu.memory_space<vmem>>
    tpu.wait_dma2 semaphore(%dma_wait3A_1018 : memref<!tpu.dma_semaphore, #tpu.memory_space<semaphore_mem>>) src(%dma_wait3A_1024 : memref<32x1024xf32, #tpu.memory_space<vmem>>) dst(%dma_wait3A_1020 : memref<32x1024xf32, #tpu.memory_space<hbm>>)
    return
  }
}

</mosaic_0001>

<sc_bundles>
// kernel: kernel.3.cloned.1.call-start
scs
__scs_entry_jumppad:
0x0: {  	(pc) =	sbr.rel $0x88, $3  }
0x1: {  	(tag) =	ssettag $0x0;
	lr =	simm.s32 $0x1  }
0x2: {  	[smem:$0x3F9F] =	sst lr;
	_ =	strace $0xD0000000  }
0x3: {  	_ = 	snop  }
0x4: {  	_ = 	snop  }
0x5: {  	_ = 	snop  }
0x6: {  	_ = 	snop  }
0x7: {  	_ = 	snop  }
__scs_overlays_trampoline_lowered:
0x8: {  	[smem:$0x3FAE] =	sst s0  }
0x9: {  	[smem:$0x3FAF] =	sst s1  }
0xa: {  	[smem:$0x3FB0] =	sst s2  }
0xb: {  	[smem:$0x3FB1] =	sst s3  }
0xc: {  	[smem:$0x3FB2] =	sst s4  }
0xd: {  	[smem:$0x3FB3] =	sst s5  }
0xe: {  	[smem:$0x3FB4] =	sst s6  }
0xf: {  	[smem:$0x3FB5] =	sst s7  }
0x10: {  	[smem:$0x3FB6] =	sst s8  }
0x11: {  	[smem:$0x3FB7] =	sst s9;
	s0 =	simm.s32 @!p0 $0x0  }
0x12: {  	s1 =	sld [smem:$0x3F9D];
	s0 =	simm.s32 @p0 $0x1  }
0x13: {  	[smem:$0x3FB8] =	sst s0;
	s0 =	simm.s32 @!p1 $0x0  }
0x14: {  	s2 =	sld [smem:$0x3F9C];
	s0 =	simm.s32 @p1 $0x1  }
0x15: {  	[smem:$0x3FB9] =	sst s0;
	s0 =	simm.s32 @!p2 $0x0  }
0x16: {  	s3 =	sld [smem:$0x3FDB];
	s0 =	simm.s32 @p2 $0x1  }
0x17: {  	s4 =	simm.s32 $0x1BF5;
	[smem:$0x3FBB] =	sst s0  }
0x18: {  	s0 =	sld [smem:$0x3F9E];
	_ =	swait.ge [sflag:s4], $0x0  }
0x19: {  	s7 =	sld [smem:$0x3F9F]  }
0x1a: {  	s8 =	sadd.s32 $0xFFFFE003, lr  }
0x1b: {  	s9 =	sadd.s32 $0xFFFFFEF7, lr;
	s5 =	simm.s32 $0xFFFFFFFF;
	p2 =	slt.u32 s8, $0xFFFFF086  }
0x1c: {  	p1 =	slt.u32 s9, $0xF7A;
	s5 =	simm.s32 @!p2 $0x0  }
0x1d: {  	s5 =	simm.s32 @p1 $0x1;
	p0 =	seq.s32 s7, s2  }
0x1e: {  	s7 =	smul.u32 @!p0 $0xF7A, s2;
	p2 =	seq.s32 @!p0 s5, $0x0  }
0x1f: {  	s9 =	smul.u32 $0xF7A, s1;
	s8 =	simm.s32 @!p0 $0x1BF5;
	p2 =	por !p2, p0  }
0x20: {  	[sflag:s8] =	ssyncset.s32 @!p0 $0xFFFFF086;
	s6 =	sadd.s32 @!p0 s3, s7;
	s7 =	simm.s32 @!p0 $0x108  }
0x21: {  	s3 =	sadd.s32 s3, s9;
	s6 =	sadd.s32 @!p0 $0x88, s6;
	s7 =	simm.s32 @p2 $0x1082  }
0x22: {  	[simem:s7], [sflag:s8] =	dma.local @!p0 [hbm:s6], $0xF7A  }
0x23: {  	s9 =	sor.u32 $0xD0000000, s2;
	s6 =	simm.s32 $0x108;
	_ =	swait.ge @!p0 [sflag:s8], $0x0  }
0x24: {  	s3 =	sadd.s32 $0x88, s3;
	s6 =	simm.s32 @!p1 $0x1082;
	[sflag:s4] =	ssyncset.s32 $0xFFFFF086  }
0x25: {  	[simem:s6], [sflag:s4] =	dma.local [hbm:s3], $0xF7A  }
0x26: {  	[smem:$0x3F9F] =	sst s1;
	(tag) =	ssettag s2;
	_ =	strace s9  }
0x27: {  	s1 =	sld [smem:$0x3FAF]  }
0x28: {  	s2 =	sld [smem:$0x3FB0]  }
0x29: {  	s4 =	sld [smem:$0x3FB2]  }
0x2a: {  	p0 =	seq.s32 s5, $0x0;
	s5 =	sld [smem:$0x3FB3]  }
0x2b: {  	s6 =	sld [smem:$0x3FB4]  }
0x2c: {  	s7 =	sld [smem:$0x3FB5]  }
0x2d: {  	s3 =	simm.s32 $0x108;
	s8 =	sld [smem:$0x3FB6]  }
0x2e: {  	s3 =	simm.s32 @!p0 $0x1082;
	s9 =	sld [smem:$0x3FB7]  }
0x2f: {  	lr =	sadd.s32 s0, s3;
	s0 =	sld [smem:$0x3FAE]  }
0x30: {  	s3 =	sld [smem:$0x3FB1]  }
0x31: {  	[smem:$0x3FBA] =	sst s10  }
0x32: {  	s10 =	sld [smem:$0x3FB8];
	_ =	sdelay $0x3  }
0x33: {  	p0 =	seq.s32 s10, $0x1;
	s10 =	sld [smem:$0x3FBA];
	_ =	sdelay $0x3  }
0x34: {  	[smem:$0x3FBA] =	sst s10  }
0x35: {  	s10 =	sld [smem:$0x3FB9];
	_ =	sdelay $0x3  }
0x36: {  	p1 =	seq.s32 s10, $0x1;
	s10 =	sld [smem:$0x3FBA];
	_ =	sdelay $0x3  }
0x37: {  	[smem:$0x3FBA] =	sst s10  }
0x38: {  	s10 =	sld [smem:$0x3FBB]  }
0x39: {  	_ = 	snop;
	(pc) =	sbr.ind lr, $3  }
0x3a: {  	_ = 	snop  }
0x3b: {  	_ = 	snop  }
0x3c: {  	p2 =	seq.s32 s10, $0x1;
	s10 =	sld [smem:$0x3FBA]  }
0x3d: {  	_ =	shalt  }
0x3e: {  	_ =	shalt  }
0x3f: {  	_ =	shalt  }
0x40: {  	_ =	shalt  }
0x41: {  	_ =	shalt  }
0x42: {  	_ =	shalt  }
0x43: {  	_ =	shalt  }
0x44: {  	_ =	shalt  }
0x45: {  	_ =	shalt  }
0x46: {  	_ =	shalt  }
0x47: {  	_ =	shalt  }
0x48: {  	_ =	shalt  }
0x49: {  	_ =	shalt  }
0x4a: {  	_ =	shalt  }
0x4b: {  	_ =	shalt  }
0x4c: {  	_ =	shalt  }
0x4d: {  	_ =	shalt  }
0x4e: {  	_ =	shalt  }
0x4f: {  	_ =	shalt  }
0x50: {  	_ =	shalt  }
0x51: {  	_ =	shalt  }
0x52: {  	_ =	shalt  }
0x53: {  	_ =	shalt  }
0x54: {  	_ =	shalt  }
0x55: {  	_ =	shalt  }
0x56: {  	_ =	shalt  }
0x57: {  	_ =	shalt  }
0x58: {  	_ =	shalt  }
0x59: {  	_ =	shalt  }
0x5a: {  	_ =	shalt  }
0x5b: {  	_ =	shalt  }
0x5c: {  	_ =	shalt  }
0x5d: {  	_ =	shalt  }
0x5e: {  	_ =	shalt  }
0x5f: {  	_ =	shalt  }
0x60: {  	_ =	shalt  }
0x61: {  	_ =	shalt  }
0x62: {  	_ =	shalt  }
0x63: {  	_ =	shalt  }
0x64: {  	_ =	shalt  }
0x65: {  	_ =	shalt  }
0x66: {  	_ =	shalt  }
0x67: {  	_ =	shalt  }
0x68: {  	_ =	shalt  }
0x69: {  	_ =	shalt  }
0x6a: {  	_ =	shalt  }
0x6b: {  	_ =	shalt  }
0x6c: {  	_ =	shalt  }
0x6d: {  	_ =	shalt  }
0x6e: {  	_ =	shalt  }
0x6f: {  	_ =	shalt  }
0x70: {  	_ =	shalt  }
0x71: {  	_ =	shalt  }
0x72: {  	_ =	shalt  }
0x73: {  	_ =	shalt  }
0x74: {  	_ =	shalt  }
0x75: {  	_ =	shalt  }
0x76: {  	_ =	shalt  }
0x77: {  	_ =	shalt  }
0x78: {  	_ =	shalt  }
0x79: {  	_ =	shalt  }
0x7a: {  	_ =	shalt  }
0x7b: {  	_ =	shalt  }
0x7c: {  	_ =	shalt  }
0x7d: {  	_ =	shalt  }
0x7e: {  	_ =	shalt  }
0x7f: {  	_ =	shalt  }
0x80: {  	_ =	shalt  }
0x81: {  	_ =	shalt  }
0x82: {  	_ =	shalt  }
0x83: {  	_ =	shalt  }
0x84: {  	_ =	shalt  }
0x85: {  	_ =	shalt  }
0x86: {  	_ =	shalt  }
0x87: {  	_ =	shalt  }
.Lfunc_end0:
.L_simem_size_0:
called_computation_lowered:
.L_overlay_start_0:
0x88: {  	s2 =	sld [smem:$0x3FD9]  }
0x89: {  	s3 =	sld [smem:$0x3FFE];
	_ =	sdelay $0x1  }
0x8a: {  	s1 =	srdreg.scid  }
0x8b: {  	s0 =	sand.u32 $0x1, s1  }
0x8c: {  	s17 =	sshll.u32 s0, $0xA;
	s2 =	sadd.s32 s3, s2  }
0x8d: {  	s2 =	sadd.s32 s2, s17  }
0x8e: {  	[smem:$0x3FC6] =	sst s2  }
0x8f: {  	_ = 	snop  }
0x90: {  	s2 =	sld [smem:$0x3FC8]  }
0x91: {  	s18 =	sld [smem:$0x3FD0];
	(tm) =	ssettm $0x1  }
0x92: {  	s4 =	sld [smem:$0x3FFB];
	_ =	sdelay $0x3  }
0x93: {  	_ =	strace s4  }
0x94: {  	s4 =	sld [smem:$0x3FFC];
	_ =	sdelay $0x3  }
0x95: {  	_ =	strace s4  }
0x96: {  	s4 =	sld [smem:$0x3FFD];
	_ =	sdelay $0x3  }
0x97: {  	_ =	strace s4  }
0x98: {  	_ =	strace $0x8FFFFFFF  }
0x99: {  	s19 =	sld [smem:$0x3FDB];
	_ =	sdelay $0x1  }
0x9a: {  	s5 =	simm.s32 $_scs_section_size  }
0x9b: {  	s6 =	simm.s32 $_size__tile_overlayer_lowered;
	s7 =	simm.s32 $_tile_overlayer_lowered  }
0x9c: {  	s22 =	simm.s32 $0x1BFF;
	s21 =	sshll.u32 s7, $0x1;
	s4 =	sadd.s32 s5, s19  }
0x9d: {  	s8 =	simm.s32 $0x0;
	s20 =	sshll.u32 s6, $0x1;
	s6 =	sadd.s32 s21, s4  }
0x9e: {  	[timem:s8], [sflag:s22] =	dma.local [hbm:s6], s20  }
0x9f: {  	_ =	swait.ge [sflag:s22], s20  }
0xa0: {  	s5 =	ssub.s32 $0x0, s20;
	[sflag:s22] =	ssyncset.done $0x0  }
0xa1: {  	[sflag:s22] =	ssyncadd.s32 s5;
	_ =	sdelay $0x1  }
0xa2: {  	s23 =	simm.s32 $0x1B8B  }
0xa3: {  	_ =	swait.ge [sflag:s23], $0x1  }
0xa4: {  	[sflag:s23] =	ssyncset.done $0x0  }
0xa5: {  	s25 =	simm.s32 $0x1B8E;
	s24 =	sld [smem:$0x3FFE];
	[sflag:s23] =	ssyncadd.s32 $0xFFFFFFFF  }
0xa6: {  	s26 =	simm.s32 $execute0_lowered;
	[smem:$0x3FD2] =	sst s25  }
0xa7: {  	s6 =	sshll.u32 s26, $0x1;
	_ =	strace $0x80000046;
	[dreg:$0x1] =	wrdreg $0xFFFFFFFF  }
0xa8: {  	s28 =	simm.s32 $_size_execute0_lowered;
	s4 =	sadd.s32 s4, s6;
	[dreg:$0x0] =	wrdreg $0x0  }
0xa9: {  	s6 =	sshll.u32 s28, $0x1;
	[dreg:$0x2] =	wrdreg s4  }
0xaa: {  	[dreg:$0x3] =	wrdreg s6  }
0xab: {  	[dreg:$0x4] =	wrdreg $0xC0  }
0xac: {  	_ =	task [dreg:s8], $0x5FFFF  }
0xad: {  	[dreg:$0x1] =	wrdreg $0xFFFFFFFF  }
0xae: {  	[dreg:$0x0] =	wrdreg $0x60  }
0xaf: {  	[dreg:$0x2] =	wrdreg s24  }
0xb0: {  	[dreg:$0x3] =	wrdreg s2  }
0xb1: {  	[dreg:$0x4] =	wrdreg s18  }
0xb2: {  	[dreg:$0x5] =	wrdreg $0x9  }
0xb3: {  	_ =	task.clear_ibuf [dreg:s8], $0x6FFFF;
	_ =	strace $0x90000046  }
0xb4: {  	s29 =	simm.s32 $0x9;
	_ =	strace $0x80000048  }
0xb5: {  	_ =	swait.ge [sflag:s29], $0x1  }
0xb6: {  	[sflag:s29] =	ssyncadd.s32 $0xFFFFFFFF  }
0xb7: {  	_ =	strace $0x90000048  }
0xb8: {  	_ =	sfence  }
0xb9: {  	s30 =	sld [smem:$0x0];
	_ =	sdelay $0x2  }
0xba: {  	s31 =	sshll.u32 s1, $0xD;
	s1 =	sshrl.u32 s1, $0x2  }
0xbb: {  	s3 =	sand.u32 $0x4000, s31;
	s1 =	sadd.s32 s1, s30  }
0xbc: {  	s0 =	sor.u32 s3, s0;
	s1 =	sshll.u32 s1, $0x11  }
0xbd: {  	s0 =	sor.u32 s1, s0  }
0xbe: {  	s0 =	sadd.s32 $0x8F2B, s0  }
0xbf: {  	[sflag:s0] =	ssyncadd.remote.s32 $0x1  }
0xc0: {  	_ =	sfence.sel $0xFFFF  }
0xc1: {  	[dreg:$0x0] =	wrdreg $0xFFFFFFFF;
	(pc) =	sbr.abs _section_cstart, $3  }
0xc2: {  	[dreg:$0x1] =	wrdreg $0xFFFFFFFF  }
0xc3: {  	_ =	task.clear_ibuf [dreg:s8], $0x2FFFF;
	_ =	strace $0x9FFFFFFF  }
0xc4: {  	(tm) =	ssettm $0x7FFFFFFF  }
0xc5: {  	_ =	shalt  }
tec
execute0_lowered:
.L_overlay_start_1:
0x0: {  	(tag) =	ssettag $0x1  }
0x1: {  	s0 =	rddreg [dreg:$0x0]  }
0x2: {  	s1 =	srdreg.scid;
	s3 =	stileid.u32  }
0x3: {  	s2 =	rddreg [dreg:$0x1];
	s1 =	sand.u32 $0x1, s1;
	s3 =	sshll.u32 s3, $0x1  }
0x4: {  	s4 =	rddreg [dreg:$0x2];
	s5 =	sor.u32 s1, s3  }
0x5: {  	s3 =	simm.s32 $0x0;
	s6 =	sshll.u32 s5, $0x8;
	s5 =	sshll.u32 s5, $0x10  }
0x6: {  	[smem:$0x7FF] =	sst s3;
	s0 =	sadd.s32 s6, s0;
	s8 =	sadd.s32 s4, s5  }
0x7: {  	_ =	strace $0x80000047;
	s0 =	sadd.s32 $0x400, s0;
	[dreg:$0x14] =	wrdreg s8  }
0x8: {  	s13 =	sadd.s32 $0x1000, s8;
	[dreg:$0x4] =	wrdreg s0  }
0x9: {  	s14 =	sadd.s32 $0x2000, s8;
	[dreg:$0x5] =	wrdreg s13  }
0xa: {  	s15 =	sadd.s32 $0x3000, s8;
	[dreg:$0x6] =	wrdreg s14  }
0xb: {  	s16 =	sadd.s32 $0x4000, s8;
	[dreg:$0x7] =	wrdreg s15  }
0xc: {  	s29 =	simm.s32 $0x1;
	s17 =	sadd.s32 $0x5000, s8;
	[dreg:$0x8] =	wrdreg s16  }
0xd: {  	s30 =	simm.s32 $0x4;
	s18 =	sadd.s32 $0x6000, s8;
	[dreg:$0x9] =	wrdreg s17  }
0xe: {  	s10 =	simm.s32 $0x2;
	s19 =	sadd.s32 $0x7000, s8;
	[dreg:$0xa] =	wrdreg s18  }
0xf: {  	s7 =	sadd.s32 $0x300, s2;
	s20 =	sadd.s32 $0x8000, s8;
	[dreg:$0xb] =	wrdreg s19  }
0x10: {  	s1 =	ssub.s32 $0x2, s1;
	s21 =	sadd.s32 $0x9000, s8;
	[dreg:$0xc] =	wrdreg s20  }
0x11: {  	s23 =	sshrl.u32 s1, $0x1;
	s22 =	sadd.s32 $0xA000, s8;
	[dreg:$0xd] =	wrdreg s21  }
0x12: {  	s1 =	ssub.s32 s1, s23;
	s24 =	sadd.s32 $0xB000, s8;
	[dreg:$0xe] =	wrdreg s22  }
0x13: {  	s5 =	sadd.s32 $0x100, s2;
	s25 =	sadd.s32 $0xC000, s8;
	[dreg:$0xf] =	wrdreg s24  }
0x14: {  	s6 =	sadd.s32 $0x200, s2;
	s26 =	sadd.s32 $0xD000, s8;
	[dreg:$0x10] =	wrdreg s25  }
0x15: {  	v2 =	vlaneseq.u32;
	s4 =	simm.s32 $0x6;
	s28 =	sadd.s32 $0xE000, s8;
	[dreg:$0x11] =	wrdreg s26  }
0x16: {  	vm0 =	vmmov $0xffff;
	v1 =	vshrl.u32 v2, $0x3;
	s31 =	sadd.s32 $0xF000, s8;
	s8 =	smax.u32 s1, $0x1;
	[dreg:$0x12] =	wrdreg s28  }
0x17: {  	v0 =	vand.u32 $0x7, v2;
	v2 =	vor.u32 $0x8, v2;
	v1 =	vmul.u32 $0x8, v1;
	s1 =	simm.s32 $0x5;
	[dreg:$0x13] =	wrdreg s31;
	s0 =	simm.s32 $0x3  }
.LBB2_1:
0x18: {  	[dreg:$0x15] =	wrdreg s8  }
0x19: {  	s28 =	rddreg [dreg:$0x4];
	s17 =	simm.s32 $0x7  }
0x1a: {  	[tilespmem:s3], [sflag:$0x7] =	stream.linear.gather [hbm4b:s28+s3], $0x800, $0x38;
	[tilespmem:$0x18800] =	vst v63  }
0x1b: {  	_ =	swait.ge [sflag:s17], $0x800  }
0x1c: {  	[sflag:s17] =	ssyncset.done $0x0  }
0x1d: {  	[sflag:s17] =	ssyncadd.s32 $0xFFFFF800  }
0x1e: {  	v3 =	vld [tilespmem:$0x0];
	_ =	sdelay $0x4  }
0x1f: {  	v4 =	vshll.u32 v3, $0x3  }
0x20: {  	v3 =	vand.u32 $0x7, v3;
	v4 =	vand.u32 $0xFFFFFFC0, v4  }
0x21: {  	v3 =	vor.u32 v3, v4  }
0x22: {  	v4 =	vperm.xlane v3, v0;
	_ =	sdelay $0x1  }
0x23: {  	v4 =	vadd.s32 v1, v4;
	_ =	sdelay $0x3  }
0x24: {  	s18 =	simm.s32 $0x800  }
0x25: {  	[tilespmem:s18], [sflag:$0x1] =	stream.indirect_vreg.gather [hbm4b:s2+s3], $0x80, v4, vm0, $0xb8;
	[tilespmem:$0x18800] =	vst v63  }
0x26: {  	s11 =	simm.s32 $0x1000;
	v3 =	vperm.xlane v3, v2  }
0x27: {  	[tilespmem:s11], [sflag:$0x1] =	stream.indirect_vreg.gather [hbm4b:s5+s3], $0x80, v4, vm0, $0xb8;
	[tilespmem:$0x18800] =	vst v63  }
0x28: {  	s19 =	simm.s32 $0x1800;
	v3 =	vadd.s32 v1, v3  }
0x29: {  	[tilespmem:s19], [sflag:$0x1] =	stream.indirect_vreg.gather [hbm4b:s6+s3], $0x80, v4, vm0, $0xb8;
	[tilespmem:$0x18800] =	vst v63  }
0x2a: {  	s20 =	simm.s32 $0x2000  }
0x2b: {  	[tilespmem:s20], [sflag:$0x1] =	stream.indirect_vreg.gather [hbm4b:s7+s3], $0x80, v4, vm0, $0xb8;
	[tilespmem:$0x18800] =	vst v63  }
0x2c: {  	s21 =	simm.s32 $0x2800  }
0x2d: {  	[tilespmem:s21], [sflag:$0x1] =	stream.indirect_vreg.gather [hbm4b:s2+s3], $0x80, v3, vm0, $0xb8;
	[tilespmem:$0x18800] =	vst v63  }
0x2e: {  	s22 =	simm.s32 $0x3000  }
0x2f: {  	[tilespmem:s22], [sflag:$0x1] =	stream.indirect_vreg.gather [hbm4b:s5+s3], $0x80, v3, vm0, $0xb8;
	[tilespmem:$0x18800] =	vst v63  }
0x30: {  	s23 =	simm.s32 $0x3800  }
0x31: {  	[tilespmem:s23], [sflag:$0x1] =	stream.indirect_vreg.gather [hbm4b:s6+s3], $0x80, v3, vm0, $0xb8;
	[tilespmem:$0x18800] =	vst v63  }
0x32: {  	s24 =	simm.s32 $0x4000  }
0x33: {  	[tilespmem:s24], [sflag:$0x1] =	stream.indirect_vreg.gather [hbm4b:s7+s3], $0x80, v3, vm0, $0xb8;
	[tilespmem:$0x18800] =	vst v63  }
0x34: {  	v3 =	vld [tilespmem:$0x10];
	_ =	sdelay $0x4  }
0x35: {  	v33 =	vshll.u32 v3, $0x3  }
0x36: {  	v3 =	vand.u32 $0x7, v3;
	v4 =	vand.u32 $0xFFFFFFC0, v33  }
0x37: {  	v3 =	vor.u32 v3, v4  }
0x38: {  	v4 =	vperm.xlane v3, v0;
	_ =	sdelay $0x1  }
0x39: {  	v4 =	vadd.s32 v1, v4;
	_ =	sdelay $0x3  }
0x3a: {  	s25 =	simm.s32 $0x4800  }
0x3b: {  	[tilespmem:s25], [sflag:$0x1] =	stream.indirect_vreg.gather [hbm4b:s2+s3], $0x80, v4, vm0, $0xb8;
	[tilespmem:$0x18800] =	vst v63  }
0x3c: {  	s26 =	simm.s32 $0x5000;
	v3 =	vperm.xlane v3, v2  }
0x3d: {  	[tilespmem:s26], [sflag:$0x1] =	stream.indirect_vreg.gather [hbm4b:s5+s3], $0x80, v4, vm0, $0xb8;
	[tilespmem:$0x18800] =	vst v63  }
0x3e: {  	s28 =	simm.s32 $0x5800;
	v3 =	vadd.s32 v1, v3  }
0x3f: {  	[tilespmem:s28], [sflag:$0x1] =	stream.indirect_vreg.gather [hbm4b:s6+s3], $0x80, v4, vm0, $0xb8;
	[tilespmem:$0x18800] =	vst v63  }
0x40: {  	s31 =	simm.s32 $0x6000  }
0x41: {  	[tilespmem:s31], [sflag:$0x1] =	stream.indirect_vreg.gather [hbm4b:s7+s3], $0x80, v4, vm0, $0xb8;
	[tilespmem:$0x18800] =	vst v63  }
0x42: {  	s8 =	simm.s32 $0x6800  }
0x43: {  	[tilespmem:s8], [sflag:$0x1] =	stream.indirect_vreg.gather [hbm4b:s2+s3], $0x80, v3, vm0, $0xb8;
	[tilespmem:$0x18800] =	vst v63  }
0x44: {  	s9 =	simm.s32 $0x7000  }
0x45: {  	[tilespmem:s9], [sflag:$0x1] =	stream.indirect_vreg.gather [hbm4b:s5+s3], $0x80, v3, vm0, $0xb8;
	[tilespmem:$0x18800] =	vst v63  }
0x46: {  	s13 =	simm.s32 $0x7800  }
0x47: {  	[tilespmem:s13], [sflag:$0x1] =	stream.indirect_vreg.gather [hbm4b:s6+s3], $0x80, v3, vm0, $0xb8;
	[tilespmem:$0x18800] =	vst v63  }
0x48: {  	s14 =	simm.s32 $0x8000  }
0x49: {  	[tilespmem:s14], [sflag:$0x1] =	stream.indirect_vreg.gather [hbm4b:s7+s3], $0x80, v3, vm0, $0xb8;
	[tilespmem:$0x18800] =	vst v63  }
0x4a: {  	v3 =	vld [tilespmem:$0x80];
	_ =	sdelay $0x4  }
0x4b: {  	v34 =	vshll.u32 v3, $0x3  }
0x4c: {  	v3 =	vand.u32 $0x7, v3;
	v4 =	vand.u32 $0xFFFFFFC0, v34  }
0x4d: {  	v3 =	vor.u32 v3, v4  }
0x4e: {  	v4 =	vperm.xlane v3, v0;
	_ =	sdelay $0x1  }
0x4f: {  	v4 =	vadd.s32 v1, v4;
	_ =	sdelay $0x3  }
0x50: {  	s9 =	simm.s32 $0x8800  }
0x51: {  	[tilespmem:s9], [sflag:$0x2] =	stream.indirect_vreg.gather [hbm4b:s2+s3], $0x80, v4, vm0, $0xb8;
	[tilespmem:$0x18800] =	vst v63  }
0x52: {  	s15 =	simm.s32 $0x9000;
	v3 =	vperm.xlane v3, v2  }
0x53: {  	[tilespmem:s15], [sflag:$0x2] =	stream.indirect_vreg.gather [hbm4b:s5+s3], $0x80, v4, vm0, $0xb8;
	[tilespmem:$0x18800] =	vst v63  }
0x54: {  	s19 =	simm.s32 $0x9800;
	v3 =	vadd.s32 v1, v3  }
0x55: {  	[tilespmem:s19], [sflag:$0x2] =	stream.indirect_vreg.gather [hbm4b:s6+s3], $0x80, v4, vm0, $0xb8;
	[tilespmem:$0x18800] =	vst v63  }
0x56: {  	s20 =	simm.s32 $0xA000  }
0x57: {  	[tilespmem:s20], [sflag:$0x2] =	stream.indirect_vreg.gather [hbm4b:s7+s3], $0x80, v4, vm0, $0xb8;
	[tilespmem:$0x18800] =	vst v63  }
0x58: {  	s23 =	simm.s32 $0xA800  }
0x59: {  	[tilespmem:s23], [sflag:$0x2] =	stream.indirect_vreg.gather [hbm4b:s2+s3], $0x80, v3, vm0, $0xb8;
	[tilespmem:$0x18800] =	vst v63  }
0x5a: {  	s24 =	simm.s32 $0xB000  }
0x5b: {  	[tilespmem:s24], [sflag:$0x2] =	stream.indirect_vreg.gather [hbm4b:s5+s3], $0x80, v3, vm0, $0xb8;
	[tilespmem:$0x18800] =	vst v63  }
0x5c: {  	s25 =	simm.s32 $0xB800  }
0x5d: {  	[tilespmem:s25], [sflag:$0x2] =	stream.indirect_vreg.gather [hbm4b:s6+s3], $0x80, v3, vm0, $0xb8;
	[tilespmem:$0x18800] =	vst v63  }
0x5e: {  	s26 =	simm.s32 $0xC000  }
0x5f: {  	[tilespmem:s26], [sflag:$0x2] =	stream.indirect_vreg.gather [hbm4b:s7+s3], $0x80, v3, vm0, $0xb8;
	[tilespmem:$0x18800] =	vst v63  }
0x60: {  	v3 =	vld [tilespmem:$0x90];
	_ =	sdelay $0x4  }
0x61: {  	v35 =	vshll.u32 v3, $0x3  }
0x62: {  	v3 =	vand.u32 $0x7, v3;
	v4 =	vand.u32 $0xFFFFFFC0, v35  }
0x63: {  	v3 =	vor.u32 v3, v4  }
0x64: {  	v4 =	vperm.xlane v3, v0;
	_ =	sdelay $0x1  }
0x65: {  	v4 =	vadd.s32 v1, v4;
	_ =	sdelay $0x3  }
0x66: {  	s28 =	simm.s32 $0xC800  }
0x67: {  	[tilespmem:s28], [sflag:$0x2] =	stream.indirect_vreg.gather [hbm4b:s2+s3], $0x80, v4, vm0, $0xb8;
	[tilespmem:$0x18800] =	vst v63  }
0x68: {  	s31 =	simm.s32 $0xD000;
	v3 =	vperm.xlane v3, v2  }
0x69: {  	[tilespmem:s31], [sflag:$0x2] =	stream.indirect_vreg.gather [hbm4b:s5+s3], $0x80, v4, vm0, $0xb8;
	[tilespmem:$0x18800] =	vst v63  }
0x6a: {  	s9 =	simm.s32 $0xD800;
	v3 =	vadd.s32 v1, v3  }
0x6b: {  	[tilespmem:s9], [sflag:$0x2] =	stream.indirect_vreg.gather [hbm4b:s6+s3], $0x80, v4, vm0, $0xb8;
	[tilespmem:$0x18800] =	vst v63  }
0x6c: {  	s11 =	simm.s32 $0xE000  }
0x6d: {  	[tilespmem:s11], [sflag:$0x2] =	stream.indirect_vreg.gather [hbm4b:s7+s3], $0x80, v4, vm0, $0xb8;
	[tilespmem:$0x18800] =	vst v63  }
0x6e: {  	s13 =	simm.s32 $0xE800  }
0x6f: {  	[tilespmem:s13], [sflag:$0x2] =	stream.indirect_vreg.gather [hbm4b:s2+s3], $0x80, v3, vm0, $0xb8;
	[tilespmem:$0x18800] =	vst v63  }
0x70: {  	s14 =	simm.s32 $0xF000  }
0x71: {  	[tilespmem:s14], [sflag:$0x2] =	stream.indirect_vreg.gather [hbm4b:s5+s3], $0x80, v3, vm0, $0xb8;
	[tilespmem:$0x18800] =	vst v63  }
0x72: {  	s15 =	simm.s32 $0xF800  }
0x73: {  	[tilespmem:s15], [sflag:$0x2] =	stream.indirect_vreg.gather [hbm4b:s6+s3], $0x80, v3, vm0, $0xb8;
	[tilespmem:$0x18800] =	vst v63  }
0x74: {  	s19 =	simm.s32 $0x10000  }
0x75: {  	[tilespmem:s19], [sflag:$0x2] =	stream.indirect_vreg.gather [hbm4b:s7+s3], $0x80, v3, vm0, $0xb8;
	[tilespmem:$0x18800] =	vst v63  }
0x76: {  	v3 =	vld [tilespmem:$0x100];
	_ =	sdelay $0x4  }
0x77: {  	v36 =	vshll.u32 v3, $0x3  }
0x78: {  	v3 =	vand.u32 $0x7, v3;
	v4 =	vand.u32 $0xFFFFFFC0, v36  }
0x79: {  	v3 =	vor.u32 v3, v4  }
0x7a: {  	v4 =	vperm.xlane v3, v0;
	_ =	sdelay $0x1  }
0x7b: {  	v4 =	vadd.s32 v1, v4;
	_ =	sdelay $0x3  }
0x7c: {  	s20 =	simm.s32 $0x10800  }
0x7d: {  	[tilespmem:s20], [sflag:$0x3] =	stream.indirect_vreg.gather [hbm4b:s2+s3], $0x80, v4, vm0, $0xb8;
	[tilespmem:$0x18800] =	vst v63  }
0x7e: {  	s13 =	simm.s32 $0x11000;
	v3 =	vperm.xlane v3, v2  }
0x7f: {  	[tilespmem:s13], [sflag:$0x3] =	stream.indirect_vreg.gather [hbm4b:s5+s3], $0x80, v4, vm0, $0xb8;
	[tilespmem:$0x18800] =	vst v63  }
0x80: {  	s26 =	simm.s32 $0x11800;
	v3 =	vadd.s32 v1, v3  }
0x81: {  	[tilespmem:s26], [sflag:$0x3] =	stream.indirect_vreg.gather [hbm4b:s6+s3], $0x80, v4, vm0, $0xb8;
	[tilespmem:$0x18800] =	vst v63  }
0x82: {  	s28 =	simm.s32 $0x12000  }
0x83: {  	[tilespmem:s28], [sflag:$0x3] =	stream.indirect_vreg.gather [hbm4b:s7+s3], $0x80, v4, vm0, $0xb8;
	[tilespmem:$0x18800] =	vst v63  }
0x84: {  	s8 =	simm.s32 $0x12800  }
0x85: {  	[tilespmem:s8], [sflag:$0x3] =	stream.indirect_vreg.gather [hbm4b:s2+s3], $0x80, v3, vm0, $0xb8;
	[tilespmem:$0x18800] =	vst v63  }
0x86: {  	s9 =	simm.s32 $0x13000  }
0x87: {  	[tilespmem:s9], [sflag:$0x3] =	stream.indirect_vreg.gather [hbm4b:s5+s3], $0x80, v3, vm0, $0xb8;
	[tilespmem:$0x18800] =	vst v63  }
0x88: {  	s14 =	simm.s32 $0x13800  }
0x89: {  	[tilespmem:s14], [sflag:$0x3] =	stream.indirect_vreg.gather [hbm4b:s6+s3], $0x80, v3, vm0, $0xb8;
	[tilespmem:$0x18800] =	vst v63  }
0x8a: {  	s15 =	simm.s32 $0x14000  }
0x8b: {  	[tilespmem:s15], [sflag:$0x3] =	stream.indirect_vreg.gather [hbm4b:s7+s3], $0x80, v3, vm0, $0xb8;
	[tilespmem:$0x18800] =	vst v63  }
0x8c: {  	v3 =	vld [tilespmem:$0x110];
	_ =	sdelay $0x4  }
0x8d: {  	v37 =	vshll.u32 v3, $0x3  }
0x8e: {  	v3 =	vand.u32 $0x7, v3;
	v4 =	vand.u32 $0xFFFFFFC0, v37  }
0x8f: {  	v3 =	vor.u32 v3, v4  }
0x90: {  	v4 =	vperm.xlane v3, v0;
	_ =	sdelay $0x1  }
0x91: {  	v4 =	vadd.s32 v1, v4;
	_ =	sdelay $0x3  }
0x92: {  	s19 =	simm.s32 $0x14800  }
0x93: {  	[tilespmem:s19], [sflag:$0x3] =	stream.indirect_vreg.gather [hbm4b:s2+s3], $0x80, v4, vm0, $0xb8;
	[tilespmem:$0x18800] =	vst v63  }
0x94: {  	s20 =	simm.s32 $0x15000;
	v3 =	vperm.xlane v3, v2  }
0x95: {  	[tilespmem:s20], [sflag:$0x3] =	stream.indirect_vreg.gather [hbm4b:s5+s3], $0x80, v4, vm0, $0xb8;
	[tilespmem:$0x18800] =	vst v63  }
0x96: {  	s26 =	simm.s32 $0x15800;
	v3 =	vadd.s32 v1, v3  }
0x97: {  	[tilespmem:s26], [sflag:$0x3] =	stream.indirect_vreg.gather [hbm4b:s6+s3], $0x80, v4, vm0, $0xb8;
	[tilespmem:$0x18800] =	vst v63  }
0x98: {  	s28 =	simm.s32 $0x16000  }
0x99: {  	[tilespmem:s28], [sflag:$0x3] =	stream.indirect_vreg.gather [hbm4b:s7+s3], $0x80, v4, vm0, $0xb8;
	[tilespmem:$0x18800] =	vst v63  }
0x9a: {  	s8 =	simm.s32 $0x16800  }
0x9b: {  	[tilespmem:s8], [sflag:$0x3] =	stream.indirect_vreg.gather [hbm4b:s2+s3], $0x80, v3, vm0, $0xb8;
	[tilespmem:$0x18800] =	vst v63  }
0x9c: {  	s9 =	simm.s32 $0x17000  }
0x9d: {  	[tilespmem:s9], [sflag:$0x3] =	stream.indirect_vreg.gather [hbm4b:s5+s3], $0x80, v3, vm0, $0xb8;
	[tilespmem:$0x18800] =	vst v63  }
0x9e: {  	s14 =	simm.s32 $0x17800  }
0x9f: {  	[tilespmem:s14], [sflag:$0x3] =	stream.indirect_vreg.gather [hbm4b:s6+s3], $0x80, v3, vm0, $0xb8;
	[tilespmem:$0x18800] =	vst v63  }
0xa0: {  	s15 =	simm.s32 $0x18000  }
0xa1: {  	[tilespmem:s15], [sflag:$0x3] =	stream.indirect_vreg.gather [hbm4b:s7+s3], $0x80, v3, vm0, $0xb8;
	[tilespmem:$0x18800] =	vst v63  }
0xa2: {  	_ =	swait.ge [sflag:s29], $0x8000  }
0xa3: {  	[sflag:s29] =	ssyncset.done $0x0  }
0xa4: {  	s20 =	simm.s32 $0x800;
	s19 =	rddreg [dreg:$0x14];
	[sflag:s29] =	ssyncadd.s32 $0xFFFF8000  }
0xa5: {  	[hbm4b:s19+s3] =	stream.linear.scatter [tilespmem:s20], [sflag:$0x4], $0x8000, $0x38;
	[tilespmem:$0x18800] =	vst v63  }
0xa6: {  	_ =	swait.ge [sflag:s30], $0x8000  }
0xa7: {  	[sflag:s30] =	ssyncset.done $0x0  }
0xa8: {  	[sflag:s30] =	ssyncadd.s32 $0xFFFF8000  }
0xa9: {  	v3 =	vld [tilespmem:$0x180];
	_ =	sdelay $0x4  }
0xaa: {  	v38 =	vshll.u32 v3, $0x3  }
0xab: {  	v3 =	vand.u32 $0x7, v3;
	v4 =	vand.u32 $0xFFFFFFC0, v38  }
0xac: {  	v3 =	vor.u32 v3, v4  }
0xad: {  	v4 =	vperm.xlane v3, v0;
	_ =	sdelay $0x1  }
0xae: {  	v4 =	vadd.s32 v1, v4;
	_ =	sdelay $0x4  }
0xaf: {  	[tilespmem:s20], [sflag:$0x1] =	stream.indirect_vreg.gather [hbm4b:s2+s3], $0x80, v4, vm0, $0xb8;
	[tilespmem:$0x18800] =	vst v63  }
0xb0: {  	s12 =	simm.s32 $0x1000;
	v3 =	vperm.xlane v3, v2  }
0xb1: {  	[tilespmem:s12], [sflag:$0x1] =	stream.indirect_vreg.gather [hbm4b:s5+s3], $0x80, v4, vm0, $0xb8;
	[tilespmem:$0x18800] =	vst v63  }
0xb2: {  	s26 =	simm.s32 $0x1800;
	v3 =	vadd.s32 v1, v3  }
0xb3: {  	[tilespmem:s26], [sflag:$0x1] =	stream.indirect_vreg.gather [hbm4b:s6+s3], $0x80, v4, vm0, $0xb8;
	[tilespmem:$0x18800] =	vst v63  }
0xb4: {  	s12 =	simm.s32 $0x2000  }
0xb5: {  	[tilespmem:s12], [sflag:$0x1] =	stream.indirect_vreg.gather [hbm4b:s7+s3], $0x80, v4, vm0, $0xb8;
	[tilespmem:$0x18800] =	vst v63  }
0xb6: {  	s13 =	simm.s32 $0x2800  }
0xb7: {  	[tilespmem:s13], [sflag:$0x1] =	stream.indirect_vreg.gather [hbm4b:s2+s3], $0x80, v3, vm0, $0xb8;
	[tilespmem:$0x18800] =	vst v63  }
0xb8: {  	s14 =	simm.s32 $0x3000  }
0xb9: {  	[tilespmem:s14], [sflag:$0x1] =	stream.indirect_vreg.gather [hbm4b:s5+s3], $0x80, v3, vm0, $0xb8;
	[tilespmem:$0x18800] =	vst v63  }
0xba: {  	s15 =	simm.s32 $0x3800  }
0xbb: {  	[tilespmem:s15], [sflag:$0x1] =	stream.indirect_vreg.gather [hbm4b:s6+s3], $0x80, v3, vm0, $0xb8;
	[tilespmem:$0x18800] =	vst v63  }
0xbc: {  	s16 =	simm.s32 $0x4000  }
0xbd: {  	[tilespmem:s16], [sflag:$0x1] =	stream.indirect_vreg.gather [hbm4b:s7+s3], $0x80, v3, vm0, $0xb8;
	[tilespmem:$0x18800] =	vst v63  }
0xbe: {  	v3 =	vld [tilespmem:$0x190];
	_ =	sdelay $0x4  }
0xbf: {  	v39 =	vshll.u32 v3, $0x3  }
0xc0: {  	v3 =	vand.u32 $0x7, v3;
	v4 =	vand.u32 $0xFFFFFFC0, v39  }
0xc1: {  	v3 =	vor.u32 v3, v4  }
0xc2: {  	v4 =	vperm.xlane v3, v0;
	_ =	sdelay $0x1  }
0xc3: {  	v4 =	vadd.s32 v1, v4;
	_ =	sdelay $0x3  }
0xc4: {  	s17 =	simm.s32 $0x4800  }
0xc5: {  	[tilespmem:s17], [sflag:$0x1] =	stream.indirect_vreg.gather [hbm4b:s2+s3], $0x80, v4, vm0, $0xb8;
	[tilespmem:$0x18800] =	vst v63  }
0xc6: {  	s18 =	simm.s32 $0x5000;
	v3 =	vperm.xlane v3, v2  }
0xc7: {  	[tilespmem:s18], [sflag:$0x1] =	stream.indirect_vreg.gather [hbm4b:s5+s3], $0x80, v4, vm0, $0xb8;
	[tilespmem:$0x18800] =	vst v63  }
0xc8: {  	s16 =	simm.s32 $0x5800;
	v3 =	vadd.s32 v1, v3  }
0xc9: {  	[tilespmem:s16], [sflag:$0x1] =	stream.indirect_vreg.gather [hbm4b:s6+s3], $0x80, v4, vm0, $0xb8;
	[tilespmem:$0x18800] =	vst v63  }
0xca: {  	s17 =	simm.s32 $0x6000  }
0xcb: {  	[tilespmem:s17], [sflag:$0x1] =	stream.indirect_vreg.gather [hbm4b:s7+s3], $0x80, v4, vm0, $0xb8;
	[tilespmem:$0x18800] =	vst v63  }
0xcc: {  	s18 =	simm.s32 $0x6800  }
0xcd: {  	[tilespmem:s18], [sflag:$0x1] =	stream.indirect_vreg.gather [hbm4b:s2+s3], $0x80, v3, vm0, $0xb8;
	[tilespmem:$0x18800] =	vst v63  }
0xce: {  	s19 =	simm.s32 $0x7000  }
0xcf: {  	[tilespmem:s19], [sflag:$0x1] =	stream.indirect_vreg.gather [hbm4b:s5+s3], $0x80, v3, vm0, $0xb8;
	[tilespmem:$0x18800] =	vst v63  }
0xd0: {  	s20 =	simm.s32 $0x7800  }
0xd1: {  	[tilespmem:s20], [sflag:$0x1] =	stream.indirect_vreg.gather [hbm4b:s6+s3], $0x80, v3, vm0, $0xb8;
	[tilespmem:$0x18800] =	vst v63  }
0xd2: {  	s22 =	simm.s32 $0x8000  }
0xd3: {  	[tilespmem:s22], [sflag:$0x1] =	stream.indirect_vreg.gather [hbm4b:s7+s3], $0x80, v3, vm0, $0xb8;
	[tilespmem:$0x18800] =	vst v63  }
0xd4: {  	_ =	swait.ge [sflag:s10], $0x8000  }
0xd5: {  	[sflag:s10] =	ssyncset.done $0x0  }
0xd6: {  	s8 =	simm.s32 $0x8800;
	s22 =	rddreg [dreg:$0x5];
	[sflag:s10] =	ssyncadd.s32 $0xFFFF8000  }
0xd7: {  	[hbm4b:s22+s3] =	stream.linear.scatter [tilespmem:s8], [sflag:$0x5], $0x8000, $0x38;
	[tilespmem:$0x18800] =	vst v63  }
0xd8: {  	_ =	swait.ge [sflag:s1], $0x8000  }
0xd9: {  	[sflag:s1] =	ssyncset.done $0x0  }
0xda: {  	[sflag:s1] =	ssyncadd.s32 $0xFFFF8000  }
0xdb: {  	v3 =	vld [tilespmem:$0x200];
	_ =	sdelay $0x4  }
0xdc: {  	v40 =	vshll.u32 v3, $0x3  }
0xdd: {  	v3 =	vand.u32 $0x7, v3;
	v4 =	vand.u32 $0xFFFFFFC0, v40  }
0xde: {  	v3 =	vor.u32 v3, v4  }
0xdf: {  	v4 =	vperm.xlane v3, v0;
	_ =	sdelay $0x1  }
0xe0: {  	v4 =	vadd.s32 v1, v4;
	_ =	sdelay $0x4  }
0xe1: {  	[tilespmem:s8], [sflag:$0x2] =	stream.indirect_vreg.gather [hbm4b:s2+s3], $0x80, v4, vm0, $0xb8;
	[tilespmem:$0x18800] =	vst v63  }
0xe2: {  	s21 =	simm.s32 $0x9000;
	v3 =	vperm.xlane v3, v2  }
0xe3: {  	[tilespmem:s21], [sflag:$0x2] =	stream.indirect_vreg.gather [hbm4b:s5+s3], $0x80, v4, vm0, $0xb8;
	[tilespmem:$0x18800] =	vst v63  }
0xe4: {  	v3 =	vadd.s32 v1, v3;
	s8 =	simm.s32 $0x9800  }
0xe5: {  	[tilespmem:s8], [sflag:$0x2] =	stream.indirect_vreg.gather [hbm4b:s6+s3], $0x80, v4, vm0, $0xb8;
	[tilespmem:$0x18800] =	vst v63  }
0xe6: {  	s22 =	simm.s32 $0xA000  }
0xe7: {  	[tilespmem:s22], [sflag:$0x2] =	stream.indirect_vreg.gather [hbm4b:s7+s3], $0x80, v4, vm0, $0xb8;
	[tilespmem:$0x18800] =	vst v63  }
0xe8: {  	s28 =	simm.s32 $0xA800  }
0xe9: {  	[tilespmem:s28], [sflag:$0x2] =	stream.indirect_vreg.gather [hbm4b:s2+s3], $0x80, v3, vm0, $0xb8;
	[tilespmem:$0x18800] =	vst v63  }
0xea: {  	s21 =	simm.s32 $0xB000  }
0xeb: {  	[tilespmem:s21], [sflag:$0x2] =	stream.indirect_vreg.gather [hbm4b:s5+s3], $0x80, v3, vm0, $0xb8;
	[tilespmem:$0x18800] =	vst v63  }
0xec: {  	s22 =	simm.s32 $0xB800  }
0xed: {  	[tilespmem:s22], [sflag:$0x2] =	stream.indirect_vreg.gather [hbm4b:s6+s3], $0x80, v3, vm0, $0xb8;
	[tilespmem:$0x18800] =	vst v63  }
0xee: {  	s23 =	simm.s32 $0xC000  }
0xef: {  	[tilespmem:s23], [sflag:$0x2] =	stream.indirect_vreg.gather [hbm4b:s7+s3], $0x80, v3, vm0, $0xb8;
	[tilespmem:$0x18800] =	vst v63  }
0xf0: {  	v3 =	vld [tilespmem:$0x210];
	_ =	sdelay $0x4  }
0xf1: {  	v41 =	vshll.u32 v3, $0x3  }
0xf2: {  	v3 =	vand.u32 $0x7, v3;
	v4 =	vand.u32 $0xFFFFFFC0, v41  }
0xf3: {  	v3 =	vor.u32 v3, v4  }
0xf4: {  	v4 =	vperm.xlane v3, v0;
	_ =	sdelay $0x1  }
0xf5: {  	v4 =	vadd.s32 v1, v4;
	_ =	sdelay $0x3  }
0xf6: {  	s24 =	simm.s32 $0xC800  }
0xf7: {  	[tilespmem:s24], [sflag:$0x2] =	stream.indirect_vreg.gather [hbm4b:s2+s3], $0x80, v4, vm0, $0xb8;
	[tilespmem:$0x18800] =	vst v63  }
0xf8: {  	s25 =	simm.s32 $0xD000;
	v3 =	vperm.xlane v3, v2  }
0xf9: {  	[tilespmem:s25], [sflag:$0x2] =	stream.indirect_vreg.gather [hbm4b:s5+s3], $0x80, v4, vm0, $0xb8;
	[tilespmem:$0x18800] =	vst v63  }
0xfa: {  	s28 =	simm.s32 $0xD800;
	v3 =	vadd.s32 v1, v3  }
0xfb: {  	[tilespmem:s28], [sflag:$0x2] =	stream.indirect_vreg.gather [hbm4b:s6+s3], $0x80, v4, vm0, $0xb8;
	[tilespmem:$0x18800] =	vst v63  }
0xfc: {  	s21 =	simm.s32 $0xE000  }
0xfd: {  	[tilespmem:s21], [sflag:$0x2] =	stream.indirect_vreg.gather [hbm4b:s7+s3], $0x80, v4, vm0, $0xb8;
	[tilespmem:$0x18800] =	vst v63  }
0xfe: {  	s22 =	simm.s32 $0xE800  }
0xff: {  	[tilespmem:s22], [sflag:$0x2] =	stream.indirect_vreg.gather [hbm4b:s2+s3], $0x80, v3, vm0, $0xb8;
	[tilespmem:$0x18800] =	vst v63  }
0x100: {  	s23 =	simm.s32 $0xF000  }
0x101: {  	[tilespmem:s23], [sflag:$0x2] =	stream.indirect_vreg.gather [hbm4b:s5+s3], $0x80, v3, vm0, $0xb8;
	[tilespmem:$0x18800] =	vst v63  }
0x102: {  	s24 =	simm.s32 $0xF800  }
0x103: {  	[tilespmem:s24], [sflag:$0x2] =	stream.indirect_vreg.gather [hbm4b:s6+s3], $0x80, v3, vm0, $0xb8;
	[tilespmem:$0x18800] =	vst v63  }
0x104: {  	s31 =	simm.s32 $0x10000  }
0x105: {  	[tilespmem:s31], [sflag:$0x2] =	stream.indirect_vreg.gather [hbm4b:s7+s3], $0x80, v3, vm0, $0xb8;
	[tilespmem:$0x18800] =	vst v63  }
0x106: {  	_ =	swait.ge [sflag:s0], $0x8000  }
0x107: {  	[sflag:s0] =	ssyncset.done $0x0  }
0x108: {  	s11 =	simm.s32 $0x10800;
	s25 =	rddreg [dreg:$0x6];
	[sflag:s0] =	ssyncadd.s32 $0xFFFF8000  }
0x109: {  	[hbm4b:s25+s3] =	stream.linear.scatter [tilespmem:s11], [sflag:$0x6], $0x8000, $0x38;
	[tilespmem:$0x18800] =	vst v63  }
0x10a: {  	_ =	swait.ge [sflag:s4], $0x8000  }
0x10b: {  	[sflag:s4] =	ssyncset.done $0x0  }
0x10c: {  	[sflag:s4] =	ssyncadd.s32 $0xFFFF8000  }
0x10d: {  	v3 =	vld [tilespmem:$0x280];
	_ =	sdelay $0x4  }
0x10e: {  	v42 =	vshll.u32 v3, $0x3  }
0x10f: {  	v3 =	vand.u32 $0x7, v3;
	v4 =	vand.u32 $0xFFFFFFC0, v42  }
0x110: {  	v3 =	vor.u32 v3, v4  }
0x111: {  	v4 =	vperm.xlane v3, v0;
	_ =	sdelay $0x1  }
0x112: {  	v4 =	vadd.s32 v1, v4;
	_ =	sdelay $0x4  }
0x113: {  	[tilespmem:s11], [sflag:$0x3] =	stream.indirect_vreg.gather [hbm4b:s2+s3], $0x80, v4, vm0, $0xb8;
	[tilespmem:$0x18800] =	vst v63  }
0x114: {  	s31 =	simm.s32 $0x11000;
	v3 =	vperm.xlane v3, v2  }
0x115: {  	[tilespmem:s31], [sflag:$0x3] =	stream.indirect_vreg.gather [hbm4b:s5+s3], $0x80, v4, vm0, $0xb8;
	[tilespmem:$0x18800] =	vst v63  }
0x116: {  	s22 =	simm.s32 $0x11800;
	v3 =	vadd.s32 v1, v3  }
0x117: {  	[tilespmem:s22], [sflag:$0x3] =	stream.indirect_vreg.gather [hbm4b:s6+s3], $0x80, v4, vm0, $0xb8;
	[tilespmem:$0x18800] =	vst v63  }
0x118: {  	s23 =	simm.s32 $0x12000  }
0x119: {  	[tilespmem:s23], [sflag:$0x3] =	stream.indirect_vreg.gather [hbm4b:s7+s3], $0x80, v4, vm0, $0xb8;
	[tilespmem:$0x18800] =	vst v63  }
0x11a: {  	s24 =	simm.s32 $0x12800  }
0x11b: {  	[tilespmem:s24], [sflag:$0x3] =	stream.indirect_vreg.gather [hbm4b:s2+s3], $0x80, v3, vm0, $0xb8;
	[tilespmem:$0x18800] =	vst v63  }
0x11c: {  	s25 =	simm.s32 $0x13000  }
0x11d: {  	[tilespmem:s25], [sflag:$0x3] =	stream.indirect_vreg.gather [hbm4b:s5+s3], $0x80, v3, vm0, $0xb8;
	[tilespmem:$0x18800] =	vst v63  }
0x11e: {  	s21 =	simm.s32 $0x13800  }
0x11f: {  	[tilespmem:s21], [sflag:$0x3] =	stream.indirect_vreg.gather [hbm4b:s6+s3], $0x80, v3, vm0, $0xb8;
	[tilespmem:$0x18800] =	vst v63  }
0x120: {  	s11 =	simm.s32 $0x14000  }
0x121: {  	[tilespmem:s11], [sflag:$0x3] =	stream.indirect_vreg.gather [hbm4b:s7+s3], $0x80, v3, vm0, $0xb8;
	[tilespmem:$0x18800] =	vst v63  }
0x122: {  	v3 =	vld [tilespmem:$0x290];
	_ =	sdelay $0x4  }
0x123: {  	v43 =	vshll.u32 v3, $0x3  }
0x124: {  	v3 =	vand.u32 $0x7, v3;
	v4 =	vand.u32 $0xFFFFFFC0, v43  }
0x125: {  	v3 =	vor.u32 v3, v4  }
0x126: {  	v4 =	vperm.xlane v3, v0;
	_ =	sdelay $0x1  }
0x127: {  	v4 =	vadd.s32 v1, v4;
	_ =	sdelay $0x3  }
0x128: {  	s28 =	simm.s32 $0x14800  }
0x129: {  	[tilespmem:s28], [sflag:$0x3] =	stream.indirect_vreg.gather [hbm4b:s2+s3], $0x80, v4, vm0, $0xb8;
	[tilespmem:$0x18800] =	vst v63  }
0x12a: {  	s31 =	simm.s32 $0x15000;
	v3 =	vperm.xlane v3, v2  }
0x12b: {  	[tilespmem:s31], [sflag:$0x3] =	stream.indirect_vreg.gather [hbm4b:s5+s3], $0x80, v4, vm0, $0xb8;
	[tilespmem:$0x18800] =	vst v63  }
0x12c: {  	s11 =	simm.s32 $0x15800;
	v3 =	vadd.s32 v1, v3  }
0x12d: {  	[tilespmem:s11], [sflag:$0x3] =	stream.indirect_vreg.gather [hbm4b:s6+s3], $0x80, v4, vm0, $0xb8;
	[tilespmem:$0x18800] =	vst v63  }
0x12e: {  	s11 =	simm.s32 $0x16000  }
0x12f: {  	[tilespmem:s11], [sflag:$0x3] =	stream.indirect_vreg.gather [hbm4b:s7+s3], $0x80, v4, vm0, $0xb8;
	[tilespmem:$0x18800] =	vst v63  }
0x130: {  	s28 =	simm.s32 $0x16800  }
0x131: {  	[tilespmem:s28], [sflag:$0x3] =	stream.indirect_vreg.gather [hbm4b:s2+s3], $0x80, v3, vm0, $0xb8;
	[tilespmem:$0x18800] =	vst v63  }
0x132: {  	s31 =	simm.s32 $0x17000  }
0x133: {  	[tilespmem:s31], [sflag:$0x3] =	stream.indirect_vreg.gather [hbm4b:s5+s3], $0x80, v3, vm0, $0xb8;
	[tilespmem:$0x18800] =	vst v63  }
0x134: {  	s28 =	simm.s32 $0x17800  }
0x135: {  	[tilespmem:s28], [sflag:$0x3] =	stream.indirect_vreg.gather [hbm4b:s6+s3], $0x80, v3, vm0, $0xb8;
	[tilespmem:$0x18800] =	vst v63  }
0x136: {  	s31 =	simm.s32 $0x18000  }
0x137: {  	[tilespmem:s31], [sflag:$0x3] =	stream.indirect_vreg.gather [hbm4b:s7+s3], $0x80, v3, vm0, $0xb8;
	[tilespmem:$0x18800] =	vst v63  }
0x138: {  	_ =	swait.ge [sflag:s29], $0x8000  }
0x139: {  	[sflag:s29] =	ssyncset.done $0x0  }
0x13a: {  	s9 =	simm.s32 $0x800;
	s28 =	rddreg [dreg:$0x7];
	[sflag:s29] =	ssyncadd.s32 $0xFFFF8000  }
0x13b: {  	[hbm4b:s28+s3] =	stream.linear.scatter [tilespmem:s9], [sflag:$0x4], $0x8000, $0x38;
	[tilespmem:$0x18800] =	vst v63  }
0x13c: {  	_ =	swait.ge [sflag:s30], $0x8000  }
0x13d: {  	[sflag:s30] =	ssyncset.done $0x0  }
0x13e: {  	[sflag:s30] =	ssyncadd.s32 $0xFFFF8000  }
0x13f: {  	v3 =	vld [tilespmem:$0x300];
	_ =	sdelay $0x4  }
0x140: {  	v44 =	vshll.u32 v3, $0x3  }
0x141: {  	v3 =	vand.u32 $0x7, v3;
	v4 =	vand.u32 $0xFFFFFFC0, v44  }
0x142: {  	v3 =	vor.u32 v3, v4  }
0x143: {  	v4 =	vperm.xlane v3, v0;
	_ =	sdelay $0x1  }
0x144: {  	v4 =	vadd.s32 v1, v4;
	_ =	sdelay $0x4  }
0x145: {  	[tilespmem:s9], [sflag:$0x1] =	stream.indirect_vreg.gather [hbm4b:s2+s3], $0x80, v4, vm0, $0xb8;
	[tilespmem:$0x18800] =	vst v63  }
0x146: {  	s31 =	simm.s32 $0x1000;
	v3 =	vperm.xlane v3, v2  }
0x147: {  	[tilespmem:s31], [sflag:$0x1] =	stream.indirect_vreg.gather [hbm4b:s5+s3], $0x80, v4, vm0, $0xb8;
	[tilespmem:$0x18800] =	vst v63  }
0x148: {  	v3 =	vadd.s32 v1, v3  }
0x149: {  	[tilespmem:s26], [sflag:$0x1] =	stream.indirect_vreg.gather [hbm4b:s6+s3], $0x80, v4, vm0, $0xb8;
	[tilespmem:$0x18800] =	vst v63  }
0x14a: {  	_ = 	snop  }
0x14b: {  	[tilespmem:s12], [sflag:$0x1] =	stream.indirect_vreg.gather [hbm4b:s7+s3], $0x80, v4, vm0, $0xb8;
	[tilespmem:$0x18800] =	vst v63  }
0x14c: {  	_ = 	snop  }
0x14d: {  	[tilespmem:s13], [sflag:$0x1] =	stream.indirect_vreg.gather [hbm4b:s2+s3], $0x80, v3, vm0, $0xb8;
	[tilespmem:$0x18800] =	vst v63  }
0x14e: {  	_ = 	snop  }
0x14f: {  	[tilespmem:s14], [sflag:$0x1] =	stream.indirect_vreg.gather [hbm4b:s5+s3], $0x80, v3, vm0, $0xb8;
	[tilespmem:$0x18800] =	vst v63  }
0x150: {  	_ = 	snop  }
0x151: {  	[tilespmem:s15], [sflag:$0x1] =	stream.indirect_vreg.gather [hbm4b:s6+s3], $0x80, v3, vm0, $0xb8;
	[tilespmem:$0x18800] =	vst v63  }
0x152: {  	s13 =	simm.s32 $0x4000  }
0x153: {  	[tilespmem:s13], [sflag:$0x1] =	stream.indirect_vreg.gather [hbm4b:s7+s3], $0x80, v3, vm0, $0xb8;
	[tilespmem:$0x18800] =	vst v63  }
0x154: {  	v3 =	vld [tilespmem:$0x310];
	_ =	sdelay $0x4  }
0x155: {  	v45 =	vshll.u32 v3, $0x3  }
0x156: {  	v3 =	vand.u32 $0x7, v3;
	v4 =	vand.u32 $0xFFFFFFC0, v45  }
0x157: {  	v3 =	vor.u32 v3, v4  }
0x158: {  	v4 =	vperm.xlane v3, v0;
	_ =	sdelay $0x1  }
0x159: {  	v4 =	vadd.s32 v1, v4;
	_ =	sdelay $0x3  }
0x15a: {  	s14 =	simm.s32 $0x4800  }
0x15b: {  	[tilespmem:s14], [sflag:$0x1] =	stream.indirect_vreg.gather [hbm4b:s2+s3], $0x80, v4, vm0, $0xb8;
	[tilespmem:$0x18800] =	vst v63  }
0x15c: {  	s15 =	simm.s32 $0x5000;
	v3 =	vperm.xlane v3, v2  }
0x15d: {  	[tilespmem:s15], [sflag:$0x1] =	stream.indirect_vreg.gather [hbm4b:s5+s3], $0x80, v4, vm0, $0xb8;
	[tilespmem:$0x18800] =	vst v63  }
0x15e: {  	v3 =	vadd.s32 v1, v3  }
0x15f: {  	[tilespmem:s16], [sflag:$0x1] =	stream.indirect_vreg.gather [hbm4b:s6+s3], $0x80, v4, vm0, $0xb8;
	[tilespmem:$0x18800] =	vst v63  }
0x160: {  	_ = 	snop  }
0x161: {  	[tilespmem:s17], [sflag:$0x1] =	stream.indirect_vreg.gather [hbm4b:s7+s3], $0x80, v4, vm0, $0xb8;
	[tilespmem:$0x18800] =	vst v63  }
0x162: {  	_ = 	snop  }
0x163: {  	[tilespmem:s18], [sflag:$0x1] =	stream.indirect_vreg.gather [hbm4b:s2+s3], $0x80, v3, vm0, $0xb8;
	[tilespmem:$0x18800] =	vst v63  }
0x164: {  	_ = 	snop  }
0x165: {  	[tilespmem:s19], [sflag:$0x1] =	stream.indirect_vreg.gather [hbm4b:s5+s3], $0x80, v3, vm0, $0xb8;
	[tilespmem:$0x18800] =	vst v63  }
0x166: {  	_ = 	snop  }
0x167: {  	[tilespmem:s20], [sflag:$0x1] =	stream.indirect_vreg.gather [hbm4b:s6+s3], $0x80, v3, vm0, $0xb8;
	[tilespmem:$0x18800] =	vst v63  }
0x168: {  	s16 =	simm.s32 $0x8000  }
0x169: {  	[tilespmem:s16], [sflag:$0x1] =	stream.indirect_vreg.gather [hbm4b:s7+s3], $0x80, v3, vm0, $0xb8;
	[tilespmem:$0x18800] =	vst v63  }
0x16a: {  	_ =	swait.ge [sflag:s10], $0x8000  }
0x16b: {  	[sflag:s10] =	ssyncset.done $0x0  }
0x16c: {  	s18 =	simm.s32 $0x8800;
	s17 =	rddreg [dreg:$0x8];
	[sflag:s10] =	ssyncadd.s32 $0xFFFF8000  }
0x16d: {  	[hbm4b:s17+s3] =	stream.linear.scatter [tilespmem:s18], [sflag:$0x5], $0x8000, $0x38;
	[tilespmem:$0x18800] =	vst v63  }
0x16e: {  	_ =	swait.ge [sflag:s1], $0x8000  }
0x16f: {  	[sflag:s1] =	ssyncset.done $0x0  }
0x170: {  	[sflag:s1] =	ssyncadd.s32 $0xFFFF8000  }
0x171: {  	v3 =	vld [tilespmem:$0x380];
	_ =	sdelay $0x4  }
0x172: {  	v46 =	vshll.u32 v3, $0x3  }
0x173: {  	v3 =	vand.u32 $0x7, v3;
	v4 =	vand.u32 $0xFFFFFFC0, v46  }
0x174: {  	v3 =	vor.u32 v3, v4  }
0x175: {  	v4 =	vperm.xlane v3, v0;
	_ =	sdelay $0x1  }
0x176: {  	v4 =	vadd.s32 v1, v4;
	_ =	sdelay $0x4  }
0x177: {  	[tilespmem:s18], [sflag:$0x2] =	stream.indirect_vreg.gather [hbm4b:s2+s3], $0x80, v4, vm0, $0xb8;
	[tilespmem:$0x18800] =	vst v63  }
0x178: {  	s31 =	simm.s32 $0x9000;
	v3 =	vperm.xlane v3, v2  }
0x179: {  	[tilespmem:s31], [sflag:$0x2] =	stream.indirect_vreg.gather [hbm4b:s5+s3], $0x80, v4, vm0, $0xb8;
	[tilespmem:$0x18800] =	vst v63  }
0x17a: {  	v3 =	vadd.s32 v1, v3  }
0x17b: {  	[tilespmem:s8], [sflag:$0x2] =	stream.indirect_vreg.gather [hbm4b:s6+s3], $0x80, v4, vm0, $0xb8;
	[tilespmem:$0x18800] =	vst v63  }
0x17c: {  	s13 =	simm.s32 $0xA000  }
0x17d: {  	[tilespmem:s13], [sflag:$0x2] =	stream.indirect_vreg.gather [hbm4b:s7+s3], $0x80, v4, vm0, $0xb8;
	[tilespmem:$0x18800] =	vst v63  }
0x17e: {  	s19 =	simm.s32 $0xA800  }
0x17f: {  	[tilespmem:s19], [sflag:$0x2] =	stream.indirect_vreg.gather [hbm4b:s2+s3], $0x80, v3, vm0, $0xb8;
	[tilespmem:$0x18800] =	vst v63  }
0x180: {  	s20 =	simm.s32 $0xB000  }
0x181: {  	[tilespmem:s20], [sflag:$0x2] =	stream.indirect_vreg.gather [hbm4b:s5+s3], $0x80, v3, vm0, $0xb8;
	[tilespmem:$0x18800] =	vst v63  }
0x182: {  	s16 =	simm.s32 $0xB800  }
0x183: {  	[tilespmem:s16], [sflag:$0x2] =	stream.indirect_vreg.gather [hbm4b:s6+s3], $0x80, v3, vm0, $0xb8;
	[tilespmem:$0x18800] =	vst v63  }
0x184: {  	s26 =	simm.s32 $0xC000  }
0x185: {  	[tilespmem:s26], [sflag:$0x2] =	stream.indirect_vreg.gather [hbm4b:s7+s3], $0x80, v3, vm0, $0xb8;
	[tilespmem:$0x18800] =	vst v63  }
0x186: {  	v3 =	vld [tilespmem:$0x390];
	_ =	sdelay $0x4  }
0x187: {  	v47 =	vshll.u32 v3, $0x3  }
0x188: {  	v3 =	vand.u32 $0x7, v3;
	v4 =	vand.u32 $0xFFFFFFC0, v47  }
0x189: {  	v3 =	vor.u32 v3, v4  }
0x18a: {  	v4 =	vperm.xlane v3, v0;
	_ =	sdelay $0x1  }
0x18b: {  	v4 =	vadd.s32 v1, v4;
	_ =	sdelay $0x3  }
0x18c: {  	s28 =	simm.s32 $0xC800  }
0x18d: {  	[tilespmem:s28], [sflag:$0x2] =	stream.indirect_vreg.gather [hbm4b:s2+s3], $0x80, v4, vm0, $0xb8;
	[tilespmem:$0x18800] =	vst v63  }
0x18e: {  	s12 =	simm.s32 $0xD000;
	v3 =	vperm.xlane v3, v2  }
0x18f: {  	[tilespmem:s12], [sflag:$0x2] =	stream.indirect_vreg.gather [hbm4b:s5+s3], $0x80, v4, vm0, $0xb8;
	[tilespmem:$0x18800] =	vst v63  }
0x190: {  	s17 =	simm.s32 $0xD800;
	v3 =	vadd.s32 v1, v3  }
0x191: {  	[tilespmem:s17], [sflag:$0x2] =	stream.indirect_vreg.gather [hbm4b:s6+s3], $0x80, v4, vm0, $0xb8;
	[tilespmem:$0x18800] =	vst v63  }
0x192: {  	s18 =	simm.s32 $0xE000  }
0x193: {  	[tilespmem:s18], [sflag:$0x2] =	stream.indirect_vreg.gather [hbm4b:s7+s3], $0x80, v4, vm0, $0xb8;
	[tilespmem:$0x18800] =	vst v63  }
0x194: {  	s19 =	simm.s32 $0xE800  }
0x195: {  	[tilespmem:s19], [sflag:$0x2] =	stream.indirect_vreg.gather [hbm4b:s2+s3], $0x80, v3, vm0, $0xb8;
	[tilespmem:$0x18800] =	vst v63  }
0x196: {  	s20 =	simm.s32 $0xF000  }
0x197: {  	[tilespmem:s20], [sflag:$0x2] =	stream.indirect_vreg.gather [hbm4b:s5+s3], $0x80, v3, vm0, $0xb8;
	[tilespmem:$0x18800] =	vst v63  }
0x198: {  	s26 =	simm.s32 $0xF800  }
0x199: {  	[tilespmem:s26], [sflag:$0x2] =	stream.indirect_vreg.gather [hbm4b:s6+s3], $0x80, v3, vm0, $0xb8;
	[tilespmem:$0x18800] =	vst v63  }
0x19a: {  	s14 =	simm.s32 $0x10000  }
0x19b: {  	[tilespmem:s14], [sflag:$0x2] =	stream.indirect_vreg.gather [hbm4b:s7+s3], $0x80, v3, vm0, $0xb8;
	[tilespmem:$0x18800] =	vst v63  }
0x19c: {  	_ =	swait.ge [sflag:s0], $0x8000  }
0x19d: {  	[sflag:s0] =	ssyncset.done $0x0  }
0x19e: {  	s8 =	simm.s32 $0x10800;
	s15 =	rddreg [dreg:$0x9];
	[sflag:s0] =	ssyncadd.s32 $0xFFFF8000  }
0x19f: {  	[hbm4b:s15+s3] =	stream.linear.scatter [tilespmem:s8], [sflag:$0x6], $0x8000, $0x38;
	[tilespmem:$0x18800] =	vst v63  }
0x1a0: {  	_ =	swait.ge [sflag:s4], $0x8000  }
0x1a1: {  	[sflag:s4] =	ssyncset.done $0x0  }
0x1a2: {  	[sflag:s4] =	ssyncadd.s32 $0xFFFF8000  }
0x1a3: {  	v3 =	vld [tilespmem:$0x400];
	_ =	sdelay $0x4  }
0x1a4: {  	v48 =	vshll.u32 v3, $0x3  }
0x1a5: {  	v3 =	vand.u32 $0x7, v3;
	v4 =	vand.u32 $0xFFFFFFC0, v48  }
0x1a6: {  	v3 =	vor.u32 v3, v4  }
0x1a7: {  	v4 =	vperm.xlane v3, v0;
	_ =	sdelay $0x1  }
0x1a8: {  	v4 =	vadd.s32 v1, v4;
	_ =	sdelay $0x4  }
0x1a9: {  	[tilespmem:s8], [sflag:$0x3] =	stream.indirect_vreg.gather [hbm4b:s2+s3], $0x80, v4, vm0, $0xb8;
	[tilespmem:$0x18800] =	vst v63  }
0x1aa: {  	s12 =	simm.s32 $0x11000;
	v3 =	vperm.xlane v3, v2  }
0x1ab: {  	[tilespmem:s12], [sflag:$0x3] =	stream.indirect_vreg.gather [hbm4b:s5+s3], $0x80, v4, vm0, $0xb8;
	[tilespmem:$0x18800] =	vst v63  }
0x1ac: {  	v3 =	vadd.s32 v1, v3  }
0x1ad: {  	[tilespmem:s22], [sflag:$0x3] =	stream.indirect_vreg.gather [hbm4b:s6+s3], $0x80, v4, vm0, $0xb8;
	[tilespmem:$0x18800] =	vst v63  }
0x1ae: {  	_ = 	snop  }
0x1af: {  	[tilespmem:s23], [sflag:$0x3] =	stream.indirect_vreg.gather [hbm4b:s7+s3], $0x80, v4, vm0, $0xb8;
	[tilespmem:$0x18800] =	vst v63  }
0x1b0: {  	_ = 	snop  }
0x1b1: {  	[tilespmem:s24], [sflag:$0x3] =	stream.indirect_vreg.gather [hbm4b:s2+s3], $0x80, v3, vm0, $0xb8;
	[tilespmem:$0x18800] =	vst v63  }
0x1b2: {  	_ = 	snop  }
0x1b3: {  	[tilespmem:s25], [sflag:$0x3] =	stream.indirect_vreg.gather [hbm4b:s5+s3], $0x80, v3, vm0, $0xb8;
	[tilespmem:$0x18800] =	vst v63  }
0x1b4: {  	_ = 	snop  }
0x1b5: {  	[tilespmem:s21], [sflag:$0x3] =	stream.indirect_vreg.gather [hbm4b:s6+s3], $0x80, v3, vm0, $0xb8;
	[tilespmem:$0x18800] =	vst v63  }
0x1b6: {  	s12 =	simm.s32 $0x14000  }
0x1b7: {  	[tilespmem:s12], [sflag:$0x3] =	stream.indirect_vreg.gather [hbm4b:s7+s3], $0x80, v3, vm0, $0xb8;
	[tilespmem:$0x18800] =	vst v63  }
0x1b8: {  	v3 =	vld [tilespmem:$0x410];
	_ =	sdelay $0x4  }
0x1b9: {  	v49 =	vshll.u32 v3, $0x3  }
0x1ba: {  	v3 =	vand.u32 $0x7, v3;
	v4 =	vand.u32 $0xFFFFFFC0, v49  }
0x1bb: {  	v3 =	vor.u32 v3, v4  }
0x1bc: {  	v4 =	vperm.xlane v3, v0;
	_ =	sdelay $0x1  }
0x1bd: {  	v4 =	vadd.s32 v1, v4;
	_ =	sdelay $0x3  }
0x1be: {  	s14 =	simm.s32 $0x14800  }
0x1bf: {  	[tilespmem:s14], [sflag:$0x3] =	stream.indirect_vreg.gather [hbm4b:s2+s3], $0x80, v4, vm0, $0xb8;
	[tilespmem:$0x18800] =	vst v63  }
0x1c0: {  	v3 =	vperm.xlane v3, v2;
	s14 =	simm.s32 $0x15000  }
0x1c1: {  	[tilespmem:s14], [sflag:$0x3] =	stream.indirect_vreg.gather [hbm4b:s5+s3], $0x80, v4, vm0, $0xb8;
	[tilespmem:$0x18800] =	vst v63  }
0x1c2: {  	s15 =	simm.s32 $0x15800;
	v3 =	vadd.s32 v1, v3  }
0x1c3: {  	[tilespmem:s15], [sflag:$0x3] =	stream.indirect_vreg.gather [hbm4b:s6+s3], $0x80, v4, vm0, $0xb8;
	[tilespmem:$0x18800] =	vst v63  }
0x1c4: {  	_ = 	snop  }
0x1c5: {  	[tilespmem:s11], [sflag:$0x3] =	stream.indirect_vreg.gather [hbm4b:s7+s3], $0x80, v4, vm0, $0xb8;
	[tilespmem:$0x18800] =	vst v63  }
0x1c6: {  	s21 =	simm.s32 $0x16800  }
0x1c7: {  	[tilespmem:s21], [sflag:$0x3] =	stream.indirect_vreg.gather [hbm4b:s2+s3], $0x80, v3, vm0, $0xb8;
	[tilespmem:$0x18800] =	vst v63  }
0x1c8: {  	s11 =	simm.s32 $0x17000  }
0x1c9: {  	[tilespmem:s11], [sflag:$0x3] =	stream.indirect_vreg.gather [hbm4b:s5+s3], $0x80, v3, vm0, $0xb8;
	[tilespmem:$0x18800] =	vst v63  }
0x1ca: {  	s22 =	simm.s32 $0x17800  }
0x1cb: {  	[tilespmem:s22], [sflag:$0x3] =	stream.indirect_vreg.gather [hbm4b:s6+s3], $0x80, v3, vm0, $0xb8;
	[tilespmem:$0x18800] =	vst v63  }
0x1cc: {  	s15 =	simm.s32 $0x18000  }
0x1cd: {  	[tilespmem:s15], [sflag:$0x3] =	stream.indirect_vreg.gather [hbm4b:s7+s3], $0x80, v3, vm0, $0xb8;
	[tilespmem:$0x18800] =	vst v63  }
0x1ce: {  	_ =	swait.ge [sflag:s29], $0x8000  }
0x1cf: {  	[sflag:s29] =	ssyncset.done $0x0  }
0x1d0: {  	s24 =	simm.s32 $0x800;
	s23 =	rddreg [dreg:$0xa];
	[sflag:s29] =	ssyncadd.s32 $0xFFFF8000  }
0x1d1: {  	[hbm4b:s23+s3] =	stream.linear.scatter [tilespmem:s24], [sflag:$0x4], $0x8000, $0x38;
	[tilespmem:$0x18800] =	vst v63  }
0x1d2: {  	_ =	swait.ge [sflag:s30], $0x8000  }
0x1d3: {  	[sflag:s30] =	ssyncset.done $0x0  }
0x1d4: {  	[sflag:s30] =	ssyncadd.s32 $0xFFFF8000  }
0x1d5: {  	v3 =	vld [tilespmem:$0x480];
	_ =	sdelay $0x4  }
0x1d6: {  	v50 =	vshll.u32 v3, $0x3  }
0x1d7: {  	v3 =	vand.u32 $0x7, v3;
	v4 =	vand.u32 $0xFFFFFFC0, v50  }
0x1d8: {  	v3 =	vor.u32 v3, v4  }
0x1d9: {  	v4 =	vperm.xlane v3, v0;
	_ =	sdelay $0x1  }
0x1da: {  	v4 =	vadd.s32 v1, v4;
	_ =	sdelay $0x4  }
0x1db: {  	[tilespmem:s24], [sflag:$0x1] =	stream.indirect_vreg.gather [hbm4b:s2+s3], $0x80, v4, vm0, $0xb8;
	[tilespmem:$0x18800] =	vst v63  }
0x1dc: {  	s25 =	simm.s32 $0x1000;
	v3 =	vperm.xlane v3, v2  }
0x1dd: {  	[tilespmem:s25], [sflag:$0x1] =	stream.indirect_vreg.gather [hbm4b:s5+s3], $0x80, v4, vm0, $0xb8;
	[tilespmem:$0x18800] =	vst v63  }
0x1de: {  	s21 =	simm.s32 $0x1800;
	v3 =	vadd.s32 v1, v3  }
0x1df: {  	[tilespmem:s21], [sflag:$0x1] =	stream.indirect_vreg.gather [hbm4b:s6+s3], $0x80, v4, vm0, $0xb8;
	[tilespmem:$0x18800] =	vst v63  }
0x1e0: {  	s22 =	simm.s32 $0x2000  }
0x1e1: {  	[tilespmem:s22], [sflag:$0x1] =	stream.indirect_vreg.gather [hbm4b:s7+s3], $0x80, v4, vm0, $0xb8;
	[tilespmem:$0x18800] =	vst v63  }
0x1e2: {  	s23 =	simm.s32 $0x2800  }
0x1e3: {  	[tilespmem:s23], [sflag:$0x1] =	stream.indirect_vreg.gather [hbm4b:s2+s3], $0x80, v3, vm0, $0xb8;
	[tilespmem:$0x18800] =	vst v63  }
0x1e4: {  	s24 =	simm.s32 $0x3000  }
0x1e5: {  	[tilespmem:s24], [sflag:$0x1] =	stream.indirect_vreg.gather [hbm4b:s5+s3], $0x80, v3, vm0, $0xb8;
	[tilespmem:$0x18800] =	vst v63  }
0x1e6: {  	s25 =	simm.s32 $0x3800  }
0x1e7: {  	[tilespmem:s25], [sflag:$0x1] =	stream.indirect_vreg.gather [hbm4b:s6+s3], $0x80, v3, vm0, $0xb8;
	[tilespmem:$0x18800] =	vst v63  }
0x1e8: {  	s28 =	simm.s32 $0x4000  }
0x1e9: {  	[tilespmem:s28], [sflag:$0x1] =	stream.indirect_vreg.gather [hbm4b:s7+s3], $0x80, v3, vm0, $0xb8;
	[tilespmem:$0x18800] =	vst v63  }
0x1ea: {  	v3 =	vld [tilespmem:$0x490];
	_ =	sdelay $0x4  }
0x1eb: {  	v51 =	vshll.u32 v3, $0x3  }
0x1ec: {  	v3 =	vand.u32 $0x7, v3;
	v4 =	vand.u32 $0xFFFFFFC0, v51  }
0x1ed: {  	v3 =	vor.u32 v3, v4  }
0x1ee: {  	v4 =	vperm.xlane v3, v0;
	_ =	sdelay $0x1  }
0x1ef: {  	v4 =	vadd.s32 v1, v4;
	_ =	sdelay $0x3  }
0x1f0: {  	s28 =	simm.s32 $0x4800  }
0x1f1: {  	[tilespmem:s28], [sflag:$0x1] =	stream.indirect_vreg.gather [hbm4b:s2+s3], $0x80, v4, vm0, $0xb8;
	[tilespmem:$0x18800] =	vst v63  }
0x1f2: {  	v3 =	vperm.xlane v3, v2;
	s28 =	simm.s32 $0x5000  }
0x1f3: {  	[tilespmem:s28], [sflag:$0x1] =	stream.indirect_vreg.gather [hbm4b:s5+s3], $0x80, v4, vm0, $0xb8;
	[tilespmem:$0x18800] =	vst v63  }
0x1f4: {  	v3 =	vadd.s32 v1, v3;
	s28 =	simm.s32 $0x5800  }
0x1f5: {  	[tilespmem:s28], [sflag:$0x1] =	stream.indirect_vreg.gather [hbm4b:s6+s3], $0x80, v4, vm0, $0xb8;
	[tilespmem:$0x18800] =	vst v63  }
0x1f6: {  	s28 =	simm.s32 $0x6000  }
0x1f7: {  	[tilespmem:s28], [sflag:$0x1] =	stream.indirect_vreg.gather [hbm4b:s7+s3], $0x80, v4, vm0, $0xb8;
	[tilespmem:$0x18800] =	vst v63  }
0x1f8: {  	s28 =	simm.s32 $0x6800  }
0x1f9: {  	[tilespmem:s28], [sflag:$0x1] =	stream.indirect_vreg.gather [hbm4b:s2+s3], $0x80, v3, vm0, $0xb8;
	[tilespmem:$0x18800] =	vst v63  }
0x1fa: {  	s28 =	simm.s32 $0x7000  }
0x1fb: {  	[tilespmem:s28], [sflag:$0x1] =	stream.indirect_vreg.gather [hbm4b:s5+s3], $0x80, v3, vm0, $0xb8;
	[tilespmem:$0x18800] =	vst v63  }
0x1fc: {  	s28 =	simm.s32 $0x7800  }
0x1fd: {  	[tilespmem:s28], [sflag:$0x1] =	stream.indirect_vreg.gather [hbm4b:s6+s3], $0x80, v3, vm0, $0xb8;
	[tilespmem:$0x18800] =	vst v63  }
0x1fe: {  	s28 =	simm.s32 $0x8000  }
0x1ff: {  	[tilespmem:s28], [sflag:$0x1] =	stream.indirect_vreg.gather [hbm4b:s7+s3], $0x80, v3, vm0, $0xb8;
	[tilespmem:$0x18800] =	vst v63  }
0x200: {  	_ =	swait.ge [sflag:s10], $0x8000  }
0x201: {  	[sflag:s10] =	ssyncset.done $0x0  }
0x202: {  	s9 =	simm.s32 $0x8800;
	s28 =	rddreg [dreg:$0xb];
	[sflag:s10] =	ssyncadd.s32 $0xFFFF8000  }
0x203: {  	[hbm4b:s28+s3] =	stream.linear.scatter [tilespmem:s9], [sflag:$0x5], $0x8000, $0x38;
	[tilespmem:$0x18800] =	vst v63  }
0x204: {  	_ =	swait.ge [sflag:s1], $0x8000  }
0x205: {  	[sflag:s1] =	ssyncset.done $0x0  }
0x206: {  	[sflag:s1] =	ssyncadd.s32 $0xFFFF8000  }
0x207: {  	v3 =	vld [tilespmem:$0x500];
	_ =	sdelay $0x4  }
0x208: {  	v52 =	vshll.u32 v3, $0x3  }
0x209: {  	v3 =	vand.u32 $0x7, v3;
	v4 =	vand.u32 $0xFFFFFFC0, v52  }
0x20a: {  	v3 =	vor.u32 v3, v4  }
0x20b: {  	v4 =	vperm.xlane v3, v0;
	_ =	sdelay $0x1  }
0x20c: {  	v4 =	vadd.s32 v1, v4;
	_ =	sdelay $0x4  }
0x20d: {  	[tilespmem:s9], [sflag:$0x2] =	stream.indirect_vreg.gather [hbm4b:s2+s3], $0x80, v4, vm0, $0xb8;
	[tilespmem:$0x18800] =	vst v63  }
0x20e: {  	v3 =	vperm.xlane v3, v2  }
0x20f: {  	[tilespmem:s31], [sflag:$0x2] =	stream.indirect_vreg.gather [hbm4b:s5+s3], $0x80, v4, vm0, $0xb8;
	[tilespmem:$0x18800] =	vst v63  }
0x210: {  	s28 =	simm.s32 $0x9800;
	v3 =	vadd.s32 v1, v3  }
0x211: {  	[tilespmem:s28], [sflag:$0x2] =	stream.indirect_vreg.gather [hbm4b:s6+s3], $0x80, v4, vm0, $0xb8;
	[tilespmem:$0x18800] =	vst v63  }
0x212: {  	_ = 	snop  }
0x213: {  	[tilespmem:s13], [sflag:$0x2] =	stream.indirect_vreg.gather [hbm4b:s7+s3], $0x80, v4, vm0, $0xb8;
	[tilespmem:$0x18800] =	vst v63  }
0x214: {  	s28 =	simm.s32 $0xA800  }
0x215: {  	[tilespmem:s28], [sflag:$0x2] =	stream.indirect_vreg.gather [hbm4b:s2+s3], $0x80, v3, vm0, $0xb8;
	[tilespmem:$0x18800] =	vst v63  }
0x216: {  	s13 =	simm.s32 $0xB000  }
0x217: {  	[tilespmem:s13], [sflag:$0x2] =	stream.indirect_vreg.gather [hbm4b:s5+s3], $0x80, v3, vm0, $0xb8;
	[tilespmem:$0x18800] =	vst v63  }
0x218: {  	_ = 	snop  }
0x219: {  	[tilespmem:s16], [sflag:$0x2] =	stream.indirect_vreg.gather [hbm4b:s6+s3], $0x80, v3, vm0, $0xb8;
	[tilespmem:$0x18800] =	vst v63  }
0x21a: {  	s28 =	simm.s32 $0xC000  }
0x21b: {  	[tilespmem:s28], [sflag:$0x2] =	stream.indirect_vreg.gather [hbm4b:s7+s3], $0x80, v3, vm0, $0xb8;
	[tilespmem:$0x18800] =	vst v63  }
0x21c: {  	v3 =	vld [tilespmem:$0x510];
	_ =	sdelay $0x4  }
0x21d: {  	v53 =	vshll.u32 v3, $0x3  }
0x21e: {  	v3 =	vand.u32 $0x7, v3;
	v4 =	vand.u32 $0xFFFFFFC0, v53  }
0x21f: {  	v3 =	vor.u32 v3, v4  }
0x220: {  	v4 =	vperm.xlane v3, v0;
	_ =	sdelay $0x1  }
0x221: {  	v4 =	vadd.s32 v1, v4;
	_ =	sdelay $0x3  }
0x222: {  	s13 =	simm.s32 $0xC800  }
0x223: {  	[tilespmem:s13], [sflag:$0x2] =	stream.indirect_vreg.gather [hbm4b:s2+s3], $0x80, v4, vm0, $0xb8;
	[tilespmem:$0x18800] =	vst v63  }
0x224: {  	s16 =	simm.s32 $0xD000;
	v3 =	vperm.xlane v3, v2  }
0x225: {  	[tilespmem:s16], [sflag:$0x2] =	stream.indirect_vreg.gather [hbm4b:s5+s3], $0x80, v4, vm0, $0xb8;
	[tilespmem:$0x18800] =	vst v63  }
0x226: {  	v3 =	vadd.s32 v1, v3  }
0x227: {  	[tilespmem:s17], [sflag:$0x2] =	stream.indirect_vreg.gather [hbm4b:s6+s3], $0x80, v4, vm0, $0xb8;
	[tilespmem:$0x18800] =	vst v63  }
0x228: {  	_ = 	snop  }
0x229: {  	[tilespmem:s18], [sflag:$0x2] =	stream.indirect_vreg.gather [hbm4b:s7+s3], $0x80, v4, vm0, $0xb8;
	[tilespmem:$0x18800] =	vst v63  }
0x22a: {  	_ = 	snop  }
0x22b: {  	[tilespmem:s19], [sflag:$0x2] =	stream.indirect_vreg.gather [hbm4b:s2+s3], $0x80, v3, vm0, $0xb8;
	[tilespmem:$0x18800] =	vst v63  }
0x22c: {  	_ = 	snop  }
0x22d: {  	[tilespmem:s20], [sflag:$0x2] =	stream.indirect_vreg.gather [hbm4b:s5+s3], $0x80, v3, vm0, $0xb8;
	[tilespmem:$0x18800] =	vst v63  }
0x22e: {  	_ = 	snop  }
0x22f: {  	[tilespmem:s26], [sflag:$0x2] =	stream.indirect_vreg.gather [hbm4b:s6+s3], $0x80, v3, vm0, $0xb8;
	[tilespmem:$0x18800] =	vst v63  }
0x230: {  	s28 =	simm.s32 $0x10000  }
0x231: {  	[tilespmem:s28], [sflag:$0x2] =	stream.indirect_vreg.gather [hbm4b:s7+s3], $0x80, v3, vm0, $0xb8;
	[tilespmem:$0x18800] =	vst v63  }
0x232: {  	_ =	swait.ge [sflag:s0], $0x8000  }
0x233: {  	[sflag:s0] =	ssyncset.done $0x0  }
0x234: {  	s16 =	simm.s32 $0x10800;
	s13 =	rddreg [dreg:$0xc];
	[sflag:s0] =	ssyncadd.s32 $0xFFFF8000  }
0x235: {  	[hbm4b:s13+s3] =	stream.linear.scatter [tilespmem:s16], [sflag:$0x6], $0x8000, $0x38;
	[tilespmem:$0x18800] =	vst v63  }
0x236: {  	_ =	swait.ge [sflag:s4], $0x8000  }
0x237: {  	[sflag:s4] =	ssyncset.done $0x0  }
0x238: {  	[sflag:s4] =	ssyncadd.s32 $0xFFFF8000  }
0x239: {  	v3 =	vld [tilespmem:$0x580];
	_ =	sdelay $0x4  }
0x23a: {  	v54 =	vshll.u32 v3, $0x3  }
0x23b: {  	v3 =	vand.u32 $0x7, v3;
	v4 =	vand.u32 $0xFFFFFFC0, v54  }
0x23c: {  	v3 =	vor.u32 v3, v4  }
0x23d: {  	v4 =	vperm.xlane v3, v0;
	_ =	sdelay $0x1  }
0x23e: {  	v4 =	vadd.s32 v1, v4;
	_ =	sdelay $0x4  }
0x23f: {  	[tilespmem:s16], [sflag:$0x3] =	stream.indirect_vreg.gather [hbm4b:s2+s3], $0x80, v4, vm0, $0xb8;
	[tilespmem:$0x18800] =	vst v63  }
0x240: {  	s13 =	simm.s32 $0x11000;
	v3 =	vperm.xlane v3, v2  }
0x241: {  	[tilespmem:s13], [sflag:$0x3] =	stream.indirect_vreg.gather [hbm4b:s5+s3], $0x80, v4, vm0, $0xb8;
	[tilespmem:$0x18800] =	vst v63  }
0x242: {  	v3 =	vadd.s32 v1, v3;
	s13 =	simm.s32 $0x11800  }
0x243: {  	[tilespmem:s13], [sflag:$0x3] =	stream.indirect_vreg.gather [hbm4b:s6+s3], $0x80, v4, vm0, $0xb8;
	[tilespmem:$0x18800] =	vst v63  }
0x244: {  	s9 =	simm.s32 $0x12000  }
0x245: {  	[tilespmem:s9], [sflag:$0x3] =	stream.indirect_vreg.gather [hbm4b:s7+s3], $0x80, v4, vm0, $0xb8;
	[tilespmem:$0x18800] =	vst v63  }
0x246: {  	s28 =	simm.s32 $0x12800  }
0x247: {  	[tilespmem:s28], [sflag:$0x3] =	stream.indirect_vreg.gather [hbm4b:s2+s3], $0x80, v3, vm0, $0xb8;
	[tilespmem:$0x18800] =	vst v63  }
0x248: {  	s28 =	simm.s32 $0x13000  }
0x249: {  	[tilespmem:s28], [sflag:$0x3] =	stream.indirect_vreg.gather [hbm4b:s5+s3], $0x80, v3, vm0, $0xb8;
	[tilespmem:$0x18800] =	vst v63  }
0x24a: {  	s28 =	simm.s32 $0x13800  }
0x24b: {  	[tilespmem:s28], [sflag:$0x3] =	stream.indirect_vreg.gather [hbm4b:s6+s3], $0x80, v3, vm0, $0xb8;
	[tilespmem:$0x18800] =	vst v63  }
0x24c: {  	_ = 	snop  }
0x24d: {  	[tilespmem:s12], [sflag:$0x3] =	stream.indirect_vreg.gather [hbm4b:s7+s3], $0x80, v3, vm0, $0xb8;
	[tilespmem:$0x18800] =	vst v63  }
0x24e: {  	v3 =	vld [tilespmem:$0x590];
	_ =	sdelay $0x4  }
0x24f: {  	v55 =	vshll.u32 v3, $0x3  }
0x250: {  	v3 =	vand.u32 $0x7, v3;
	v4 =	vand.u32 $0xFFFFFFC0, v55  }
0x251: {  	v3 =	vor.u32 v3, v4  }
0x252: {  	v4 =	vperm.xlane v3, v0;
	_ =	sdelay $0x1  }
0x253: {  	v4 =	vadd.s32 v1, v4;
	_ =	sdelay $0x3  }
0x254: {  	s28 =	simm.s32 $0x14800  }
0x255: {  	[tilespmem:s28], [sflag:$0x3] =	stream.indirect_vreg.gather [hbm4b:s2+s3], $0x80, v4, vm0, $0xb8;
	[tilespmem:$0x18800] =	vst v63  }
0x256: {  	v3 =	vperm.xlane v3, v2  }
0x257: {  	[tilespmem:s14], [sflag:$0x3] =	stream.indirect_vreg.gather [hbm4b:s5+s3], $0x80, v4, vm0, $0xb8;
	[tilespmem:$0x18800] =	vst v63  }
0x258: {  	v3 =	vadd.s32 v1, v3;
	s28 =	simm.s32 $0x15800  }
0x259: {  	[tilespmem:s28], [sflag:$0x3] =	stream.indirect_vreg.gather [hbm4b:s6+s3], $0x80, v4, vm0, $0xb8;
	[tilespmem:$0x18800] =	vst v63  }
0x25a: {  	s28 =	simm.s32 $0x16000  }
0x25b: {  	[tilespmem:s28], [sflag:$0x3] =	stream.indirect_vreg.gather [hbm4b:s7+s3], $0x80, v4, vm0, $0xb8;
	[tilespmem:$0x18800] =	vst v63  }
0x25c: {  	s28 =	simm.s32 $0x16800  }
0x25d: {  	[tilespmem:s28], [sflag:$0x3] =	stream.indirect_vreg.gather [hbm4b:s2+s3], $0x80, v3, vm0, $0xb8;
	[tilespmem:$0x18800] =	vst v63  }
0x25e: {  	_ = 	snop  }
0x25f: {  	[tilespmem:s11], [sflag:$0x3] =	stream.indirect_vreg.gather [hbm4b:s5+s3], $0x80, v3, vm0, $0xb8;
	[tilespmem:$0x18800] =	vst v63  }
0x260: {  	s28 =	simm.s32 $0x17800  }
0x261: {  	[tilespmem:s28], [sflag:$0x3] =	stream.indirect_vreg.gather [hbm4b:s6+s3], $0x80, v3, vm0, $0xb8;
	[tilespmem:$0x18800] =	vst v63  }
0x262: {  	_ = 	snop  }
0x263: {  	[tilespmem:s15], [sflag:$0x3] =	stream.indirect_vreg.gather [hbm4b:s7+s3], $0x80, v3, vm0, $0xb8;
	[tilespmem:$0x18800] =	vst v63  }
0x264: {  	_ =	swait.ge [sflag:s29], $0x8000  }
0x265: {  	[sflag:s29] =	ssyncset.done $0x0  }
0x266: {  	s8 =	simm.s32 $0x800;
	s15 =	rddreg [dreg:$0xd];
	[sflag:s29] =	ssyncadd.s32 $0xFFFF8000  }
0x267: {  	[hbm4b:s15+s3] =	stream.linear.scatter [tilespmem:s8], [sflag:$0x4], $0x8000, $0x38;
	[tilespmem:$0x18800] =	vst v63  }
0x268: {  	_ =	swait.ge [sflag:s30], $0x8000  }
0x269: {  	[sflag:s30] =	ssyncset.done $0x0  }
0x26a: {  	[sflag:s30] =	ssyncadd.s32 $0xFFFF8000  }
0x26b: {  	v3 =	vld [tilespmem:$0x600];
	_ =	sdelay $0x4  }
0x26c: {  	v56 =	vshll.u32 v3, $0x3  }
0x26d: {  	v3 =	vand.u32 $0x7, v3;
	v4 =	vand.u32 $0xFFFFFFC0, v56  }
0x26e: {  	v3 =	vor.u32 v3, v4  }
0x26f: {  	v4 =	vperm.xlane v3, v0;
	_ =	sdelay $0x1  }
0x270: {  	v4 =	vadd.s32 v1, v4;
	_ =	sdelay $0x4  }
0x271: {  	[tilespmem:s8], [sflag:$0x1] =	stream.indirect_vreg.gather [hbm4b:s2+s3], $0x80, v4, vm0, $0xb8;
	[tilespmem:$0x18800] =	vst v63  }
0x272: {  	s28 =	simm.s32 $0x1000;
	v3 =	vperm.xlane v3, v2  }
0x273: {  	[tilespmem:s28], [sflag:$0x1] =	stream.indirect_vreg.gather [hbm4b:s5+s3], $0x80, v4, vm0, $0xb8;
	[tilespmem:$0x18800] =	vst v63  }
0x274: {  	v3 =	vadd.s32 v1, v3  }
0x275: {  	[tilespmem:s21], [sflag:$0x1] =	stream.indirect_vreg.gather [hbm4b:s6+s3], $0x80, v4, vm0, $0xb8;
	[tilespmem:$0x18800] =	vst v63  }
0x276: {  	_ = 	snop  }
0x277: {  	[tilespmem:s22], [sflag:$0x1] =	stream.indirect_vreg.gather [hbm4b:s7+s3], $0x80, v4, vm0, $0xb8;
	[tilespmem:$0x18800] =	vst v63  }
0x278: {  	_ = 	snop  }
0x279: {  	[tilespmem:s23], [sflag:$0x1] =	stream.indirect_vreg.gather [hbm4b:s2+s3], $0x80, v3, vm0, $0xb8;
	[tilespmem:$0x18800] =	vst v63  }
0x27a: {  	_ = 	snop  }
0x27b: {  	[tilespmem:s24], [sflag:$0x1] =	stream.indirect_vreg.gather [hbm4b:s5+s3], $0x80, v3, vm0, $0xb8;
	[tilespmem:$0x18800] =	vst v63  }
0x27c: {  	_ = 	snop  }
0x27d: {  	[tilespmem:s25], [sflag:$0x1] =	stream.indirect_vreg.gather [hbm4b:s6+s3], $0x80, v3, vm0, $0xb8;
	[tilespmem:$0x18800] =	vst v63  }
0x27e: {  	s8 =	simm.s32 $0x4000  }
0x27f: {  	[tilespmem:s8], [sflag:$0x1] =	stream.indirect_vreg.gather [hbm4b:s7+s3], $0x80, v3, vm0, $0xb8;
	[tilespmem:$0x18800] =	vst v63  }
0x280: {  	v3 =	vld [tilespmem:$0x610];
	_ =	sdelay $0x4  }
0x281: {  	v57 =	vshll.u32 v3, $0x3  }
0x282: {  	v3 =	vand.u32 $0x7, v3;
	v4 =	vand.u32 $0xFFFFFFC0, v57  }
0x283: {  	v3 =	vor.u32 v3, v4  }
0x284: {  	v4 =	vperm.xlane v3, v0;
	_ =	sdelay $0x1  }
0x285: {  	v4 =	vadd.s32 v1, v4;
	_ =	sdelay $0x3  }
0x286: {  	s28 =	simm.s32 $0x4800  }
0x287: {  	[tilespmem:s28], [sflag:$0x1] =	stream.indirect_vreg.gather [hbm4b:s2+s3], $0x80, v4, vm0, $0xb8;
	[tilespmem:$0x18800] =	vst v63  }
0x288: {  	s8 =	simm.s32 $0x5000;
	v3 =	vperm.xlane v3, v2  }
0x289: {  	[tilespmem:s8], [sflag:$0x1] =	stream.indirect_vreg.gather [hbm4b:s5+s3], $0x80, v4, vm0, $0xb8;
	[tilespmem:$0x18800] =	vst v63  }
0x28a: {  	v3 =	vadd.s32 v1, v3;
	s28 =	simm.s32 $0x5800  }
0x28b: {  	[tilespmem:s28], [sflag:$0x1] =	stream.indirect_vreg.gather [hbm4b:s6+s3], $0x80, v4, vm0, $0xb8;
	[tilespmem:$0x18800] =	vst v63  }
0x28c: {  	s8 =	simm.s32 $0x6000  }
0x28d: {  	[tilespmem:s8], [sflag:$0x1] =	stream.indirect_vreg.gather [hbm4b:s7+s3], $0x80, v4, vm0, $0xb8;
	[tilespmem:$0x18800] =	vst v63  }
0x28e: {  	s8 =	simm.s32 $0x6800  }
0x28f: {  	[tilespmem:s8], [sflag:$0x1] =	stream.indirect_vreg.gather [hbm4b:s2+s3], $0x80, v3, vm0, $0xb8;
	[tilespmem:$0x18800] =	vst v63  }
0x290: {  	s8 =	simm.s32 $0x7000  }
0x291: {  	[tilespmem:s8], [sflag:$0x1] =	stream.indirect_vreg.gather [hbm4b:s5+s3], $0x80, v3, vm0, $0xb8;
	[tilespmem:$0x18800] =	vst v63  }
0x292: {  	s8 =	simm.s32 $0x7800  }
0x293: {  	[tilespmem:s8], [sflag:$0x1] =	stream.indirect_vreg.gather [hbm4b:s6+s3], $0x80, v3, vm0, $0xb8;
	[tilespmem:$0x18800] =	vst v63  }
0x294: {  	s8 =	simm.s32 $0x8000  }
0x295: {  	[tilespmem:s8], [sflag:$0x1] =	stream.indirect_vreg.gather [hbm4b:s7+s3], $0x80, v3, vm0, $0xb8;
	[tilespmem:$0x18800] =	vst v63  }
0x296: {  	_ =	swait.ge [sflag:s10], $0x8000  }
0x297: {  	[sflag:s10] =	ssyncset.done $0x0  }
0x298: {  	s8 =	simm.s32 $0x8800;
	s28 =	rddreg [dreg:$0xe];
	[sflag:s10] =	ssyncadd.s32 $0xFFFF8000  }
0x299: {  	[hbm4b:s28+s3] =	stream.linear.scatter [tilespmem:s8], [sflag:$0x5], $0x8000, $0x38;
	[tilespmem:$0x18800] =	vst v63  }
0x29a: {  	_ =	swait.ge [sflag:s1], $0x8000  }
0x29b: {  	[sflag:s1] =	ssyncset.done $0x0  }
0x29c: {  	[sflag:s1] =	ssyncadd.s32 $0xFFFF8000  }
0x29d: {  	v3 =	vld [tilespmem:$0x680];
	_ =	sdelay $0x4  }
0x29e: {  	v58 =	vshll.u32 v3, $0x3  }
0x29f: {  	v3 =	vand.u32 $0x7, v3;
	v4 =	vand.u32 $0xFFFFFFC0, v58  }
0x2a0: {  	v3 =	vor.u32 v3, v4  }
0x2a1: {  	v4 =	vperm.xlane v3, v0;
	_ =	sdelay $0x1  }
0x2a2: {  	v4 =	vadd.s32 v1, v4;
	_ =	sdelay $0x4  }
0x2a3: {  	[tilespmem:s8], [sflag:$0x2] =	stream.indirect_vreg.gather [hbm4b:s2+s3], $0x80, v4, vm0, $0xb8;
	[tilespmem:$0x18800] =	vst v63  }
0x2a4: {  	s31 =	simm.s32 $0x9000;
	v3 =	vperm.xlane v3, v2  }
0x2a5: {  	[tilespmem:s31], [sflag:$0x2] =	stream.indirect_vreg.gather [hbm4b:s5+s3], $0x80, v4, vm0, $0xb8;
	[tilespmem:$0x18800] =	vst v63  }
0x2a6: {  	v3 =	vadd.s32 v1, v3;
	s31 =	simm.s32 $0x9800  }
0x2a7: {  	[tilespmem:s31], [sflag:$0x2] =	stream.indirect_vreg.gather [hbm4b:s6+s3], $0x80, v4, vm0, $0xb8;
	[tilespmem:$0x18800] =	vst v63  }
0x2a8: {  	s31 =	simm.s32 $0xA000  }
0x2a9: {  	[tilespmem:s31], [sflag:$0x2] =	stream.indirect_vreg.gather [hbm4b:s7+s3], $0x80, v4, vm0, $0xb8;
	[tilespmem:$0x18800] =	vst v63  }
0x2aa: {  	s31 =	simm.s32 $0xA800  }
0x2ab: {  	[tilespmem:s31], [sflag:$0x2] =	stream.indirect_vreg.gather [hbm4b:s2+s3], $0x80, v3, vm0, $0xb8;
	[tilespmem:$0x18800] =	vst v63  }
0x2ac: {  	s31 =	simm.s32 $0xB000  }
0x2ad: {  	[tilespmem:s31], [sflag:$0x2] =	stream.indirect_vreg.gather [hbm4b:s5+s3], $0x80, v3, vm0, $0xb8;
	[tilespmem:$0x18800] =	vst v63  }
0x2ae: {  	s31 =	simm.s32 $0xB800  }
0x2af: {  	[tilespmem:s31], [sflag:$0x2] =	stream.indirect_vreg.gather [hbm4b:s6+s3], $0x80, v3, vm0, $0xb8;
	[tilespmem:$0x18800] =	vst v63  }
0x2b0: {  	s31 =	simm.s32 $0xC000  }
0x2b1: {  	[tilespmem:s31], [sflag:$0x2] =	stream.indirect_vreg.gather [hbm4b:s7+s3], $0x80, v3, vm0, $0xb8;
	[tilespmem:$0x18800] =	vst v63  }
0x2b2: {  	v3 =	vld [tilespmem:$0x690];
	_ =	sdelay $0x4  }
0x2b3: {  	v59 =	vshll.u32 v3, $0x3  }
0x2b4: {  	v3 =	vand.u32 $0x7, v3;
	v4 =	vand.u32 $0xFFFFFFC0, v59  }
0x2b5: {  	v3 =	vor.u32 v3, v4  }
0x2b6: {  	v4 =	vperm.xlane v3, v0;
	_ =	sdelay $0x1  }
0x2b7: {  	v4 =	vadd.s32 v1, v4;
	_ =	sdelay $0x3  }
0x2b8: {  	s31 =	simm.s32 $0xC800  }
0x2b9: {  	[tilespmem:s31], [sflag:$0x2] =	stream.indirect_vreg.gather [hbm4b:s2+s3], $0x80, v4, vm0, $0xb8;
	[tilespmem:$0x18800] =	vst v63  }
0x2ba: {  	v3 =	vperm.xlane v3, v2;
	s31 =	simm.s32 $0xD000  }
0x2bb: {  	[tilespmem:s31], [sflag:$0x2] =	stream.indirect_vreg.gather [hbm4b:s5+s3], $0x80, v4, vm0, $0xb8;
	[tilespmem:$0x18800] =	vst v63  }
0x2bc: {  	s17 =	simm.s32 $0xD800;
	v3 =	vadd.s32 v1, v3  }
0x2bd: {  	[tilespmem:s17], [sflag:$0x2] =	stream.indirect_vreg.gather [hbm4b:s6+s3], $0x80, v4, vm0, $0xb8;
	[tilespmem:$0x18800] =	vst v63  }
0x2be: {  	s18 =	simm.s32 $0xE000  }
0x2bf: {  	[tilespmem:s18], [sflag:$0x2] =	stream.indirect_vreg.gather [hbm4b:s7+s3], $0x80, v4, vm0, $0xb8;
	[tilespmem:$0x18800] =	vst v63  }
0x2c0: {  	s19 =	simm.s32 $0xE800  }
0x2c1: {  	[tilespmem:s19], [sflag:$0x2] =	stream.indirect_vreg.gather [hbm4b:s2+s3], $0x80, v3, vm0, $0xb8;
	[tilespmem:$0x18800] =	vst v63  }
0x2c2: {  	s20 =	simm.s32 $0xF000  }
0x2c3: {  	[tilespmem:s20], [sflag:$0x2] =	stream.indirect_vreg.gather [hbm4b:s5+s3], $0x80, v3, vm0, $0xb8;
	[tilespmem:$0x18800] =	vst v63  }
0x2c4: {  	s26 =	simm.s32 $0xF800  }
0x2c5: {  	[tilespmem:s26], [sflag:$0x2] =	stream.indirect_vreg.gather [hbm4b:s6+s3], $0x80, v3, vm0, $0xb8;
	[tilespmem:$0x18800] =	vst v63  }
0x2c6: {  	s20 =	simm.s32 $0x10000  }
0x2c7: {  	[tilespmem:s20], [sflag:$0x2] =	stream.indirect_vreg.gather [hbm4b:s7+s3], $0x80, v3, vm0, $0xb8;
	[tilespmem:$0x18800] =	vst v63  }
0x2c8: {  	_ =	swait.ge [sflag:s0], $0x8000  }
0x2c9: {  	[sflag:s0] =	ssyncset.done $0x0  }
0x2ca: {  	s16 =	simm.s32 $0x10800;
	s26 =	rddreg [dreg:$0xf];
	[sflag:s0] =	ssyncadd.s32 $0xFFFF8000  }
0x2cb: {  	[hbm4b:s26+s3] =	stream.linear.scatter [tilespmem:s16], [sflag:$0x6], $0x8000, $0x38;
	[tilespmem:$0x18800] =	vst v63  }
0x2cc: {  	_ =	swait.ge [sflag:s4], $0x8000  }
0x2cd: {  	[sflag:s4] =	ssyncset.done $0x0  }
0x2ce: {  	[sflag:s4] =	ssyncadd.s32 $0xFFFF8000  }
0x2cf: {  	v3 =	vld [tilespmem:$0x700];
	_ =	sdelay $0x4  }
0x2d0: {  	v60 =	vshll.u32 v3, $0x3  }
0x2d1: {  	v3 =	vand.u32 $0x7, v3;
	v4 =	vand.u32 $0xFFFFFFC0, v60  }
0x2d2: {  	v3 =	vor.u32 v3, v4  }
0x2d3: {  	v4 =	vperm.xlane v3, v0;
	_ =	sdelay $0x1  }
0x2d4: {  	v4 =	vadd.s32 v1, v4;
	_ =	sdelay $0x4  }
0x2d5: {  	[tilespmem:s16], [sflag:$0x3] =	stream.indirect_vreg.gather [hbm4b:s2+s3], $0x80, v4, vm0, $0xb8;
	[tilespmem:$0x18800] =	vst v63  }
0x2d6: {  	s28 =	simm.s32 $0x11000;
	v3 =	vperm.xlane v3, v2  }
0x2d7: {  	[tilespmem:s28], [sflag:$0x3] =	stream.indirect_vreg.gather [hbm4b:s5+s3], $0x80, v4, vm0, $0xb8;
	[tilespmem:$0x18800] =	vst v63  }
0x2d8: {  	v3 =	vadd.s32 v1, v3  }
0x2d9: {  	[tilespmem:s13], [sflag:$0x3] =	stream.indirect_vreg.gather [hbm4b:s6+s3], $0x80, v4, vm0, $0xb8;
	[tilespmem:$0x18800] =	vst v63  }
0x2da: {  	_ = 	snop  }
0x2db: {  	[tilespmem:s9], [sflag:$0x3] =	stream.indirect_vreg.gather [hbm4b:s7+s3], $0x80, v4, vm0, $0xb8;
	[tilespmem:$0x18800] =	vst v63  }
0x2dc: {  	s31 =	simm.s32 $0x12800  }
0x2dd: {  	[tilespmem:s31], [sflag:$0x3] =	stream.indirect_vreg.gather [hbm4b:s2+s3], $0x80, v3, vm0, $0xb8;
	[tilespmem:$0x18800] =	vst v63  }
0x2de: {  	s13 =	simm.s32 $0x13000  }
0x2df: {  	[tilespmem:s13], [sflag:$0x3] =	stream.indirect_vreg.gather [hbm4b:s5+s3], $0x80, v3, vm0, $0xb8;
	[tilespmem:$0x18800] =	vst v63  }
0x2e0: {  	s17 =	simm.s32 $0x13800  }
0x2e1: {  	[tilespmem:s17], [sflag:$0x3] =	stream.indirect_vreg.gather [hbm4b:s6+s3], $0x80, v3, vm0, $0xb8;
	[tilespmem:$0x18800] =	vst v63  }
0x2e2: {  	s18 =	simm.s32 $0x14000  }
0x2e3: {  	[tilespmem:s18], [sflag:$0x3] =	stream.indirect_vreg.gather [hbm4b:s7+s3], $0x80, v3, vm0, $0xb8;
	[tilespmem:$0x18800] =	vst v63  }
0x2e4: {  	v3 =	vld [tilespmem:$0x710];
	_ =	sdelay $0x4  }
0x2e5: {  	v61 =	vshll.u32 v3, $0x3  }
0x2e6: {  	v3 =	vand.u32 $0x7, v3;
	v4 =	vand.u32 $0xFFFFFFC0, v61  }
0x2e7: {  	v3 =	vor.u32 v3, v4  }
0x2e8: {  	v4 =	vperm.xlane v3, v0;
	_ =	sdelay $0x1  }
0x2e9: {  	v4 =	vadd.s32 v1, v4;
	_ =	sdelay $0x3  }
0x2ea: {  	s12 =	simm.s32 $0x14800  }
0x2eb: {  	[tilespmem:s12], [sflag:$0x3] =	stream.indirect_vreg.gather [hbm4b:s2+s3], $0x80, v4, vm0, $0xb8;
	[tilespmem:$0x18800] =	vst v63  }
0x2ec: {  	s14 =	simm.s32 $0x15000;
	v3 =	vperm.xlane v3, v2  }
0x2ed: {  	[tilespmem:s14], [sflag:$0x3] =	stream.indirect_vreg.gather [hbm4b:s5+s3], $0x80, v4, vm0, $0xb8;
	[tilespmem:$0x18800] =	vst v63  }
0x2ee: {  	s19 =	simm.s32 $0x15800;
	v3 =	vadd.s32 v1, v3  }
0x2ef: {  	[tilespmem:s19], [sflag:$0x3] =	stream.indirect_vreg.gather [hbm4b:s6+s3], $0x80, v4, vm0, $0xb8;
	[tilespmem:$0x18800] =	vst v63  }
0x2f0: {  	s20 =	simm.s32 $0x16000  }
0x2f1: {  	[tilespmem:s20], [sflag:$0x3] =	stream.indirect_vreg.gather [hbm4b:s7+s3], $0x80, v4, vm0, $0xb8;
	[tilespmem:$0x18800] =	vst v63  }
0x2f2: {  	s26 =	simm.s32 $0x16800  }
0x2f3: {  	[tilespmem:s26], [sflag:$0x3] =	stream.indirect_vreg.gather [hbm4b:s2+s3], $0x80, v3, vm0, $0xb8;
	[tilespmem:$0x18800] =	vst v63  }
0x2f4: {  	s11 =	simm.s32 $0x17000  }
0x2f5: {  	[tilespmem:s11], [sflag:$0x3] =	stream.indirect_vreg.gather [hbm4b:s5+s3], $0x80, v3, vm0, $0xb8;
	[tilespmem:$0x18800] =	vst v63  }
0x2f6: {  	s28 =	simm.s32 $0x17800  }
0x2f7: {  	[tilespmem:s28], [sflag:$0x3] =	stream.indirect_vreg.gather [hbm4b:s6+s3], $0x80, v3, vm0, $0xb8;
	[tilespmem:$0x18800] =	vst v63  }
0x2f8: {  	s31 =	simm.s32 $0x18000  }
0x2f9: {  	[tilespmem:s31], [sflag:$0x3] =	stream.indirect_vreg.gather [hbm4b:s7+s3], $0x80, v3, vm0, $0xb8;
	[tilespmem:$0x18800] =	vst v63  }
0x2fa: {  	_ =	swait.ge [sflag:s29], $0x8000  }
0x2fb: {  	[sflag:s29] =	ssyncset.done $0x0  }
0x2fc: {  	s12 =	simm.s32 $0x800;
	s11 =	rddreg [dreg:$0x10];
	[sflag:s29] =	ssyncadd.s32 $0xFFFF8000  }
0x2fd: {  	[hbm4b:s11+s3] =	stream.linear.scatter [tilespmem:s12], [sflag:$0x4], $0x8000, $0x38;
	[tilespmem:$0x18800] =	vst v63  }
0x2fe: {  	_ =	swait.ge [sflag:s30], $0x8000  }
0x2ff: {  	[sflag:s30] =	ssyncset.done $0x0  }
0x300: {  	[sflag:s30] =	ssyncadd.s32 $0xFFFF8000  }
0x301: {  	v3 =	vld [tilespmem:$0x780];
	_ =	sdelay $0x4  }
0x302: {  	v62 =	vshll.u32 v3, $0x3  }
0x303: {  	v3 =	vand.u32 $0x7, v3;
	v4 =	vand.u32 $0xFFFFFFC0, v62  }
0x304: {  	v3 =	vor.u32 v3, v4  }
0x305: {  	v4 =	vperm.xlane v3, v0;
	_ =	sdelay $0x1  }
0x306: {  	v4 =	vadd.s32 v1, v4;
	_ =	sdelay $0x4  }
0x307: {  	[tilespmem:s12], [sflag:$0x1] =	stream.indirect_vreg.gather [hbm4b:s2+s3], $0x80, v4, vm0, $0xb8;
	[tilespmem:$0x18800] =	vst v63  }
0x308: {  	s14 =	simm.s32 $0x1000;
	v3 =	vperm.xlane v3, v2  }
0x309: {  	[tilespmem:s14], [sflag:$0x1] =	stream.indirect_vreg.gather [hbm4b:s5+s3], $0x80, v4, vm0, $0xb8;
	[tilespmem:$0x18800] =	vst v63  }
0x30a: {  	s15 =	simm.s32 $0x1800;
	v3 =	vadd.s32 v1, v3  }
0x30b: {  	[tilespmem:s15], [sflag:$0x1] =	stream.indirect_vreg.gather [hbm4b:s6+s3], $0x80, v4, vm0, $0xb8;
	[tilespmem:$0x18800] =	vst v63  }
0x30c: {  	s21 =	simm.s32 $0x2000  }
0x30d: {  	[tilespmem:s21], [sflag:$0x1] =	stream.indirect_vreg.gather [hbm4b:s7+s3], $0x80, v4, vm0, $0xb8;
	[tilespmem:$0x18800] =	vst v63  }
0x30e: {  	s22 =	simm.s32 $0x2800  }
0x30f: {  	[tilespmem:s22], [sflag:$0x1] =	stream.indirect_vreg.gather [hbm4b:s2+s3], $0x80, v3, vm0, $0xb8;
	[tilespmem:$0x18800] =	vst v63  }
0x310: {  	s23 =	simm.s32 $0x3000  }
0x311: {  	[tilespmem:s23], [sflag:$0x1] =	stream.indirect_vreg.gather [hbm4b:s5+s3], $0x80, v3, vm0, $0xb8;
	[tilespmem:$0x18800] =	vst v63  }
0x312: {  	s24 =	simm.s32 $0x3800  }
0x313: {  	[tilespmem:s24], [sflag:$0x1] =	stream.indirect_vreg.gather [hbm4b:s6+s3], $0x80, v3, vm0, $0xb8;
	[tilespmem:$0x18800] =	vst v63  }
0x314: {  	s15 =	simm.s32 $0x4000  }
0x315: {  	[tilespmem:s15], [sflag:$0x1] =	stream.indirect_vreg.gather [hbm4b:s7+s3], $0x80, v3, vm0, $0xb8;
	[tilespmem:$0x18800] =	vst v63  }
0x316: {  	v3 =	vld [tilespmem:$0x790];
	_ =	sdelay $0x4  }
0x317: {  	v63 =	vshll.u32 v3, $0x3  }
0x318: {  	v3 =	vand.u32 $0x7, v3;
	v4 =	vand.u32 $0xFFFFFFC0, v63  }
0x319: {  	v3 =	vor.u32 v3, v4  }
0x31a: {  	v4 =	vperm.xlane v3, v0;
	_ =	sdelay $0x1  }
0x31b: {  	v4 =	vadd.s32 v1, v4;
	_ =	sdelay $0x3  }
0x31c: {  	s17 =	simm.s32 $0x4800  }
0x31d: {  	[tilespmem:s17], [sflag:$0x1] =	stream.indirect_vreg.gather [hbm4b:s2+s3], $0x80, v4, vm0, $0xb8;
	[tilespmem:$0x18800] =	vst v63  }
0x31e: {  	s18 =	simm.s32 $0x5000;
	v3 =	vperm.xlane v3, v2  }
0x31f: {  	[tilespmem:s18], [sflag:$0x1] =	stream.indirect_vreg.gather [hbm4b:s5+s3], $0x80, v4, vm0, $0xb8;
	[tilespmem:$0x18800] =	vst v63  }
0x320: {  	s25 =	simm.s32 $0x5800;
	v3 =	vadd.s32 v1, v3  }
0x321: {  	[tilespmem:s25], [sflag:$0x1] =	stream.indirect_vreg.gather [hbm4b:s6+s3], $0x80, v4, vm0, $0xb8;
	[tilespmem:$0x18800] =	vst v63  }
0x322: {  	s19 =	simm.s32 $0x6000  }
0x323: {  	[tilespmem:s19], [sflag:$0x1] =	stream.indirect_vreg.gather [hbm4b:s7+s3], $0x80, v4, vm0, $0xb8;
	[tilespmem:$0x18800] =	vst v63  }
0x324: {  	s20 =	simm.s32 $0x6800  }
0x325: {  	[tilespmem:s20], [sflag:$0x1] =	stream.indirect_vreg.gather [hbm4b:s2+s3], $0x80, v3, vm0, $0xb8;
	[tilespmem:$0x18800] =	vst v63  }
0x326: {  	s21 =	simm.s32 $0x7000  }
0x327: {  	[tilespmem:s21], [sflag:$0x1] =	stream.indirect_vreg.gather [hbm4b:s5+s3], $0x80, v3, vm0, $0xb8;
	[tilespmem:$0x18800] =	vst v63  }
0x328: {  	s22 =	simm.s32 $0x7800  }
0x329: {  	[tilespmem:s22], [sflag:$0x1] =	stream.indirect_vreg.gather [hbm4b:s6+s3], $0x80, v3, vm0, $0xb8;
	[tilespmem:$0x18800] =	vst v63  }
0x32a: {  	s23 =	simm.s32 $0x8000  }
0x32b: {  	[tilespmem:s23], [sflag:$0x1] =	stream.indirect_vreg.gather [hbm4b:s7+s3], $0x80, v3, vm0, $0xb8;
	[tilespmem:$0x18800] =	vst v63  }
0x32c: {  	_ =	swait.ge [sflag:s10], $0x8000  }
0x32d: {  	[sflag:s10] =	ssyncset.done $0x0  }
0x32e: {  	s8 =	simm.s32 $0x8800;
	s24 =	rddreg [dreg:$0x11];
	[sflag:s10] =	ssyncadd.s32 $0xFFFF8000  }
0x32f: {  	[hbm4b:s24+s3] =	stream.linear.scatter [tilespmem:s8], [sflag:$0x5], $0x8000, $0x38;
	[tilespmem:$0x18800] =	vst v63  }
0x330: {  	_ =	swait.ge [sflag:s0], $0x8000  }
0x331: {  	[sflag:s0] =	ssyncset.done $0x0  }
0x332: {  	s25 =	rddreg [dreg:$0x12];
	[sflag:s0] =	ssyncadd.s32 $0xFFFF8000  }
0x333: {  	[hbm4b:s25+s3] =	stream.linear.scatter [tilespmem:s16], [sflag:$0x6], $0x8000, $0x38;
	[tilespmem:$0x18800] =	vst v63  }
0x334: {  	_ =	swait.ge [sflag:s29], $0x8000  }
0x335: {  	[sflag:s29] =	ssyncset.done $0x0  }
0x336: {  	s13 =	simm.s32 $0x800;
	s26 =	rddreg [dreg:$0x13];
	[sflag:s29] =	ssyncadd.s32 $0xFFFF8000  }
0x337: {  	[hbm4b:s26+s3] =	stream.linear.scatter [tilespmem:s13], [sflag:$0x4], $0x8000, $0x38;
	[tilespmem:$0x18800] =	vst v63  }
0x338: {  	s31 =	rddreg [dreg:$0x15];
	_ =	swait.ge [sflag:s1], $0x8000  }
0x339: {  	[sflag:s1] =	ssyncset.done $0x0  }
0x33a: {  	[sflag:s1] =	ssyncadd.s32 $0xFFFF8000  }
0x33b: {  	p0 =	sne.s32 s31, $0x1;
	_ =	swait.ge [sflag:s4], $0x8000  }
.Ltmp0:
0x33c: {  	[sflag:s4] =	ssyncset.done $0x0;
	(pc) =	sbr.rel @p0 .LBB2_1-.Ltmp0, $4  }
0x33d: {  	[sflag:s4] =	ssyncadd.s32 $0xFFFF8000  }
0x33e: {  	_ =	swait.ge [sflag:s30], $0x8000  }
0x33f: {  	[sflag:s30] =	ssyncset.done $0x0  }
0x340: {  	s8 =	sadd.s32 $0xFFFFFFFF, s31;
	[sflag:s30] =	ssyncadd.s32 $0xFFFF8000  }
0x341: {  	_ =	sfence.sel $0x180000  }
0x342: {  	[bflag:$0x0] =	sbarrier.arrive $0xFFFF  }
0x343: {  	_ =	strace $0x90000047  }
0x344: {  	s0 =	stileid.u32;
	[bflag:$0x2] =	sbarrier.arrive $0xFFFF  }
0x345: {  	p0 =	sne.s32 s0, $0x0;
	s0 =	rddreg [dreg:$0x3]  }
0x346: {  	s0 =	sadd.s32 @!p0 $0x100000, s0  }
0x347: {  	[sflag:s0] =	ssyncadd.tile.s32 @!p0 $0x1;
	_ =	shalt  }
.Lfunc_end2:
_tile_overlayer_lowered:
.L_overlay_start_2:
0x348: {  	(tag) =	ssettag $0x2  }
0x349: {  	s0 =	rddreg [dreg:$0x0];
	s2 =	stileid.u32  }
0x34a: {  	s1 =	rddreg [dreg:$0x1];
	p0 =	sne.s32 s2, $0x0  }
0x34b: {  	s3 =	rddreg [dreg:$0x2];
	[bflag:$0x3] =	sbarrier.arrive $0xFFFF;
	s2 =	simm.s32 @!p0 $0x1C07  }
0x34c: {  	[timem:s3], [sflag:s2] =	dma.local @!p0 [hbm:s0], s1  }
0x34d: {  	s0 =	simm.s32 @!p0 $0x7  }
0x34e: {  	_ =	swait.ge @!p0 [sflag:s0], s1  }
0x34f: {  	s1 =	ssub.s32 @!p0 $0x0, s1;
	[sflag:s0] =	ssyncset.done @!p0 $0x0  }
0x350: {  	[sflag:s0] =	ssyncadd.s32 @!p0 s1  }
0x351: {  	[bflag:$0x3] =	sbarrier.arrive $0xFFFF  }
0x352: {  	_ =	shalt  }

</sc_bundles>
